<compile_context>
chip_gen: v7x
topology: tpu7x:2x2x1
jax: 0.10.2.dev20260603
libtpu: 0.0.44.dev20260713+nightly
codegen_flags: <defaults>
</compile_context>

<pallas_src>
import functools

import jax
import jax.numpy as jnp
from jax import lax
from jax.experimental import pallas as pl
from jax.experimental.pallas import tpu as pltpu
from jax.experimental.pallas import tpu_sc as plsc

B, C, Hf, Wf = 4, 128, 256, 256
N = 4096
WWIN = 5
P = WWIN * WWIN
PPAD = 32
GRID = 64
NW = 32
NBT = N // NW
MCH = 8
NCH = NBT // MCH
CK = C // 16


_HB = 8


def _prep_body(f0_ref, f1_ref, w_ref, f0p_ref, f1t_ref):
    x1 = f1_ref[0].reshape(C, _HB * Wf)
    f1t_ref[...] = x1.T
    w = w_ref[...]
    m = lax.dot_general(w, w, (((0,), (0,)), ((), ())),
                        preferred_element_type=jnp.float32)
    x0 = f0_ref[0]
    ix = lax.broadcasted_iota(jnp.int32, (Wf, GRID), 0)
    ik = lax.broadcasted_iota(jnp.int32, (Wf, GRID), 1)
    s = (ix == 4 * ik).astype(jnp.float32)
    t0 = lax.dot_general(s, x0[:, 0, :], (((0,), (1,)), ((), ())),
                         preferred_element_type=jnp.float32)
    t1 = lax.dot_general(s, x0[:, 4, :], (((0,), (1,)), ((), ())),
                         preferred_element_type=jnp.float32)
    t = jnp.concatenate([t0, t1], axis=0)
    f0p_ref[...] = jnp.dot(t, m, preferred_element_type=jnp.float32)


def _prep(f0, f1, w):
    return pl.pallas_call(
        _prep_body,
        grid=(B, Hf // _HB),
        in_specs=[
            pl.BlockSpec((1, C, _HB, Wf), lambda b, j: (b, 0, j, 0)),
            pl.BlockSpec((1, C, _HB, Wf), lambda b, j: (b, 0, j, 0)),
            pl.BlockSpec((C, C), lambda b, j: (0, 0)),
        ],
        out_specs=[
            pl.BlockSpec((2 * GRID, C), lambda b, j: (b * (Hf // _HB) + j, 0)),
            pl.BlockSpec((_HB * Wf, C), lambda b, j: (b * (Hf // _HB) + j, 0)),
        ],
        out_shape=[jax.ShapeDtypeStruct((B * GRID * GRID, C), jnp.float32),
                   jax.ShapeDtypeStruct((B * Hf * Wf, C), jnp.float32)],
    )(f0, f1, w)


_GDN = lax.GatherDimensionNumbers(offset_dims=(), collapsed_slice_dims=(0,),
                                  start_index_map=(0,))


def _rot16(v, r):
    idx = (lax.iota(jnp.int32, 16) + r) & 15
    return lax.gather(v, idx[:, None], _GDN, (1,),
                      mode=lax.GatherScatterMode.PROMISE_IN_BOUNDS)


def _sc_corr_body(f0p, f1t, qidx, widx, corr_out,
                  qidx_v, widx_v, qm_buf, wbuf, corr_buf, sem):
    wid = lax.axis_index("s") * 2 + lax.axis_index("c")
    base = wid * NBT
    pltpu.sync_copy(qidx.at[pl.ds(base, NBT)], qidx_v)
    pltpu.async_copy(f0p.at[qidx_v], qm_buf, sem).wait()
    pltpu.sync_copy(widx.at[pl.ds(base * P, NBT * P)], widx_v)
    li16 = lax.iota(jnp.int32, 16)

    def chunk(c, _):
        off = c * (MCH * P)
        cp0 = pltpu.async_copy(f1t.at[widx_v.at[pl.ds(off, 104)]],
                               wbuf.at[pl.ds(0, 104)], sem)
        cp1 = pltpu.async_copy(f1t.at[widx_v.at[pl.ds(off + 104, 96)]],
                               wbuf.at[pl.ds(104, 96)], sem)
        cp0.wait()
        cp1.wait()

        def dot_one(ni, _):
            n = c * MCH + ni
            q = [qm_buf[n, pl.ds(16 * k, 16)] for k in range(CK)]
            acc0 = jnp.zeros((16,), jnp.float32)
            acc1 = jnp.zeros((16,), jnp.float32)
            for p in range(P):
                row = ni * P + p
                v = q[0] * wbuf[row, pl.ds(0, 16)]
                for k in range(1, CK):
                    v = v + q[k] * wbuf[row, pl.ds(16 * k, 16)]
                for sh in (8, 4, 2, 1):
                    v = v + _rot16(v, sh)
                if p < 16:
                    acc0 = jnp.where(li16 == p, v, acc0)
                else:
                    acc1 = jnp.where(li16 == (p - 16), v, acc1)
            corr_buf[n, pl.ds(0, 16)] = acc0
            corr_buf[n, pl.ds(16, 16)] = acc1
            return _

        lax.fori_loop(0, MCH, dot_one, None)
        return _

    lax.fori_loop(0, NCH, chunk, None)
    pltpu.sync_copy(corr_buf, corr_out.at[pl.ds(base, NBT)])


@functools.lru_cache(maxsize=1)
def _sc_corr_kernel():
    return pl.kernel(
        _sc_corr_body,
        out_type=jax.ShapeDtypeStruct((N, PPAD), jnp.float32),
        mesh=plsc.VectorSubcoreMesh(core_axis_name="c", subcore_axis_name="s"),
        scratch_types=[pltpu.VMEM((NBT,), jnp.int32),
                       pltpu.VMEM((NBT * P,), jnp.int32),
                       pltpu.VMEM((NBT, C), jnp.float32),
                       pltpu.VMEM((MCH * P, C), jnp.float32),
                       pltpu.VMEM((NBT, PPAD), jnp.float32),
                       pltpu.SemaphoreType.DMA],
    )


def _finish_body(corr_ref, m0_ref, m1_ref, mk0_ref, mk1_ref, off_ref):
    corr = corr_ref[...]
    m1 = m1_ref[...]
    pxy = m1 * 4
    px = pxy[:, 0:1]
    py = pxy[:, 1:2]
    lane = lax.broadcasted_iota(jnp.int32, (NBT, PPAD), 1)
    dx = lane % WWIN - WWIN // 2
    dy = lane // WWIN - WWIN // 2
    xs = px + dx
    ys = py + dy
    mask = (lane < P) & (xs >= 0) & (ys >= 0)
    corr = jnp.where(mask, corr, -1e9)
    mx = jnp.max(corr, axis=1, keepdims=True)
    e = jnp.exp(corr - mx)
    prob = e / jnp.sum(e, axis=1, keepdims=True)
    ex = jnp.sum(prob * xs.astype(jnp.float32), axis=1, keepdims=True)
    ey = jnp.sum(prob * ys.astype(jnp.float32), axis=1, keepdims=True)
    offs = jnp.concatenate([ex, ey], axis=1) - pxy.astype(jnp.float32)
    off_ref[...] = offs
    mk0_ref[...] = m0_ref[...].astype(jnp.float32) * 8.0
    mk1_ref[...] = m1.astype(jnp.float32) * 8.0 + offs * 2.0


def _finish(corr, m0, m1):
    return pl.pallas_call(
        _finish_body,
        grid=(NW,),
        in_specs=[
            pl.BlockSpec((NBT, PPAD), lambda t: (t, 0)),
            pl.BlockSpec((NBT, 2), lambda t: (t, 0)),
            pl.BlockSpec((NBT, 2), lambda t: (t, 0)),
        ],
        out_specs=[
            pl.BlockSpec((NBT, 2), lambda t: (t, 0)),
            pl.BlockSpec((NBT, 2), lambda t: (t, 0)),
            pl.BlockSpec((NBT, 2), lambda t: (t, 0)),
        ],
        out_shape=[jax.ShapeDtypeStruct((N, 2), jnp.float32),
                   jax.ShapeDtypeStruct((N, 2), jnp.float32),
                   jax.ShapeDtypeStruct((N, 2), jnp.float32)],
    )(corr, m0, m1)


def kernel(fine_feat0, fine_feat1, mkpts0_c, mkpts1_c, b_ids, W_proj):
    f0p, f1t = _prep(fine_feat0, fine_feat1, W_proj)

    qidx = b_ids * (GRID * GRID) + mkpts0_c[:, 1] * GRID + mkpts0_c[:, 0]
    px = mkpts1_c[:, 0] * 4
    py = mkpts1_c[:, 1] * 4
    d = jnp.arange(-(WWIN // 2), WWIN // 2 + 1, dtype=jnp.int32)
    xc = jnp.maximum(px[:, None] + d[None, :], 0)
    yc = jnp.maximum(py[:, None] + d[None, :], 0)
    widx = (b_ids[:, None, None] * (Hf * Wf) + yc[:, :, None] * Wf
            + xc[:, None, :]).reshape(N * P)

    corr = _sc_corr_kernel()(f0p, f1t, qidx.astype(jnp.int32),
                             widx.astype(jnp.int32))
    return _finish(corr, mkpts0_c, mkpts1_c)

# --- scband reference (transcript-rebuilt; emitter-appended) ---
"""Pipeline reference for scband-fine-refinement-83597243449978 (READ-ONLY COPY).

The authoritative reference and input builder live on the scoring server;
editing this copy changes nothing except your own understanding.
"""

import jax, jax.numpy as jnp
import numpy as np

B, C, Hf, Wf = 4, 128, 256, 256
N = 4096
Wwin = 5


def setup_inputs(seed: int = 0) -> dict:
    key = jax.random.key(seed)
    k0, k1, k2, k3, k4, k5 = jax.random.split(key, 6)
    fine_feat0 = jax.random.normal(k0, (B, C, Hf, Wf), dtype=jnp.float32)
    fine_feat1 = jax.random.normal(k1, (B, C, Hf, Wf), dtype=jnp.float32)
    mkpts0_c = jax.random.randint(k2, (N, 2), 0, 64, dtype=jnp.int32)
    mkpts1_c = jax.random.randint(k3, (N, 2), 0, 64, dtype=jnp.int32)
    b_ids = jax.random.randint(k4, (N,), 0, B, dtype=jnp.int32)
    W_proj = jax.random.normal(k5, (C, C), dtype=jnp.float32) * 0.05
    return {"fine_feat0": fine_feat0, "fine_feat1": fine_feat1,
            "mkpts0_c": mkpts0_c, "mkpts1_c": mkpts1_c, "b_ids": b_ids,
            "W_proj": W_proj}


def reference(fine_feat0, fine_feat1, mkpts0_c, mkpts1_c, b_ids, W_proj):
    r = Wwin // 2
    # 1x1 conv projection (bias=False) == channel mixing einsum
    f0 = jnp.einsum('oc,bchw->bohw', W_proj, fine_feat0)
    f1 = jnp.einsum('oc,bchw->bohw', W_proj, fine_feat1)
    pts0 = mkpts0_c * 4
    pts1 = mkpts1_c * 4
    x0 = jnp.clip(pts0[:, 0], 0, Wf - 1)
    y0 = jnp.clip(pts0[:, 1], 0, Hf - 1)
    # center query feature gather: [N, C]
    query = f0[b_ids, :, y0, x0]
    d = jnp.arange(-r, r + 1)
    xs = pts1[:, 0:1] + d[None, :]   # [N, W]
    ys = pts1[:, 1:2] + d[None, :]   # [N, W]
    vx = (xs >= 0) & (xs < Wf)
    vy = (ys >= 0) & (ys < Hf)
    xsc = jnp.clip(xs, 0, Wf - 1)
    ysc = jnp.clip(ys, 0, Hf - 1)
    f1t = jnp.transpose(f1, (0, 2, 3, 1))  # [B, H, W, C]
    # WxW window gather per match: [N, W, W, C]
    window = f1t[b_ids[:, None, None], ysc[:, :, None], xsc[:, None, :], :]
    corr = jnp.einsum('nc,nhwc->nhw', query, window)
    mask = vy[:, :, None] & vx[:, None, :]
    corr = jnp.where(mask, corr, -1e9)
    prob = jax.nn.softmax(corr.reshape(N, -1), axis=-1).reshape(N, Wwin, Wwin)
    gx = xs[:, None, :].astype(jnp.float32)
    gy = ys[:, :, None].astype(jnp.float32)
    exp_x = jnp.sum(prob * gx, axis=(1, 2))
    exp_y = jnp.sum(prob * gy, axis=(1, 2))
    offsets = jnp.stack([exp_x - pts1[:, 0].astype(jnp.float32),
                         exp_y - pts1[:, 1].astype(jnp.float32)], axis=-1)
    mkpts0_f = mkpts0_c.astype(jnp.float32) * 8.0
    mkpts1_f = mkpts1_c.astype(jnp.float32) * 8.0 + offsets * 2.0
    return mkpts0_f, mkpts1_f, offsets

if __name__ == "__main__":
    import jax
    _d = setup_inputs()
    print(jax.jit(kernel)(*tuple(_d.values())))

</pallas_src>

<mosaic_0001>
#map = affine_map<(d0, d1) -> (0, 0)>
#map1 = affine_map<(d0, d1) -> (0)>
module attributes {stable_mosaic.version = 14 : i64} {
  func.func @_sc_corr_body(%arg0: i32, %arg1: i32, %arg2: memref<16384x128xf32, #tpu.memory_space<hbm>>, %arg3: memref<262144x128xf32, #tpu.memory_space<hbm>>, %arg4: memref<4096xi32, #tpu.memory_space<hbm>>, %arg5: memref<102400xi32, #tpu.memory_space<hbm>>, %arg6: memref<4096x32xf32, #tpu.memory_space<hbm>>, %arg7: memref<128xi32, #tpu.memory_space<vmem>>, %arg8: memref<3200xi32, #tpu.memory_space<vmem>>, %arg9: memref<128x128xf32, #tpu.memory_space<vmem>>, %arg10: memref<200x128xf32, #tpu.memory_space<vmem>>, %arg11: memref<128x32xf32, #tpu.memory_space<vmem>>, %arg12: memref<!tpu.dma_semaphore, #tpu.memory_space<semaphore_mem>>) attributes {dimension_semantics = [#tpu.dimension_semantics<core_parallel>, #tpu.dimension_semantics<subcore_parallel>], iteration_bounds = array<i64: 2, 16>, scalar_prefetch = 0 : i64, scratch_operands = 6 : i64, tpu.core_type = #tpu.core_type<sc_vector_subcore>, window_params = [{transform_indices = #map}, {transform_indices = #map}, {transform_indices = #map1}, {transform_indices = #map1}, {transform_indices = #map}]} {
    %mul3A = arith.constant 2 : i32
    %mul3A_0 = arith.muli %arg1, %mul3A : i32
    %add3A = arith.addi %mul3A_0, %arg0 : i32
    %mul3A_1 = arith.constant 128 : i32
    %mul3A_2 = arith.muli %add3A, %mul3A_1 : i32
    "tpu.region"() ({
      %run_scoped3A = tpu.sem_alloc : memref<!tpu.dma_semaphore, #tpu.memory_space<semaphore_mem>>
      %dma_start3A_13 = tpu.memref_slice %arg4[%mul3A_2] : memref<4096xi32, #tpu.memory_space<hbm>> -> memref<128xi32, #tpu.memory_space<hbm>>
      %dma_start3A_14 = tpu.memref_slice %arg4[%mul3A_2] : memref<4096xi32, #tpu.memory_space<hbm>> -> memref<128xi32, #tpu.memory_space<hbm>>
      tpu.enqueue_dma source(%dma_start3A_14 : memref<128xi32, #tpu.memory_space<hbm>>) target(%arg7 : memref<128xi32, #tpu.memory_space<vmem>>) target_semaphore(%run_scoped3A : memref<!tpu.dma_semaphore, #tpu.memory_space<semaphore_mem>>)
      %dma_wait3A_15 = tpu.memref_slice %arg4[%mul3A_2] : memref<4096xi32, #tpu.memory_space<hbm>> -> memref<128xi32, #tpu.memory_space<hbm>>
      %dma_wait3A_16 = tpu.memref_slice %arg4[%mul3A_2] : memref<4096xi32, #tpu.memory_space<hbm>> -> memref<128xi32, #tpu.memory_space<hbm>>
      tpu.wait_dma2 semaphore(%run_scoped3A : memref<!tpu.dma_semaphore, #tpu.memory_space<semaphore_mem>>) src(%dma_wait3A_16 : memref<128xi32, #tpu.memory_space<hbm>>) dst(%arg7 : memref<128xi32, #tpu.memory_space<vmem>>)
      tpu.yield
    }) : () -> ()
    %dma_start3A = arith.constant 0 : i32
    %dma_start3A_3 = arith.constant 0 : i32
    %dma_start3A_4 = tpu.memref_slice %arg2[%dma_start3A, %dma_start3A_3] : memref<16384x128xf32, #tpu.memory_space<hbm>> -> memref<16384x128xf32, #tpu.memory_space<hbm>>
    tpu.enqueue_indirect_dma source(%dma_start3A_4 : memref<16384x128xf32, #tpu.memory_space<hbm>>) target(%arg9 : memref<128x128xf32, #tpu.memory_space<vmem>>) offsets(%arg7 : memref<128xi32, #tpu.memory_space<vmem>>) semaphore(%arg12 : memref<!tpu.dma_semaphore, #tpu.memory_space<semaphore_mem>>)
    %dma_wait3A = arith.constant 0 : i32
    %dma_wait3A_5 = arith.constant 0 : i32
    %dma_wait3A_6 = tpu.memref_slice %arg2[%dma_wait3A, %dma_wait3A_5] : memref<16384x128xf32, #tpu.memory_space<hbm>> -> memref<16384x128xf32, #tpu.memory_space<hbm>>
    tpu.wait_indirect_dma semaphore(%arg12 : memref<!tpu.dma_semaphore, #tpu.memory_space<semaphore_mem>>) src(%dma_wait3A_6 : memref<16384x128xf32, #tpu.memory_space<hbm>>) dst(%arg9 : memref<128x128xf32, #tpu.memory_space<vmem>>)
    %mul3A_7 = arith.constant 25 : i32
    %mul3A_8 = arith.muli %mul3A_2, %mul3A_7 : i32
    "tpu.region"() ({
      %run_scoped3A = tpu.sem_alloc : memref<!tpu.dma_semaphore, #tpu.memory_space<semaphore_mem>>
      %dma_start3A_13 = tpu.memref_slice %arg5[%mul3A_8] : memref<102400xi32, #tpu.memory_space<hbm>> -> memref<3200xi32, #tpu.memory_space<hbm>>
      %dma_start3A_14 = tpu.memref_slice %arg5[%mul3A_8] : memref<102400xi32, #tpu.memory_space<hbm>> -> memref<3200xi32, #tpu.memory_space<hbm>>
      tpu.enqueue_dma source(%dma_start3A_14 : memref<3200xi32, #tpu.memory_space<hbm>>) target(%arg8 : memref<3200xi32, #tpu.memory_space<vmem>>) target_semaphore(%run_scoped3A : memref<!tpu.dma_semaphore, #tpu.memory_space<semaphore_mem>>)
      %dma_wait3A_15 = tpu.memref_slice %arg5[%mul3A_8] : memref<102400xi32, #tpu.memory_space<hbm>> -> memref<3200xi32, #tpu.memory_space<hbm>>
      %dma_wait3A_16 = tpu.memref_slice %arg5[%mul3A_8] : memref<102400xi32, #tpu.memory_space<hbm>> -> memref<3200xi32, #tpu.memory_space<hbm>>
      tpu.wait_dma2 semaphore(%run_scoped3A : memref<!tpu.dma_semaphore, #tpu.memory_space<semaphore_mem>>) src(%dma_wait3A_16 : memref<3200xi32, #tpu.memory_space<hbm>>) dst(%arg8 : memref<3200xi32, #tpu.memory_space<vmem>>)
      tpu.yield
    }) : () -> ()
    %iota3A = tpu.iota {dimensions = array<i32: 0>} : vector<16xi32>
    %scan3A = arith.constant 0 : i32
    %scan3A_9 = arith.constant 16 : i32
    %scan3A_10 = arith.addi %scan3A, %scan3A_9 : i32
    %scan3A_11 = arith.constant 1 : i32
    scf.for %scan3A_13 = %scan3A to %scan3A_10 step %scan3A_11  : i32 {
      %mul3A_14 = arith.constant 200 : i32
      %mul3A_15 = arith.muli %scan3A_13, %mul3A_14 : i32
      %dma_start3A_16 = arith.constant 0 : i32
      %dma_start3A_17 = arith.constant 0 : i32
      %dma_start3A_18 = tpu.memref_slice %arg10[%dma_start3A_16, %dma_start3A_17] : memref<200x128xf32, #tpu.memory_space<vmem>> -> memref<104x128xf32, #tpu.memory_space<vmem>>
      %dma_start3A_19 = tpu.memref_slice %arg8[%mul3A_15] : memref<3200xi32, #tpu.memory_space<vmem>> -> memref<104xi32, #tpu.memory_space<vmem>>
      %dma_start3A_20 = arith.constant 0 : i32
      %dma_start3A_21 = arith.constant 0 : i32
      %dma_start3A_22 = tpu.memref_slice %arg3[%dma_start3A_20, %dma_start3A_21] : memref<262144x128xf32, #tpu.memory_space<hbm>> -> memref<262144x128xf32, #tpu.memory_space<hbm>>
      tpu.enqueue_indirect_dma source(%dma_start3A_22 : memref<262144x128xf32, #tpu.memory_space<hbm>>) target(%dma_start3A_18 : memref<104x128xf32, #tpu.memory_space<vmem>>) offsets(%dma_start3A_19 : memref<104xi32, #tpu.memory_space<vmem>>) semaphore(%arg12 : memref<!tpu.dma_semaphore, #tpu.memory_space<semaphore_mem>>)
      %add3A_23 = arith.constant 104 : i32
      %add3A_24 = arith.addi %mul3A_15, %add3A_23 : i32
      %dma_start3A_25 = arith.constant 104 : i32
      %dma_start3A_26 = arith.constant 0 : i32
      %dma_start3A_27 = tpu.memref_slice %arg10[%dma_start3A_25, %dma_start3A_26] : memref<200x128xf32, #tpu.memory_space<vmem>> -> memref<96x128xf32, #tpu.memory_space<vmem>>
      %dma_start3A_28 = tpu.memref_slice %arg8[%add3A_24] : memref<3200xi32, #tpu.memory_space<vmem>> -> memref<96xi32, #tpu.memory_space<vmem>>
      %dma_start3A_29 = arith.constant 0 : i32
      %dma_start3A_30 = arith.constant 0 : i32
      %dma_start3A_31 = tpu.memref_slice %arg3[%dma_start3A_29, %dma_start3A_30] : memref<262144x128xf32, #tpu.memory_space<hbm>> -> memref<262144x128xf32, #tpu.memory_space<hbm>>
      tpu.enqueue_indirect_dma source(%dma_start3A_31 : memref<262144x128xf32, #tpu.memory_space<hbm>>) target(%dma_start3A_27 : memref<96x128xf32, #tpu.memory_space<vmem>>) offsets(%dma_start3A_28 : memref<96xi32, #tpu.memory_space<vmem>>) semaphore(%arg12 : memref<!tpu.dma_semaphore, #tpu.memory_space<semaphore_mem>>)
      %dma_wait3A_32 = arith.constant 0 : i32
      %dma_wait3A_33 = arith.constant 0 : i32
      %dma_wait3A_34 = tpu.memref_slice %arg10[%dma_wait3A_32, %dma_wait3A_33] : memref<200x128xf32, #tpu.memory_space<vmem>> -> memref<104x128xf32, #tpu.memory_space<vmem>>
      %dma_wait3A_35 = tpu.memref_slice %arg8[%mul3A_15] : memref<3200xi32, #tpu.memory_space<vmem>> -> memref<104xi32, #tpu.memory_space<vmem>>
      %dma_wait3A_36 = arith.constant 0 : i32
      %dma_wait3A_37 = arith.constant 0 : i32
      %dma_wait3A_38 = tpu.memref_slice %arg3[%dma_wait3A_36, %dma_wait3A_37] : memref<262144x128xf32, #tpu.memory_space<hbm>> -> memref<262144x128xf32, #tpu.memory_space<hbm>>
      tpu.wait_indirect_dma semaphore(%arg12 : memref<!tpu.dma_semaphore, #tpu.memory_space<semaphore_mem>>) src(%dma_wait3A_38 : memref<262144x128xf32, #tpu.memory_space<hbm>>) dst(%dma_wait3A_34 : memref<104x128xf32, #tpu.memory_space<vmem>>)
      %dma_wait3A_39 = arith.constant 104 : i32
      %dma_wait3A_40 = arith.constant 0 : i32
      %dma_wait3A_41 = tpu.memref_slice %arg10[%dma_wait3A_39, %dma_wait3A_40] : memref<200x128xf32, #tpu.memory_space<vmem>> -> memref<96x128xf32, #tpu.memory_space<vmem>>
      %dma_wait3A_42 = tpu.memref_slice %arg8[%add3A_24] : memref<3200xi32, #tpu.memory_space<vmem>> -> memref<96xi32, #tpu.memory_space<vmem>>
      %dma_wait3A_43 = arith.constant 0 : i32
      %dma_wait3A_44 = arith.constant 0 : i32
      %dma_wait3A_45 = tpu.memref_slice %arg3[%dma_wait3A_43, %dma_wait3A_44] : memref<262144x128xf32, #tpu.memory_space<hbm>> -> memref<262144x128xf32, #tpu.memory_space<hbm>>
      tpu.wait_indirect_dma semaphore(%arg12 : memref<!tpu.dma_semaphore, #tpu.memory_space<semaphore_mem>>) src(%dma_wait3A_45 : memref<262144x128xf32, #tpu.memory_space<hbm>>) dst(%dma_wait3A_41 : memref<96x128xf32, #tpu.memory_space<vmem>>)
      %scan3A_46 = arith.constant 0 : i32
      %scan3A_47 = arith.constant 8 : i32
      %scan3A_48 = arith.addi %scan3A_46, %scan3A_47 : i32
      %scan3A_49 = arith.constant 1 : i32
      scf.for %scan3A_51 = %scan3A_46 to %scan3A_48 step %scan3A_49  : i32 {
        %mul3A_52 = arith.constant 8 : i32
        %mul3A_53 = arith.muli %scan3A_13, %mul3A_52 : i32
        %add3A_54 = arith.addi %mul3A_53, %scan3A_51 : i32
        %get3A = arith.index_cast %add3A_54 : i32 to index
        %get3A_55 = arith.constant 0 : index
        %get3A_56 = tpu.vector_load %arg9[%get3A, %get3A_55] {strides = array<i32>} : memref<128x128xf32, #tpu.memory_space<vmem>>, vector<1x16xf32>,
        %get3A_57 = vector.shape_cast %get3A_56 : vector<1x16xf32> to vector<16xf32>
        %get3A_58 = arith.index_cast %add3A_54 : i32 to index
        %get3A_59 = arith.constant 16 : index
        %get3A_60 = tpu.vector_load %arg9[%get3A_58, %get3A_59] {strides = array<i32>} : memref<128x128xf32, #tpu.memory_space<vmem>>, vector<1x16xf32>,
        %get3A_61 = vector.shape_cast %get3A_60 : vector<1x16xf32> to vector<16xf32>
        %get3A_62 = arith.index_cast %add3A_54 : i32 to index
        %get3A_63 = arith.constant 32 : index
        %get3A_64 = tpu.vector_load %arg9[%get3A_62, %get3A_63] {strides = array<i32>} : memref<128x128xf32, #tpu.memory_space<vmem>>, vector<1x16xf32>,
        %get3A_65 = vector.shape_cast %get3A_64 : vector<1x16xf32> to vector<16xf32>
        %get3A_66 = arith.index_cast %add3A_54 : i32 to index
        %get3A_67 = arith.constant 48 : index
        %get3A_68 = tpu.vector_load %arg9[%get3A_66, %get3A_67] {strides = array<i32>} : memref<128x128xf32, #tpu.memory_space<vmem>>, vector<1x16xf32>,
        %get3A_69 = vector.shape_cast %get3A_68 : vector<1x16xf32> to vector<16xf32>
        %get3A_70 = arith.index_cast %add3A_54 : i32 to index
        %get3A_71 = arith.constant 64 : index
        %get3A_72 = tpu.vector_load %arg9[%get3A_70, %get3A_71] {strides = array<i32>} : memref<128x128xf32, #tpu.memory_space<vmem>>, vector<1x16xf32>,
        %get3A_73 = vector.shape_cast %get3A_72 : vector<1x16xf32> to vector<16xf32>
        %get3A_74 = arith.index_cast %add3A_54 : i32 to index
        %get3A_75 = arith.constant 80 : index
        %get3A_76 = tpu.vector_load %arg9[%get3A_74, %get3A_75] {strides = array<i32>} : memref<128x128xf32, #tpu.memory_space<vmem>>, vector<1x16xf32>,
        %get3A_77 = vector.shape_cast %get3A_76 : vector<1x16xf32> to vector<16xf32>
        %get3A_78 = arith.index_cast %add3A_54 : i32 to index
        %get3A_79 = arith.constant 96 : index
        %get3A_80 = tpu.vector_load %arg9[%get3A_78, %get3A_79] {strides = array<i32>} : memref<128x128xf32, #tpu.memory_space<vmem>>, vector<1x16xf32>,
        %get3A_81 = vector.shape_cast %get3A_80 : vector<1x16xf32> to vector<16xf32>
        %get3A_82 = arith.index_cast %add3A_54 : i32 to index
        %get3A_83 = arith.constant 112 : index
        %get3A_84 = tpu.vector_load %arg9[%get3A_82, %get3A_83] {strides = array<i32>} : memref<128x128xf32, #tpu.memory_space<vmem>>, vector<1x16xf32>,
        %get3A_85 = vector.shape_cast %get3A_84 : vector<1x16xf32> to vector<16xf32>
        %broadcast_in_dim3A = arith.constant 0.000000e+00 : f32
        %broadcast_in_dim3A_86 = vector.broadcast %broadcast_in_dim3A : f32 to vector<16xf32>
        %broadcast_in_dim3A_87 = arith.constant 0.000000e+00 : f32
        %broadcast_in_dim3A_88 = vector.broadcast %broadcast_in_dim3A_87 : f32 to vector<16xf32>
        %mul3A_89 = arith.constant 25 : i32
        %mul3A_90 = arith.muli %scan3A_51, %mul3A_89 : i32
        %add3A_91 = arith.constant 0 : i32
        %add3A_92 = arith.addi %mul3A_90, %add3A_91 : i32
        %get3A_93 = arith.index_cast %add3A_92 : i32 to index
        %get3A_94 = arith.constant 0 : index
        %get3A_95 = tpu.vector_load %arg10[%get3A_93, %get3A_94] {strides = array<i32>} : memref<200x128xf32, #tpu.memory_space<vmem>>, vector<1x16xf32>,
        %get3A_96 = vector.shape_cast %get3A_95 : vector<1x16xf32> to vector<16xf32>
        %mul3A_97 = arith.mulf %get3A_57, %get3A_96 : vector<16xf32>
        %get3A_98 = arith.index_cast %add3A_92 : i32 to index
        %get3A_99 = arith.constant 16 : index
        %get3A_100 = tpu.vector_load %arg10[%get3A_98, %get3A_99] {strides = array<i32>} : memref<200x128xf32, #tpu.memory_space<vmem>>, vector<1x16xf32>,
        %get3A_101 = vector.shape_cast %get3A_100 : vector<1x16xf32> to vector<16xf32>
        %mul3A_102 = arith.mulf %get3A_61, %get3A_101 : vector<16xf32>
        %add3A_103 = arith.addf %mul3A_97, %mul3A_102 : vector<16xf32>
        %get3A_104 = arith.index_cast %add3A_92 : i32 to index
        %get3A_105 = arith.constant 32 : index
        %get3A_106 = tpu.vector_load %arg10[%get3A_104, %get3A_105] {strides = array<i32>} : memref<200x128xf32, #tpu.memory_space<vmem>>, vector<1x16xf32>,
        %get3A_107 = vector.shape_cast %get3A_106 : vector<1x16xf32> to vector<16xf32>
        %mul3A_108 = arith.mulf %get3A_65, %get3A_107 : vector<16xf32>
        %add3A_109 = arith.addf %add3A_103, %mul3A_108 : vector<16xf32>
        %get3A_110 = arith.index_cast %add3A_92 : i32 to index
        %get3A_111 = arith.constant 48 : index
        %get3A_112 = tpu.vector_load %arg10[%get3A_110, %get3A_111] {strides = array<i32>} : memref<200x128xf32, #tpu.memory_space<vmem>>, vector<1x16xf32>,
        %get3A_113 = vector.shape_cast %get3A_112 : vector<1x16xf32> to vector<16xf32>
        %mul3A_114 = arith.mulf %get3A_69, %get3A_113 : vector<16xf32>
        %add3A_115 = arith.addf %add3A_109, %mul3A_114 : vector<16xf32>
        %get3A_116 = arith.index_cast %add3A_92 : i32 to index
        %get3A_117 = arith.constant 64 : index
        %get3A_118 = tpu.vector_load %arg10[%get3A_116, %get3A_117] {strides = array<i32>} : memref<200x128xf32, #tpu.memory_space<vmem>>, vector<1x16xf32>,
        %get3A_119 = vector.shape_cast %get3A_118 : vector<1x16xf32> to vector<16xf32>
        %mul3A_120 = arith.mulf %get3A_73, %get3A_119 : vector<16xf32>
        %add3A_121 = arith.addf %add3A_115, %mul3A_120 : vector<16xf32>
        %get3A_122 = arith.index_cast %add3A_92 : i32 to index
        %get3A_123 = arith.constant 80 : index
        %get3A_124 = tpu.vector_load %arg10[%get3A_122, %get3A_123] {strides = array<i32>} : memref<200x128xf32, #tpu.memory_space<vmem>>, vector<1x16xf32>,
        %get3A_125 = vector.shape_cast %get3A_124 : vector<1x16xf32> to vector<16xf32>
        %mul3A_126 = arith.mulf %get3A_77, %get3A_125 : vector<16xf32>
        %add3A_127 = arith.addf %add3A_121, %mul3A_126 : vector<16xf32>
        %get3A_128 = arith.index_cast %add3A_92 : i32 to index
        %get3A_129 = arith.constant 96 : index
        %get3A_130 = tpu.vector_load %arg10[%get3A_128, %get3A_129] {strides = array<i32>} : memref<200x128xf32, #tpu.memory_space<vmem>>, vector<1x16xf32>,
        %get3A_131 = vector.shape_cast %get3A_130 : vector<1x16xf32> to vector<16xf32>
        %mul3A_132 = arith.mulf %get3A_81, %get3A_131 : vector<16xf32>
        %add3A_133 = arith.addf %add3A_127, %mul3A_132 : vector<16xf32>
        %get3A_134 = arith.index_cast %add3A_92 : i32 to index
        %get3A_135 = arith.constant 112 : index
        %get3A_136 = tpu.vector_load %arg10[%get3A_134, %get3A_135] {strides = array<i32>} : memref<200x128xf32, #tpu.memory_space<vmem>>, vector<1x16xf32>,
        %get3A_137 = vector.shape_cast %get3A_136 : vector<1x16xf32> to vector<16xf32>
        %mul3A_138 = arith.mulf %get3A_85, %get3A_137 : vector<16xf32>
        %add3A_139 = arith.addf %add3A_133, %mul3A_138 : vector<16xf32>
        %iota3A_140 = tpu.iota {dimensions = array<i32: 0>} : vector<16xi32>
        %add3A_141 = arith.constant 8 : i32
        %add3A_142 = vector.broadcast %add3A_141 : i32 to vector<16xi32>
        %add3A_143 = arith.addi %iota3A_140, %add3A_142 : vector<16xi32>
        %and3A = arith.constant 15 : i32
        %and3A_144 = vector.broadcast %and3A : i32 to vector<16xi32>
        %and3A_145 = arith.andi %add3A_143, %and3A_144 : vector<16xi32>
        %broadcast_in_dim3A_146 = vector.shape_cast %and3A_145 : vector<16xi32> to vector<16x1xi32>
        %gather3A = vector.shape_cast %broadcast_in_dim3A_146 : vector<16x1xi32> to vector<16xi32>
        %gather3A_147 = tpu.dynamic_gather %add3A_139[%gather3A] in [0] : vector<16xf32>, vector<16xi32> -> vector<16xf32>
        %add3A_148 = arith.addf %add3A_139, %gather3A_147 : vector<16xf32>
        %iota3A_149 = tpu.iota {dimensions = array<i32: 0>} : vector<16xi32>
        %add3A_150 = arith.constant 4 : i32
        %add3A_151 = vector.broadcast %add3A_150 : i32 to vector<16xi32>
        %add3A_152 = arith.addi %iota3A_149, %add3A_151 : vector<16xi32>
        %and3A_153 = arith.constant 15 : i32
        %and3A_154 = vector.broadcast %and3A_153 : i32 to vector<16xi32>
        %and3A_155 = arith.andi %add3A_152, %and3A_154 : vector<16xi32>
        %broadcast_in_dim3A_156 = vector.shape_cast %and3A_155 : vector<16xi32> to vector<16x1xi32>
        %gather3A_157 = vector.shape_cast %broadcast_in_dim3A_156 : vector<16x1xi32> to vector<16xi32>
        %gather3A_158 = tpu.dynamic_gather %add3A_148[%gather3A_157] in [0] : vector<16xf32>, vector<16xi32> -> vector<16xf32>
        %add3A_159 = arith.addf %add3A_148, %gather3A_158 : vector<16xf32>
        %iota3A_160 = tpu.iota {dimensions = array<i32: 0>} : vector<16xi32>
        %add3A_161 = arith.constant 2 : i32
        %add3A_162 = vector.broadcast %add3A_161 : i32 to vector<16xi32>
        %add3A_163 = arith.addi %iota3A_160, %add3A_162 : vector<16xi32>
        %and3A_164 = arith.constant 15 : i32
        %and3A_165 = vector.broadcast %and3A_164 : i32 to vector<16xi32>
        %and3A_166 = arith.andi %add3A_163, %and3A_165 : vector<16xi32>
        %broadcast_in_dim3A_167 = vector.shape_cast %and3A_166 : vector<16xi32> to vector<16x1xi32>
        %gather3A_168 = vector.shape_cast %broadcast_in_dim3A_167 : vector<16x1xi32> to vector<16xi32>
        %gather3A_169 = tpu.dynamic_gather %add3A_159[%gather3A_168] in [0] : vector<16xf32>, vector<16xi32> -> vector<16xf32>
        %add3A_170 = arith.addf %add3A_159, %gather3A_169 : vector<16xf32>
        %iota3A_171 = tpu.iota {dimensions = array<i32: 0>} : vector<16xi32>
        %add3A_172 = arith.constant 1 : i32
        %add3A_173 = vector.broadcast %add3A_172 : i32 to vector<16xi32>
        %add3A_174 = arith.addi %iota3A_171, %add3A_173 : vector<16xi32>
        %and3A_175 = arith.constant 15 : i32
        %and3A_176 = vector.broadcast %and3A_175 : i32 to vector<16xi32>
        %and3A_177 = arith.andi %add3A_174, %and3A_176 : vector<16xi32>
        %broadcast_in_dim3A_178 = vector.shape_cast %and3A_177 : vector<16xi32> to vector<16x1xi32>
        %gather3A_179 = vector.shape_cast %broadcast_in_dim3A_178 : vector<16x1xi32> to vector<16xi32>
        %gather3A_180 = tpu.dynamic_gather %add3A_170[%gather3A_179] in [0] : vector<16xf32>, vector<16xi32> -> vector<16xf32>
        %add3A_181 = arith.addf %add3A_170, %gather3A_180 : vector<16xf32>
        %eq3A = arith.constant 0 : i32
        %eq3A_182 = vector.broadcast %eq3A : i32 to vector<16xi32>
        %eq3A_183 = arith.cmpi eq, %iota3A, %eq3A_182 : vector<16xi32>
        %select_n3A = arith.select %eq3A_183, %add3A_181, %broadcast_in_dim3A_86 : vector<16xi1>, vector<16xf32>
        %mul3A_184 = arith.constant 25 : i32
        %mul3A_185 = arith.muli %scan3A_51, %mul3A_184 : i32
        %add3A_186 = arith.constant 1 : i32
        %add3A_187 = arith.addi %mul3A_185, %add3A_186 : i32
        %get3A_188 = arith.index_cast %add3A_187 : i32 to index
        %get3A_189 = arith.constant 0 : index
        %get3A_190 = tpu.vector_load %arg10[%get3A_188, %get3A_189] {strides = array<i32>} : memref<200x128xf32, #tpu.memory_space<vmem>>, vector<1x16xf32>,
        %get3A_191 = vector.shape_cast %get3A_190 : vector<1x16xf32> to vector<16xf32>
        %mul3A_192 = arith.mulf %get3A_57, %get3A_191 : vector<16xf32>
        %get3A_193 = arith.index_cast %add3A_187 : i32 to index
        %get3A_194 = arith.constant 16 : index
        %get3A_195 = tpu.vector_load %arg10[%get3A_193, %get3A_194] {strides = array<i32>} : memref<200x128xf32, #tpu.memory_space<vmem>>, vector<1x16xf32>,
        %get3A_196 = vector.shape_cast %get3A_195 : vector<1x16xf32> to vector<16xf32>
        %mul3A_197 = arith.mulf %get3A_61, %get3A_196 : vector<16xf32>
        %add3A_198 = arith.addf %mul3A_192, %mul3A_197 : vector<16xf32>
        %get3A_199 = arith.index_cast %add3A_187 : i32 to index
        %get3A_200 = arith.constant 32 : index
        %get3A_201 = tpu.vector_load %arg10[%get3A_199, %get3A_200] {strides = array<i32>} : memref<200x128xf32, #tpu.memory_space<vmem>>, vector<1x16xf32>,
        %get3A_202 = vector.shape_cast %get3A_201 : vector<1x16xf32> to vector<16xf32>
        %mul3A_203 = arith.mulf %get3A_65, %get3A_202 : vector<16xf32>
        %add3A_204 = arith.addf %add3A_198, %mul3A_203 : vector<16xf32>
        %get3A_205 = arith.index_cast %add3A_187 : i32 to index
        %get3A_206 = arith.constant 48 : index
        %get3A_207 = tpu.vector_load %arg10[%get3A_205, %get3A_206] {strides = array<i32>} : memref<200x128xf32, #tpu.memory_space<vmem>>, vector<1x16xf32>,
        %get3A_208 = vector.shape_cast %get3A_207 : vector<1x16xf32> to vector<16xf32>
        %mul3A_209 = arith.mulf %get3A_69, %get3A_208 : vector<16xf32>
        %add3A_210 = arith.addf %add3A_204, %mul3A_209 : vector<16xf32>
        %get3A_211 = arith.index_cast %add3A_187 : i32 to index
        %get3A_212 = arith.constant 64 : index
        %get3A_213 = tpu.vector_load %arg10[%get3A_211, %get3A_212] {strides = array<i32>} : memref<200x128xf32, #tpu.memory_space<vmem>>, vector<1x16xf32>,
        %get3A_214 = vector.shape_cast %get3A_213 : vector<1x16xf32> to vector<16xf32>
        %mul3A_215 = arith.mulf %get3A_73, %get3A_214 : vector<16xf32>
        %add3A_216 = arith.addf %add3A_210, %mul3A_215 : vector<16xf32>
        %get3A_217 = arith.index_cast %add3A_187 : i32 to index
        %get3A_218 = arith.constant 80 : index
        %get3A_219 = tpu.vector_load %arg10[%get3A_217, %get3A_218] {strides = array<i32>} : memref<200x128xf32, #tpu.memory_space<vmem>>, vector<1x16xf32>,
        %get3A_220 = vector.shape_cast %get3A_219 : vector<1x16xf32> to vector<16xf32>
        %mul3A_221 = arith.mulf %get3A_77, %get3A_220 : vector<16xf32>
        %add3A_222 = arith.addf %add3A_216, %mul3A_221 : vector<16xf32>
        %get3A_223 = arith.index_cast %add3A_187 : i32 to index
        %get3A_224 = arith.constant 96 : index
        %get3A_225 = tpu.vector_load %arg10[%get3A_223, %get3A_224] {strides = array<i32>} : memref<200x128xf32, #tpu.memory_space<vmem>>, vector<1x16xf32>,
        %get3A_226 = vector.shape_cast %get3A_225 : vector<1x16xf32> to vector<16xf32>
        %mul3A_227 = arith.mulf %get3A_81, %get3A_226 : vector<16xf32>
        %add3A_228 = arith.addf %add3A_222, %mul3A_227 : vector<16xf32>
        %get3A_229 = arith.index_cast %add3A_187 : i32 to index
        %get3A_230 = arith.constant 112 : index
        %get3A_231 = tpu.vector_load %arg10[%get3A_229, %get3A_230] {strides = array<i32>} : memref<200x128xf32, #tpu.memory_space<vmem>>, vector<1x16xf32>,
        %get3A_232 = vector.shape_cast %get3A_231 : vector<1x16xf32> to vector<16xf32>
        %mul3A_233 = arith.mulf %get3A_85, %get3A_232 : vector<16xf32>
        %add3A_234 = arith.addf %add3A_228, %mul3A_233 : vector<16xf32>
        %iota3A_235 = tpu.iota {dimensions = array<i32: 0>} : vector<16xi32>
        %add3A_236 = arith.constant 8 : i32
        %add3A_237 = vector.broadcast %add3A_236 : i32 to vector<16xi32>
        %add3A_238 = arith.addi %iota3A_235, %add3A_237 : vector<16xi32>
        %and3A_239 = arith.constant 15 : i32
        %and3A_240 = vector.broadcast %and3A_239 : i32 to vector<16xi32>
        %and3A_241 = arith.andi %add3A_238, %and3A_240 : vector<16xi32>
        %broadcast_in_dim3A_242 = vector.shape_cast %and3A_241 : vector<16xi32> to vector<16x1xi32>
        %gather3A_243 = vector.shape_cast %broadcast_in_dim3A_242 : vector<16x1xi32> to vector<16xi32>
        %gather3A_244 = tpu.dynamic_gather %add3A_234[%gather3A_243] in [0] : vector<16xf32>, vector<16xi32> -> vector<16xf32>
        %add3A_245 = arith.addf %add3A_234, %gather3A_244 : vector<16xf32>
        %iota3A_246 = tpu.iota {dimensions = array<i32: 0>} : vector<16xi32>
        %add3A_247 = arith.constant 4 : i32
        %add3A_248 = vector.broadcast %add3A_247 : i32 to vector<16xi32>
        %add3A_249 = arith.addi %iota3A_246, %add3A_248 : vector<16xi32>
        %and3A_250 = arith.constant 15 : i32
        %and3A_251 = vector.broadcast %and3A_250 : i32 to vector<16xi32>
        %and3A_252 = arith.andi %add3A_249, %and3A_251 : vector<16xi32>
        %broadcast_in_dim3A_253 = vector.shape_cast %and3A_252 : vector<16xi32> to vector<16x1xi32>
        %gather3A_254 = vector.shape_cast %broadcast_in_dim3A_253 : vector<16x1xi32> to vector<16xi32>
        %gather3A_255 = tpu.dynamic_gather %add3A_245[%gather3A_254] in [0] : vector<16xf32>, vector<16xi32> -> vector<16xf32>
        %add3A_256 = arith.addf %add3A_245, %gather3A_255 : vector<16xf32>
        %iota3A_257 = tpu.iota {dimensions = array<i32: 0>} : vector<16xi32>
        %add3A_258 = arith.constant 2 : i32
        %add3A_259 = vector.broadcast %add3A_258 : i32 to vector<16xi32>
        %add3A_260 = arith.addi %iota3A_257, %add3A_259 : vector<16xi32>
        %and3A_261 = arith.constant 15 : i32
        %and3A_262 = vector.broadcast %and3A_261 : i32 to vector<16xi32>
        %and3A_263 = arith.andi %add3A_260, %and3A_262 : vector<16xi32>
        %broadcast_in_dim3A_264 = vector.shape_cast %and3A_263 : vector<16xi32> to vector<16x1xi32>
        %gather3A_265 = vector.shape_cast %broadcast_in_dim3A_264 : vector<16x1xi32> to vector<16xi32>
        %gather3A_266 = tpu.dynamic_gather %add3A_256[%gather3A_265] in [0] : vector<16xf32>, vector<16xi32> -> vector<16xf32>
        %add3A_267 = arith.addf %add3A_256, %gather3A_266 : vector<16xf32>
        %iota3A_268 = tpu.iota {dimensions = array<i32: 0>} : vector<16xi32>
        %add3A_269 = arith.constant 1 : i32
        %add3A_270 = vector.broadcast %add3A_269 : i32 to vector<16xi32>
        %add3A_271 = arith.addi %iota3A_268, %add3A_270 : vector<16xi32>
        %and3A_272 = arith.constant 15 : i32
        %and3A_273 = vector.broadcast %and3A_272 : i32 to vector<16xi32>
        %and3A_274 = arith.andi %add3A_271, %and3A_273 : vector<16xi32>
        %broadcast_in_dim3A_275 = vector.shape_cast %and3A_274 : vector<16xi32> to vector<16x1xi32>
        %gather3A_276 = vector.shape_cast %broadcast_in_dim3A_275 : vector<16x1xi32> to vector<16xi32>
        %gather3A_277 = tpu.dynamic_gather %add3A_267[%gather3A_276] in [0] : vector<16xf32>, vector<16xi32> -> vector<16xf32>
        %add3A_278 = arith.addf %add3A_267, %gather3A_277 : vector<16xf32>
        %eq3A_279 = arith.constant 1 : i32
        %eq3A_280 = vector.broadcast %eq3A_279 : i32 to vector<16xi32>
        %eq3A_281 = arith.cmpi eq, %iota3A, %eq3A_280 : vector<16xi32>
        %select_n3A_282 = arith.select %eq3A_281, %add3A_278, %select_n3A : vector<16xi1>, vector<16xf32>
        %mul3A_283 = arith.constant 25 : i32
        %mul3A_284 = arith.muli %scan3A_51, %mul3A_283 : i32
        %add3A_285 = arith.constant 2 : i32
        %add3A_286 = arith.addi %mul3A_284, %add3A_285 : i32
        %get3A_287 = arith.index_cast %add3A_286 : i32 to index
        %get3A_288 = arith.constant 0 : index
        %get3A_289 = tpu.vector_load %arg10[%get3A_287, %get3A_288] {strides = array<i32>} : memref<200x128xf32, #tpu.memory_space<vmem>>, vector<1x16xf32>,
        %get3A_290 = vector.shape_cast %get3A_289 : vector<1x16xf32> to vector<16xf32>
        %mul3A_291 = arith.mulf %get3A_57, %get3A_290 : vector<16xf32>
        %get3A_292 = arith.index_cast %add3A_286 : i32 to index
        %get3A_293 = arith.constant 16 : index
        %get3A_294 = tpu.vector_load %arg10[%get3A_292, %get3A_293] {strides = array<i32>} : memref<200x128xf32, #tpu.memory_space<vmem>>, vector<1x16xf32>,
        %get3A_295 = vector.shape_cast %get3A_294 : vector<1x16xf32> to vector<16xf32>
        %mul3A_296 = arith.mulf %get3A_61, %get3A_295 : vector<16xf32>
        %add3A_297 = arith.addf %mul3A_291, %mul3A_296 : vector<16xf32>
        %get3A_298 = arith.index_cast %add3A_286 : i32 to index
        %get3A_299 = arith.constant 32 : index
        %get3A_300 = tpu.vector_load %arg10[%get3A_298, %get3A_299] {strides = array<i32>} : memref<200x128xf32, #tpu.memory_space<vmem>>, vector<1x16xf32>,
        %get3A_301 = vector.shape_cast %get3A_300 : vector<1x16xf32> to vector<16xf32>
        %mul3A_302 = arith.mulf %get3A_65, %get3A_301 : vector<16xf32>
        %add3A_303 = arith.addf %add3A_297, %mul3A_302 : vector<16xf32>
        %get3A_304 = arith.index_cast %add3A_286 : i32 to index
        %get3A_305 = arith.constant 48 : index
        %get3A_306 = tpu.vector_load %arg10[%get3A_304, %get3A_305] {strides = array<i32>} : memref<200x128xf32, #tpu.memory_space<vmem>>, vector<1x16xf32>,
        %get3A_307 = vector.shape_cast %get3A_306 : vector<1x16xf32> to vector<16xf32>
        %mul3A_308 = arith.mulf %get3A_69, %get3A_307 : vector<16xf32>
        %add3A_309 = arith.addf %add3A_303, %mul3A_308 : vector<16xf32>
        %get3A_310 = arith.index_cast %add3A_286 : i32 to index
        %get3A_311 = arith.constant 64 : index
        %get3A_312 = tpu.vector_load %arg10[%get3A_310, %get3A_311] {strides = array<i32>} : memref<200x128xf32, #tpu.memory_space<vmem>>, vector<1x16xf32>,
        %get3A_313 = vector.shape_cast %get3A_312 : vector<1x16xf32> to vector<16xf32>
        %mul3A_314 = arith.mulf %get3A_73, %get3A_313 : vector<16xf32>
        %add3A_315 = arith.addf %add3A_309, %mul3A_314 : vector<16xf32>
        %get3A_316 = arith.index_cast %add3A_286 : i32 to index
        %get3A_317 = arith.constant 80 : index
        %get3A_318 = tpu.vector_load %arg10[%get3A_316, %get3A_317] {strides = array<i32>} : memref<200x128xf32, #tpu.memory_space<vmem>>, vector<1x16xf32>,
        %get3A_319 = vector.shape_cast %get3A_318 : vector<1x16xf32> to vector<16xf32>
        %mul3A_320 = arith.mulf %get3A_77, %get3A_319 : vector<16xf32>
        %add3A_321 = arith.addf %add3A_315, %mul3A_320 : vector<16xf32>
        %get3A_322 = arith.index_cast %add3A_286 : i32 to index
        %get3A_323 = arith.constant 96 : index
        %get3A_324 = tpu.vector_load %arg10[%get3A_322, %get3A_323] {strides = array<i32>} : memref<200x128xf32, #tpu.memory_space<vmem>>, vector<1x16xf32>,
        %get3A_325 = vector.shape_cast %get3A_324 : vector<1x16xf32> to vector<16xf32>
        %mul3A_326 = arith.mulf %get3A_81, %get3A_325 : vector<16xf32>
        %add3A_327 = arith.addf %add3A_321, %mul3A_326 : vector<16xf32>
        %get3A_328 = arith.index_cast %add3A_286 : i32 to index
        %get3A_329 = arith.constant 112 : index
        %get3A_330 = tpu.vector_load %arg10[%get3A_328, %get3A_329] {strides = array<i32>} : memref<200x128xf32, #tpu.memory_space<vmem>>, vector<1x16xf32>,
        %get3A_331 = vector.shape_cast %get3A_330 : vector<1x16xf32> to vector<16xf32>
        %mul3A_332 = arith.mulf %get3A_85, %get3A_331 : vector<16xf32>
        %add3A_333 = arith.addf %add3A_327, %mul3A_332 : vector<16xf32>
        %iota3A_334 = tpu.iota {dimensions = array<i32: 0>} : vector<16xi32>
        %add3A_335 = arith.constant 8 : i32
        %add3A_336 = vector.broadcast %add3A_335 : i32 to vector<16xi32>
        %add3A_337 = arith.addi %iota3A_334, %add3A_336 : vector<16xi32>
        %and3A_338 = arith.constant 15 : i32
        %and3A_339 = vector.broadcast %and3A_338 : i32 to vector<16xi32>
        %and3A_340 = arith.andi %add3A_337, %and3A_339 : vector<16xi32>
        %broadcast_in_dim3A_341 = vector.shape_cast %and3A_340 : vector<16xi32> to vector<16x1xi32>
        %gather3A_342 = vector.shape_cast %broadcast_in_dim3A_341 : vector<16x1xi32> to vector<16xi32>
        %gather3A_343 = tpu.dynamic_gather %add3A_333[%gather3A_342] in [0] : vector<16xf32>, vector<16xi32> -> vector<16xf32>
        %add3A_344 = arith.addf %add3A_333, %gather3A_343 : vector<16xf32>
        %iota3A_345 = tpu.iota {dimensions = array<i32: 0>} : vector<16xi32>
        %add3A_346 = arith.constant 4 : i32
        %add3A_347 = vector.broadcast %add3A_346 : i32 to vector<16xi32>
        %add3A_348 = arith.addi %iota3A_345, %add3A_347 : vector<16xi32>
        %and3A_349 = arith.constant 15 : i32
        %and3A_350 = vector.broadcast %and3A_349 : i32 to vector<16xi32>
        %and3A_351 = arith.andi %add3A_348, %and3A_350 : vector<16xi32>
        %broadcast_in_dim3A_352 = vector.shape_cast %and3A_351 : vector<16xi32> to vector<16x1xi32>
        %gather3A_353 = vector.shape_cast %broadcast_in_dim3A_352 : vector<16x1xi32> to vector<16xi32>
        %gather3A_354 = tpu.dynamic_gather %add3A_344[%gather3A_353] in [0] : vector<16xf32>, vector<16xi32> -> vector<16xf32>
        %add3A_355 = arith.addf %add3A_344, %gather3A_354 : vector<16xf32>
        %iota3A_356 = tpu.iota {dimensions = array<i32: 0>} : vector<16xi32>
        %add3A_357 = arith.constant 2 : i32
        %add3A_358 = vector.broadcast %add3A_357 : i32 to vector<16xi32>
        %add3A_359 = arith.addi %iota3A_356, %add3A_358 : vector<16xi32>
        %and3A_360 = arith.constant 15 : i32
        %and3A_361 = vector.broadcast %and3A_360 : i32 to vector<16xi32>
        %and3A_362 = arith.andi %add3A_359, %and3A_361 : vector<16xi32>
        %broadcast_in_dim3A_363 = vector.shape_cast %and3A_362 : vector<16xi32> to vector<16x1xi32>
        %gather3A_364 = vector.shape_cast %broadcast_in_dim3A_363 : vector<16x1xi32> to vector<16xi32>
        %gather3A_365 = tpu.dynamic_gather %add3A_355[%gather3A_364] in [0] : vector<16xf32>, vector<16xi32> -> vector<16xf32>
        %add3A_366 = arith.addf %add3A_355, %gather3A_365 : vector<16xf32>
        %iota3A_367 = tpu.iota {dimensions = array<i32: 0>} : vector<16xi32>
        %add3A_368 = arith.constant 1 : i32
        %add3A_369 = vector.broadcast %add3A_368 : i32 to vector<16xi32>
        %add3A_370 = arith.addi %iota3A_367, %add3A_369 : vector<16xi32>
        %and3A_371 = arith.constant 15 : i32
        %and3A_372 = vector.broadcast %and3A_371 : i32 to vector<16xi32>
        %and3A_373 = arith.andi %add3A_370, %and3A_372 : vector<16xi32>
        %broadcast_in_dim3A_374 = vector.shape_cast %and3A_373 : vector<16xi32> to vector<16x1xi32>
        %gather3A_375 = vector.shape_cast %broadcast_in_dim3A_374 : vector<16x1xi32> to vector<16xi32>
        %gather3A_376 = tpu.dynamic_gather %add3A_366[%gather3A_375] in [0] : vector<16xf32>, vector<16xi32> -> vector<16xf32>
        %add3A_377 = arith.addf %add3A_366, %gather3A_376 : vector<16xf32>
        %eq3A_378 = arith.constant 2 : i32
        %eq3A_379 = vector.broadcast %eq3A_378 : i32 to vector<16xi32>
        %eq3A_380 = arith.cmpi eq, %iota3A, %eq3A_379 : vector<16xi32>
        %select_n3A_381 = arith.select %eq3A_380, %add3A_377, %select_n3A_282 : vector<16xi1>, vector<16xf32>
        %mul3A_382 = arith.constant 25 : i32
        %mul3A_383 = arith.muli %scan3A_51, %mul3A_382 : i32
        %add3A_384 = arith.constant 3 : i32
        %add3A_385 = arith.addi %mul3A_383, %add3A_384 : i32
        %get3A_386 = arith.index_cast %add3A_385 : i32 to index
        %get3A_387 = arith.constant 0 : index
        %get3A_388 = tpu.vector_load %arg10[%get3A_386, %get3A_387] {strides = array<i32>} : memref<200x128xf32, #tpu.memory_space<vmem>>, vector<1x16xf32>,
        %get3A_389 = vector.shape_cast %get3A_388 : vector<1x16xf32> to vector<16xf32>
        %mul3A_390 = arith.mulf %get3A_57, %get3A_389 : vector<16xf32>
        %get3A_391 = arith.index_cast %add3A_385 : i32 to index
        %get3A_392 = arith.constant 16 : index
        %get3A_393 = tpu.vector_load %arg10[%get3A_391, %get3A_392] {strides = array<i32>} : memref<200x128xf32, #tpu.memory_space<vmem>>, vector<1x16xf32>,
        %get3A_394 = vector.shape_cast %get3A_393 : vector<1x16xf32> to vector<16xf32>
        %mul3A_395 = arith.mulf %get3A_61, %get3A_394 : vector<16xf32>
        %add3A_396 = arith.addf %mul3A_390, %mul3A_395 : vector<16xf32>
        %get3A_397 = arith.index_cast %add3A_385 : i32 to index
        %get3A_398 = arith.constant 32 : index
        %get3A_399 = tpu.vector_load %arg10[%get3A_397, %get3A_398] {strides = array<i32>} : memref<200x128xf32, #tpu.memory_space<vmem>>, vector<1x16xf32>,
        %get3A_400 = vector.shape_cast %get3A_399 : vector<1x16xf32> to vector<16xf32>
        %mul3A_401 = arith.mulf %get3A_65, %get3A_400 : vector<16xf32>
        %add3A_402 = arith.addf %add3A_396, %mul3A_401 : vector<16xf32>
        %get3A_403 = arith.index_cast %add3A_385 : i32 to index
        %get3A_404 = arith.constant 48 : index
        %get3A_405 = tpu.vector_load %arg10[%get3A_403, %get3A_404] {strides = array<i32>} : memref<200x128xf32, #tpu.memory_space<vmem>>, vector<1x16xf32>,
        %get3A_406 = vector.shape_cast %get3A_405 : vector<1x16xf32> to vector<16xf32>
        %mul3A_407 = arith.mulf %get3A_69, %get3A_406 : vector<16xf32>
        %add3A_408 = arith.addf %add3A_402, %mul3A_407 : vector<16xf32>
        %get3A_409 = arith.index_cast %add3A_385 : i32 to index
        %get3A_410 = arith.constant 64 : index
        %get3A_411 = tpu.vector_load %arg10[%get3A_409, %get3A_410] {strides = array<i32>} : memref<200x128xf32, #tpu.memory_space<vmem>>, vector<1x16xf32>,
        %get3A_412 = vector.shape_cast %get3A_411 : vector<1x16xf32> to vector<16xf32>
        %mul3A_413 = arith.mulf %get3A_73, %get3A_412 : vector<16xf32>
        %add3A_414 = arith.addf %add3A_408, %mul3A_413 : vector<16xf32>
        %get3A_415 = arith.index_cast %add3A_385 : i32 to index
        %get3A_416 = arith.constant 80 : index
        %get3A_417 = tpu.vector_load %arg10[%get3A_415, %get3A_416] {strides = array<i32>} : memref<200x128xf32, #tpu.memory_space<vmem>>, vector<1x16xf32>,
        %get3A_418 = vector.shape_cast %get3A_417 : vector<1x16xf32> to vector<16xf32>
        %mul3A_419 = arith.mulf %get3A_77, %get3A_418 : vector<16xf32>
        %add3A_420 = arith.addf %add3A_414, %mul3A_419 : vector<16xf32>
        %get3A_421 = arith.index_cast %add3A_385 : i32 to index
        %get3A_422 = arith.constant 96 : index
        %get3A_423 = tpu.vector_load %arg10[%get3A_421, %get3A_422] {strides = array<i32>} : memref<200x128xf32, #tpu.memory_space<vmem>>, vector<1x16xf32>,
        %get3A_424 = vector.shape_cast %get3A_423 : vector<1x16xf32> to vector<16xf32>
        %mul3A_425 = arith.mulf %get3A_81, %get3A_424 : vector<16xf32>
        %add3A_426 = arith.addf %add3A_420, %mul3A_425 : vector<16xf32>
        %get3A_427 = arith.index_cast %add3A_385 : i32 to index
        %get3A_428 = arith.constant 112 : index
        %get3A_429 = tpu.vector_load %arg10[%get3A_427, %get3A_428] {strides = array<i32>} : memref<200x128xf32, #tpu.memory_space<vmem>>, vector<1x16xf32>,
        %get3A_430 = vector.shape_cast %get3A_429 : vector<1x16xf32> to vector<16xf32>
        %mul3A_431 = arith.mulf %get3A_85, %get3A_430 : vector<16xf32>
        %add3A_432 = arith.addf %add3A_426, %mul3A_431 : vector<16xf32>
        %iota3A_433 = tpu.iota {dimensions = array<i32: 0>} : vector<16xi32>
        %add3A_434 = arith.constant 8 : i32
        %add3A_435 = vector.broadcast %add3A_434 : i32 to vector<16xi32>
        %add3A_436 = arith.addi %iota3A_433, %add3A_435 : vector<16xi32>
        %and3A_437 = arith.constant 15 : i32
        %and3A_438 = vector.broadcast %and3A_437 : i32 to vector<16xi32>
        %and3A_439 = arith.andi %add3A_436, %and3A_438 : vector<16xi32>
        %broadcast_in_dim3A_440 = vector.shape_cast %and3A_439 : vector<16xi32> to vector<16x1xi32>
        %gather3A_441 = vector.shape_cast %broadcast_in_dim3A_440 : vector<16x1xi32> to vector<16xi32>
        %gather3A_442 = tpu.dynamic_gather %add3A_432[%gather3A_441] in [0] : vector<16xf32>, vector<16xi32> -> vector<16xf32>
        %add3A_443 = arith.addf %add3A_432, %gather3A_442 : vector<16xf32>
        %iota3A_444 = tpu.iota {dimensions = array<i32: 0>} : vector<16xi32>
        %add3A_445 = arith.constant 4 : i32
        %add3A_446 = vector.broadcast %add3A_445 : i32 to vector<16xi32>
        %add3A_447 = arith.addi %iota3A_444, %add3A_446 : vector<16xi32>
        %and3A_448 = arith.constant 15 : i32
        %and3A_449 = vector.broadcast %and3A_448 : i32 to vector<16xi32>
        %and3A_450 = arith.andi %add3A_447, %and3A_449 : vector<16xi32>
        %broadcast_in_dim3A_451 = vector.shape_cast %and3A_450 : vector<16xi32> to vector<16x1xi32>
        %gather3A_452 = vector.shape_cast %broadcast_in_dim3A_451 : vector<16x1xi32> to vector<16xi32>
        %gather3A_453 = tpu.dynamic_gather %add3A_443[%gather3A_452] in [0] : vector<16xf32>, vector<16xi32> -> vector<16xf32>
        %add3A_454 = arith.addf %add3A_443, %gather3A_453 : vector<16xf32>
        %iota3A_455 = tpu.iota {dimensions = array<i32: 0>} : vector<16xi32>
        %add3A_456 = arith.constant 2 : i32
        %add3A_457 = vector.broadcast %add3A_456 : i32 to vector<16xi32>
        %add3A_458 = arith.addi %iota3A_455, %add3A_457 : vector<16xi32>
        %and3A_459 = arith.constant 15 : i32
        %and3A_460 = vector.broadcast %and3A_459 : i32 to vector<16xi32>
        %and3A_461 = arith.andi %add3A_458, %and3A_460 : vector<16xi32>
        %broadcast_in_dim3A_462 = vector.shape_cast %and3A_461 : vector<16xi32> to vector<16x1xi32>
        %gather3A_463 = vector.shape_cast %broadcast_in_dim3A_462 : vector<16x1xi32> to vector<16xi32>
        %gather3A_464 = tpu.dynamic_gather %add3A_454[%gather3A_463] in [0] : vector<16xf32>, vector<16xi32> -> vector<16xf32>
        %add3A_465 = arith.addf %add3A_454, %gather3A_464 : vector<16xf32>
        %iota3A_466 = tpu.iota {dimensions = array<i32: 0>} : vector<16xi32>
        %add3A_467 = arith.constant 1 : i32
        %add3A_468 = vector.broadcast %add3A_467 : i32 to vector<16xi32>
        %add3A_469 = arith.addi %iota3A_466, %add3A_468 : vector<16xi32>
        %and3A_470 = arith.constant 15 : i32
        %and3A_471 = vector.broadcast %and3A_470 : i32 to vector<16xi32>
        %and3A_472 = arith.andi %add3A_469, %and3A_471 : vector<16xi32>
        %broadcast_in_dim3A_473 = vector.shape_cast %and3A_472 : vector<16xi32> to vector<16x1xi32>
        %gather3A_474 = vector.shape_cast %broadcast_in_dim3A_473 : vector<16x1xi32> to vector<16xi32>
        %gather3A_475 = tpu.dynamic_gather %add3A_465[%gather3A_474] in [0] : vector<16xf32>, vector<16xi32> -> vector<16xf32>
        %add3A_476 = arith.addf %add3A_465, %gather3A_475 : vector<16xf32>
        %eq3A_477 = arith.constant 3 : i32
        %eq3A_478 = vector.broadcast %eq3A_477 : i32 to vector<16xi32>
        %eq3A_479 = arith.cmpi eq, %iota3A, %eq3A_478 : vector<16xi32>
        %select_n3A_480 = arith.select %eq3A_479, %add3A_476, %select_n3A_381 : vector<16xi1>, vector<16xf32>
        %mul3A_481 = arith.constant 25 : i32
        %mul3A_482 = arith.muli %scan3A_51, %mul3A_481 : i32
        %add3A_483 = arith.constant 4 : i32
        %add3A_484 = arith.addi %mul3A_482, %add3A_483 : i32
        %get3A_485 = arith.index_cast %add3A_484 : i32 to index
        %get3A_486 = arith.constant 0 : index
        %get3A_487 = tpu.vector_load %arg10[%get3A_485, %get3A_486] {strides = array<i32>} : memref<200x128xf32, #tpu.memory_space<vmem>>, vector<1x16xf32>,
        %get3A_488 = vector.shape_cast %get3A_487 : vector<1x16xf32> to vector<16xf32>
        %mul3A_489 = arith.mulf %get3A_57, %get3A_488 : vector<16xf32>
        %get3A_490 = arith.index_cast %add3A_484 : i32 to index
        %get3A_491 = arith.constant 16 : index
        %get3A_492 = tpu.vector_load %arg10[%get3A_490, %get3A_491] {strides = array<i32>} : memref<200x128xf32, #tpu.memory_space<vmem>>, vector<1x16xf32>,
        %get3A_493 = vector.shape_cast %get3A_492 : vector<1x16xf32> to vector<16xf32>
        %mul3A_494 = arith.mulf %get3A_61, %get3A_493 : vector<16xf32>
        %add3A_495 = arith.addf %mul3A_489, %mul3A_494 : vector<16xf32>
        %get3A_496 = arith.index_cast %add3A_484 : i32 to index
        %get3A_497 = arith.constant 32 : index
        %get3A_498 = tpu.vector_load %arg10[%get3A_496, %get3A_497] {strides = array<i32>} : memref<200x128xf32, #tpu.memory_space<vmem>>, vector<1x16xf32>,
        %get3A_499 = vector.shape_cast %get3A_498 : vector<1x16xf32> to vector<16xf32>
        %mul3A_500 = arith.mulf %get3A_65, %get3A_499 : vector<16xf32>
        %add3A_501 = arith.addf %add3A_495, %mul3A_500 : vector<16xf32>
        %get3A_502 = arith.index_cast %add3A_484 : i32 to index
        %get3A_503 = arith.constant 48 : index
        %get3A_504 = tpu.vector_load %arg10[%get3A_502, %get3A_503] {strides = array<i32>} : memref<200x128xf32, #tpu.memory_space<vmem>>, vector<1x16xf32>,
        %get3A_505 = vector.shape_cast %get3A_504 : vector<1x16xf32> to vector<16xf32>
        %mul3A_506 = arith.mulf %get3A_69, %get3A_505 : vector<16xf32>
        %add3A_507 = arith.addf %add3A_501, %mul3A_506 : vector<16xf32>
        %get3A_508 = arith.index_cast %add3A_484 : i32 to index
        %get3A_509 = arith.constant 64 : index
        %get3A_510 = tpu.vector_load %arg10[%get3A_508, %get3A_509] {strides = array<i32>} : memref<200x128xf32, #tpu.memory_space<vmem>>, vector<1x16xf32>,
        %get3A_511 = vector.shape_cast %get3A_510 : vector<1x16xf32> to vector<16xf32>
        %mul3A_512 = arith.mulf %get3A_73, %get3A_511 : vector<16xf32>
        %add3A_513 = arith.addf %add3A_507, %mul3A_512 : vector<16xf32>
        %get3A_514 = arith.index_cast %add3A_484 : i32 to index
        %get3A_515 = arith.constant 80 : index
        %get3A_516 = tpu.vector_load %arg10[%get3A_514, %get3A_515] {strides = array<i32>} : memref<200x128xf32, #tpu.memory_space<vmem>>, vector<1x16xf32>,
        %get3A_517 = vector.shape_cast %get3A_516 : vector<1x16xf32> to vector<16xf32>
        %mul3A_518 = arith.mulf %get3A_77, %get3A_517 : vector<16xf32>
        %add3A_519 = arith.addf %add3A_513, %mul3A_518 : vector<16xf32>
        %get3A_520 = arith.index_cast %add3A_484 : i32 to index
        %get3A_521 = arith.constant 96 : index
        %get3A_522 = tpu.vector_load %arg10[%get3A_520, %get3A_521] {strides = array<i32>} : memref<200x128xf32, #tpu.memory_space<vmem>>, vector<1x16xf32>,
        %get3A_523 = vector.shape_cast %get3A_522 : vector<1x16xf32> to vector<16xf32>
        %mul3A_524 = arith.mulf %get3A_81, %get3A_523 : vector<16xf32>
        %add3A_525 = arith.addf %add3A_519, %mul3A_524 : vector<16xf32>
        %get3A_526 = arith.index_cast %add3A_484 : i32 to index
        %get3A_527 = arith.constant 112 : index
        %get3A_528 = tpu.vector_load %arg10[%get3A_526, %get3A_527] {strides = array<i32>} : memref<200x128xf32, #tpu.memory_space<vmem>>, vector<1x16xf32>,
        %get3A_529 = vector.shape_cast %get3A_528 : vector<1x16xf32> to vector<16xf32>
        %mul3A_530 = arith.mulf %get3A_85, %get3A_529 : vector<16xf32>
        %add3A_531 = arith.addf %add3A_525, %mul3A_530 : vector<16xf32>
        %iota3A_532 = tpu.iota {dimensions = array<i32: 0>} : vector<16xi32>
        %add3A_533 = arith.constant 8 : i32
        %add3A_534 = vector.broadcast %add3A_533 : i32 to vector<16xi32>
        %add3A_535 = arith.addi %iota3A_532, %add3A_534 : vector<16xi32>
        %and3A_536 = arith.constant 15 : i32
        %and3A_537 = vector.broadcast %and3A_536 : i32 to vector<16xi32>
        %and3A_538 = arith.andi %add3A_535, %and3A_537 : vector<16xi32>
        %broadcast_in_dim3A_539 = vector.shape_cast %and3A_538 : vector<16xi32> to vector<16x1xi32>
        %gather3A_540 = vector.shape_cast %broadcast_in_dim3A_539 : vector<16x1xi32> to vector<16xi32>
        %gather3A_541 = tpu.dynamic_gather %add3A_531[%gather3A_540] in [0] : vector<16xf32>, vector<16xi32> -> vector<16xf32>
        %add3A_542 = arith.addf %add3A_531, %gather3A_541 : vector<16xf32>
        %iota3A_543 = tpu.iota {dimensions = array<i32: 0>} : vector<16xi32>
        %add3A_544 = arith.constant 4 : i32
        %add3A_545 = vector.broadcast %add3A_544 : i32 to vector<16xi32>
        %add3A_546 = arith.addi %iota3A_543, %add3A_545 : vector<16xi32>
        %and3A_547 = arith.constant 15 : i32
        %and3A_548 = vector.broadcast %and3A_547 : i32 to vector<16xi32>
        %and3A_549 = arith.andi %add3A_546, %and3A_548 : vector<16xi32>
        %broadcast_in_dim3A_550 = vector.shape_cast %and3A_549 : vector<16xi32> to vector<16x1xi32>
        %gather3A_551 = vector.shape_cast %broadcast_in_dim3A_550 : vector<16x1xi32> to vector<16xi32>
        %gather3A_552 = tpu.dynamic_gather %add3A_542[%gather3A_551] in [0] : vector<16xf32>, vector<16xi32> -> vector<16xf32>
        %add3A_553 = arith.addf %add3A_542, %gather3A_552 : vector<16xf32>
        %iota3A_554 = tpu.iota {dimensions = array<i32: 0>} : vector<16xi32>
        %add3A_555 = arith.constant 2 : i32
        %add3A_556 = vector.broadcast %add3A_555 : i32 to vector<16xi32>
        %add3A_557 = arith.addi %iota3A_554, %add3A_556 : vector<16xi32>
        %and3A_558 = arith.constant 15 : i32
        %and3A_559 = vector.broadcast %and3A_558 : i32 to vector<16xi32>
        %and3A_560 = arith.andi %add3A_557, %and3A_559 : vector<16xi32>
        %broadcast_in_dim3A_561 = vector.shape_cast %and3A_560 : vector<16xi32> to vector<16x1xi32>
        %gather3A_562 = vector.shape_cast %broadcast_in_dim3A_561 : vector<16x1xi32> to vector<16xi32>
        %gather3A_563 = tpu.dynamic_gather %add3A_553[%gather3A_562] in [0] : vector<16xf32>, vector<16xi32> -> vector<16xf32>
        %add3A_564 = arith.addf %add3A_553, %gather3A_563 : vector<16xf32>
        %iota3A_565 = tpu.iota {dimensions = array<i32: 0>} : vector<16xi32>
        %add3A_566 = arith.constant 1 : i32
        %add3A_567 = vector.broadcast %add3A_566 : i32 to vector<16xi32>
        %add3A_568 = arith.addi %iota3A_565, %add3A_567 : vector<16xi32>
        %and3A_569 = arith.constant 15 : i32
        %and3A_570 = vector.broadcast %and3A_569 : i32 to vector<16xi32>
        %and3A_571 = arith.andi %add3A_568, %and3A_570 : vector<16xi32>
        %broadcast_in_dim3A_572 = vector.shape_cast %and3A_571 : vector<16xi32> to vector<16x1xi32>
        %gather3A_573 = vector.shape_cast %broadcast_in_dim3A_572 : vector<16x1xi32> to vector<16xi32>
        %gather3A_574 = tpu.dynamic_gather %add3A_564[%gather3A_573] in [0] : vector<16xf32>, vector<16xi32> -> vector<16xf32>
        %add3A_575 = arith.addf %add3A_564, %gather3A_574 : vector<16xf32>
        %eq3A_576 = arith.constant 4 : i32
        %eq3A_577 = vector.broadcast %eq3A_576 : i32 to vector<16xi32>
        %eq3A_578 = arith.cmpi eq, %iota3A, %eq3A_577 : vector<16xi32>
        %select_n3A_579 = arith.select %eq3A_578, %add3A_575, %select_n3A_480 : vector<16xi1>, vector<16xf32>
        %mul3A_580 = arith.constant 25 : i32
        %mul3A_581 = arith.muli %scan3A_51, %mul3A_580 : i32
        %add3A_582 = arith.constant 5 : i32
        %add3A_583 = arith.addi %mul3A_581, %add3A_582 : i32
        %get3A_584 = arith.index_cast %add3A_583 : i32 to index
        %get3A_585 = arith.constant 0 : index
        %get3A_586 = tpu.vector_load %arg10[%get3A_584, %get3A_585] {strides = array<i32>} : memref<200x128xf32, #tpu.memory_space<vmem>>, vector<1x16xf32>,
        %get3A_587 = vector.shape_cast %get3A_586 : vector<1x16xf32> to vector<16xf32>
        %mul3A_588 = arith.mulf %get3A_57, %get3A_587 : vector<16xf32>
        %get3A_589 = arith.index_cast %add3A_583 : i32 to index
        %get3A_590 = arith.constant 16 : index
        %get3A_591 = tpu.vector_load %arg10[%get3A_589, %get3A_590] {strides = array<i32>} : memref<200x128xf32, #tpu.memory_space<vmem>>, vector<1x16xf32>,
        %get3A_592 = vector.shape_cast %get3A_591 : vector<1x16xf32> to vector<16xf32>
        %mul3A_593 = arith.mulf %get3A_61, %get3A_592 : vector<16xf32>
        %add3A_594 = arith.addf %mul3A_588, %mul3A_593 : vector<16xf32>
        %get3A_595 = arith.index_cast %add3A_583 : i32 to index
        %get3A_596 = arith.constant 32 : index
        %get3A_597 = tpu.vector_load %arg10[%get3A_595, %get3A_596] {strides = array<i32>} : memref<200x128xf32, #tpu.memory_space<vmem>>, vector<1x16xf32>,
        %get3A_598 = vector.shape_cast %get3A_597 : vector<1x16xf32> to vector<16xf32>
        %mul3A_599 = arith.mulf %get3A_65, %get3A_598 : vector<16xf32>
        %add3A_600 = arith.addf %add3A_594, %mul3A_599 : vector<16xf32>
        %get3A_601 = arith.index_cast %add3A_583 : i32 to index
        %get3A_602 = arith.constant 48 : index
        %get3A_603 = tpu.vector_load %arg10[%get3A_601, %get3A_602] {strides = array<i32>} : memref<200x128xf32, #tpu.memory_space<vmem>>, vector<1x16xf32>,
        %get3A_604 = vector.shape_cast %get3A_603 : vector<1x16xf32> to vector<16xf32>
        %mul3A_605 = arith.mulf %get3A_69, %get3A_604 : vector<16xf32>
        %add3A_606 = arith.addf %add3A_600, %mul3A_605 : vector<16xf32>
        %get3A_607 = arith.index_cast %add3A_583 : i32 to index
        %get3A_608 = arith.constant 64 : index
        %get3A_609 = tpu.vector_load %arg10[%get3A_607, %get3A_608] {strides = array<i32>} : memref<200x128xf32, #tpu.memory_space<vmem>>, vector<1x16xf32>,
        %get3A_610 = vector.shape_cast %get3A_609 : vector<1x16xf32> to vector<16xf32>
        %mul3A_611 = arith.mulf %get3A_73, %get3A_610 : vector<16xf32>
        %add3A_612 = arith.addf %add3A_606, %mul3A_611 : vector<16xf32>
        %get3A_613 = arith.index_cast %add3A_583 : i32 to index
        %get3A_614 = arith.constant 80 : index
        %get3A_615 = tpu.vector_load %arg10[%get3A_613, %get3A_614] {strides = array<i32>} : memref<200x128xf32, #tpu.memory_space<vmem>>, vector<1x16xf32>,
        %get3A_616 = vector.shape_cast %get3A_615 : vector<1x16xf32> to vector<16xf32>
        %mul3A_617 = arith.mulf %get3A_77, %get3A_616 : vector<16xf32>
        %add3A_618 = arith.addf %add3A_612, %mul3A_617 : vector<16xf32>
        %get3A_619 = arith.index_cast %add3A_583 : i32 to index
        %get3A_620 = arith.constant 96 : index
        %get3A_621 = tpu.vector_load %arg10[%get3A_619, %get3A_620] {strides = array<i32>} : memref<200x128xf32, #tpu.memory_space<vmem>>, vector<1x16xf32>,
        %get3A_622 = vector.shape_cast %get3A_621 : vector<1x16xf32> to vector<16xf32>
        %mul3A_623 = arith.mulf %get3A_81, %get3A_622 : vector<16xf32>
        %add3A_624 = arith.addf %add3A_618, %mul3A_623 : vector<16xf32>
        %get3A_625 = arith.index_cast %add3A_583 : i32 to index
        %get3A_626 = arith.constant 112 : index
        %get3A_627 = tpu.vector_load %arg10[%get3A_625, %get3A_626] {strides = array<i32>} : memref<200x128xf32, #tpu.memory_space<vmem>>, vector<1x16xf32>,
        %get3A_628 = vector.shape_cast %get3A_627 : vector<1x16xf32> to vector<16xf32>
        %mul3A_629 = arith.mulf %get3A_85, %get3A_628 : vector<16xf32>
        %add3A_630 = arith.addf %add3A_624, %mul3A_629 : vector<16xf32>
        %iota3A_631 = tpu.iota {dimensions = array<i32: 0>} : vector<16xi32>
        %add3A_632 = arith.constant 8 : i32
        %add3A_633 = vector.broadcast %add3A_632 : i32 to vector<16xi32>
        %add3A_634 = arith.addi %iota3A_631, %add3A_633 : vector<16xi32>
        %and3A_635 = arith.constant 15 : i32
        %and3A_636 = vector.broadcast %and3A_635 : i32 to vector<16xi32>
        %and3A_637 = arith.andi %add3A_634, %and3A_636 : vector<16xi32>
        %broadcast_in_dim3A_638 = vector.shape_cast %and3A_637 : vector<16xi32> to vector<16x1xi32>
        %gather3A_639 = vector.shape_cast %broadcast_in_dim3A_638 : vector<16x1xi32> to vector<16xi32>
        %gather3A_640 = tpu.dynamic_gather %add3A_630[%gather3A_639] in [0] : vector<16xf32>, vector<16xi32> -> vector<16xf32>
        %add3A_641 = arith.addf %add3A_630, %gather3A_640 : vector<16xf32>
        %iota3A_642 = tpu.iota {dimensions = array<i32: 0>} : vector<16xi32>
        %add3A_643 = arith.constant 4 : i32
        %add3A_644 = vector.broadcast %add3A_643 : i32 to vector<16xi32>
        %add3A_645 = arith.addi %iota3A_642, %add3A_644 : vector<16xi32>
        %and3A_646 = arith.constant 15 : i32
        %and3A_647 = vector.broadcast %and3A_646 : i32 to vector<16xi32>
        %and3A_648 = arith.andi %add3A_645, %and3A_647 : vector<16xi32>
        %broadcast_in_dim3A_649 = vector.shape_cast %and3A_648 : vector<16xi32> to vector<16x1xi32>
        %gather3A_650 = vector.shape_cast %broadcast_in_dim3A_649 : vector<16x1xi32> to vector<16xi32>
        %gather3A_651 = tpu.dynamic_gather %add3A_641[%gather3A_650] in [0] : vector<16xf32>, vector<16xi32> -> vector<16xf32>
        %add3A_652 = arith.addf %add3A_641, %gather3A_651 : vector<16xf32>
        %iota3A_653 = tpu.iota {dimensions = array<i32: 0>} : vector<16xi32>
        %add3A_654 = arith.constant 2 : i32
        %add3A_655 = vector.broadcast %add3A_654 : i32 to vector<16xi32>
        %add3A_656 = arith.addi %iota3A_653, %add3A_655 : vector<16xi32>
        %and3A_657 = arith.constant 15 : i32
        %and3A_658 = vector.broadcast %and3A_657 : i32 to vector<16xi32>
        %and3A_659 = arith.andi %add3A_656, %and3A_658 : vector<16xi32>
        %broadcast_in_dim3A_660 = vector.shape_cast %and3A_659 : vector<16xi32> to vector<16x1xi32>
        %gather3A_661 = vector.shape_cast %broadcast_in_dim3A_660 : vector<16x1xi32> to vector<16xi32>
        %gather3A_662 = tpu.dynamic_gather %add3A_652[%gather3A_661] in [0] : vector<16xf32>, vector<16xi32> -> vector<16xf32>
        %add3A_663 = arith.addf %add3A_652, %gather3A_662 : vector<16xf32>
        %iota3A_664 = tpu.iota {dimensions = array<i32: 0>} : vector<16xi32>
        %add3A_665 = arith.constant 1 : i32
        %add3A_666 = vector.broadcast %add3A_665 : i32 to vector<16xi32>
        %add3A_667 = arith.addi %iota3A_664, %add3A_666 : vector<16xi32>
        %and3A_668 = arith.constant 15 : i32
        %and3A_669 = vector.broadcast %and3A_668 : i32 to vector<16xi32>
        %and3A_670 = arith.andi %add3A_667, %and3A_669 : vector<16xi32>
        %broadcast_in_dim3A_671 = vector.shape_cast %and3A_670 : vector<16xi32> to vector<16x1xi32>
        %gather3A_672 = vector.shape_cast %broadcast_in_dim3A_671 : vector<16x1xi32> to vector<16xi32>
        %gather3A_673 = tpu.dynamic_gather %add3A_663[%gather3A_672] in [0] : vector<16xf32>, vector<16xi32> -> vector<16xf32>
        %add3A_674 = arith.addf %add3A_663, %gather3A_673 : vector<16xf32>
        %eq3A_675 = arith.constant 5 : i32
        %eq3A_676 = vector.broadcast %eq3A_675 : i32 to vector<16xi32>
        %eq3A_677 = arith.cmpi eq, %iota3A, %eq3A_676 : vector<16xi32>
        %select_n3A_678 = arith.select %eq3A_677, %add3A_674, %select_n3A_579 : vector<16xi1>, vector<16xf32>
        %mul3A_679 = arith.constant 25 : i32
        %mul3A_680 = arith.muli %scan3A_51, %mul3A_679 : i32
        %add3A_681 = arith.constant 6 : i32
        %add3A_682 = arith.addi %mul3A_680, %add3A_681 : i32
        %get3A_683 = arith.index_cast %add3A_682 : i32 to index
        %get3A_684 = arith.constant 0 : index
        %get3A_685 = tpu.vector_load %arg10[%get3A_683, %get3A_684] {strides = array<i32>} : memref<200x128xf32, #tpu.memory_space<vmem>>, vector<1x16xf32>,
        %get3A_686 = vector.shape_cast %get3A_685 : vector<1x16xf32> to vector<16xf32>
        %mul3A_687 = arith.mulf %get3A_57, %get3A_686 : vector<16xf32>
        %get3A_688 = arith.index_cast %add3A_682 : i32 to index
        %get3A_689 = arith.constant 16 : index
        %get3A_690 = tpu.vector_load %arg10[%get3A_688, %get3A_689] {strides = array<i32>} : memref<200x128xf32, #tpu.memory_space<vmem>>, vector<1x16xf32>,
        %get3A_691 = vector.shape_cast %get3A_690 : vector<1x16xf32> to vector<16xf32>
        %mul3A_692 = arith.mulf %get3A_61, %get3A_691 : vector<16xf32>
        %add3A_693 = arith.addf %mul3A_687, %mul3A_692 : vector<16xf32>
        %get3A_694 = arith.index_cast %add3A_682 : i32 to index
        %get3A_695 = arith.constant 32 : index
        %get3A_696 = tpu.vector_load %arg10[%get3A_694, %get3A_695] {strides = array<i32>} : memref<200x128xf32, #tpu.memory_space<vmem>>, vector<1x16xf32>,
        %get3A_697 = vector.shape_cast %get3A_696 : vector<1x16xf32> to vector<16xf32>
        %mul3A_698 = arith.mulf %get3A_65, %get3A_697 : vector<16xf32>
        %add3A_699 = arith.addf %add3A_693, %mul3A_698 : vector<16xf32>
        %get3A_700 = arith.index_cast %add3A_682 : i32 to index
        %get3A_701 = arith.constant 48 : index
        %get3A_702 = tpu.vector_load %arg10[%get3A_700, %get3A_701] {strides = array<i32>} : memref<200x128xf32, #tpu.memory_space<vmem>>, vector<1x16xf32>,
        %get3A_703 = vector.shape_cast %get3A_702 : vector<1x16xf32> to vector<16xf32>
        %mul3A_704 = arith.mulf %get3A_69, %get3A_703 : vector<16xf32>
        %add3A_705 = arith.addf %add3A_699, %mul3A_704 : vector<16xf32>
        %get3A_706 = arith.index_cast %add3A_682 : i32 to index
        %get3A_707 = arith.constant 64 : index
        %get3A_708 = tpu.vector_load %arg10[%get3A_706, %get3A_707] {strides = array<i32>} : memref<200x128xf32, #tpu.memory_space<vmem>>, vector<1x16xf32>,
        %get3A_709 = vector.shape_cast %get3A_708 : vector<1x16xf32> to vector<16xf32>
        %mul3A_710 = arith.mulf %get3A_73, %get3A_709 : vector<16xf32>
        %add3A_711 = arith.addf %add3A_705, %mul3A_710 : vector<16xf32>
        %get3A_712 = arith.index_cast %add3A_682 : i32 to index
        %get3A_713 = arith.constant 80 : index
        %get3A_714 = tpu.vector_load %arg10[%get3A_712, %get3A_713] {strides = array<i32>} : memref<200x128xf32, #tpu.memory_space<vmem>>, vector<1x16xf32>,
        %get3A_715 = vector.shape_cast %get3A_714 : vector<1x16xf32> to vector<16xf32>
        %mul3A_716 = arith.mulf %get3A_77, %get3A_715 : vector<16xf32>
        %add3A_717 = arith.addf %add3A_711, %mul3A_716 : vector<16xf32>
        %get3A_718 = arith.index_cast %add3A_682 : i32 to index
        %get3A_719 = arith.constant 96 : index
        %get3A_720 = tpu.vector_load %arg10[%get3A_718, %get3A_719] {strides = array<i32>} : memref<200x128xf32, #tpu.memory_space<vmem>>, vector<1x16xf32>,
        %get3A_721 = vector.shape_cast %get3A_720 : vector<1x16xf32> to vector<16xf32>
        %mul3A_722 = arith.mulf %get3A_81, %get3A_721 : vector<16xf32>
        %add3A_723 = arith.addf %add3A_717, %mul3A_722 : vector<16xf32>
        %get3A_724 = arith.index_cast %add3A_682 : i32 to index
        %get3A_725 = arith.constant 112 : index
        %get3A_726 = tpu.vector_load %arg10[%get3A_724, %get3A_725] {strides = array<i32>} : memref<200x128xf32, #tpu.memory_space<vmem>>, vector<1x16xf32>,
        %get3A_727 = vector.shape_cast %get3A_726 : vector<1x16xf32> to vector<16xf32>
        %mul3A_728 = arith.mulf %get3A_85, %get3A_727 : vector<16xf32>
        %add3A_729 = arith.addf %add3A_723, %mul3A_728 : vector<16xf32>
        %iota3A_730 = tpu.iota {dimensions = array<i32: 0>} : vector<16xi32>
        %add3A_731 = arith.constant 8 : i32
        %add3A_732 = vector.broadcast %add3A_731 : i32 to vector<16xi32>
        %add3A_733 = arith.addi %iota3A_730, %add3A_732 : vector<16xi32>
        %and3A_734 = arith.constant 15 : i32
        %and3A_735 = vector.broadcast %and3A_734 : i32 to vector<16xi32>
        %and3A_736 = arith.andi %add3A_733, %and3A_735 : vector<16xi32>
        %broadcast_in_dim3A_737 = vector.shape_cast %and3A_736 : vector<16xi32> to vector<16x1xi32>
        %gather3A_738 = vector.shape_cast %broadcast_in_dim3A_737 : vector<16x1xi32> to vector<16xi32>
        %gather3A_739 = tpu.dynamic_gather %add3A_729[%gather3A_738] in [0] : vector<16xf32>, vector<16xi32> -> vector<16xf32>
        %add3A_740 = arith.addf %add3A_729, %gather3A_739 : vector<16xf32>
        %iota3A_741 = tpu.iota {dimensions = array<i32: 0>} : vector<16xi32>
        %add3A_742 = arith.constant 4 : i32
        %add3A_743 = vector.broadcast %add3A_742 : i32 to vector<16xi32>
        %add3A_744 = arith.addi %iota3A_741, %add3A_743 : vector<16xi32>
        %and3A_745 = arith.constant 15 : i32
        %and3A_746 = vector.broadcast %and3A_745 : i32 to vector<16xi32>
        %and3A_747 = arith.andi %add3A_744, %and3A_746 : vector<16xi32>
        %broadcast_in_dim3A_748 = vector.shape_cast %and3A_747 : vector<16xi32> to vector<16x1xi32>
        %gather3A_749 = vector.shape_cast %broadcast_in_dim3A_748 : vector<16x1xi32> to vector<16xi32>
        %gather3A_750 = tpu.dynamic_gather %add3A_740[%gather3A_749] in [0] : vector<16xf32>, vector<16xi32> -> vector<16xf32>
        %add3A_751 = arith.addf %add3A_740, %gather3A_750 : vector<16xf32>
        %iota3A_752 = tpu.iota {dimensions = array<i32: 0>} : vector<16xi32>
        %add3A_753 = arith.constant 2 : i32
        %add3A_754 = vector.broadcast %add3A_753 : i32 to vector<16xi32>
        %add3A_755 = arith.addi %iota3A_752, %add3A_754 : vector<16xi32>
        %and3A_756 = arith.constant 15 : i32
        %and3A_757 = vector.broadcast %and3A_756 : i32 to vector<16xi32>
        %and3A_758 = arith.andi %add3A_755, %and3A_757 : vector<16xi32>
        %broadcast_in_dim3A_759 = vector.shape_cast %and3A_758 : vector<16xi32> to vector<16x1xi32>
        %gather3A_760 = vector.shape_cast %broadcast_in_dim3A_759 : vector<16x1xi32> to vector<16xi32>
        %gather3A_761 = tpu.dynamic_gather %add3A_751[%gather3A_760] in [0] : vector<16xf32>, vector<16xi32> -> vector<16xf32>
        %add3A_762 = arith.addf %add3A_751, %gather3A_761 : vector<16xf32>
        %iota3A_763 = tpu.iota {dimensions = array<i32: 0>} : vector<16xi32>
        %add3A_764 = arith.constant 1 : i32
        %add3A_765 = vector.broadcast %add3A_764 : i32 to vector<16xi32>
        %add3A_766 = arith.addi %iota3A_763, %add3A_765 : vector<16xi32>
        %and3A_767 = arith.constant 15 : i32
        %and3A_768 = vector.broadcast %and3A_767 : i32 to vector<16xi32>
        %and3A_769 = arith.andi %add3A_766, %and3A_768 : vector<16xi32>
        %broadcast_in_dim3A_770 = vector.shape_cast %and3A_769 : vector<16xi32> to vector<16x1xi32>
        %gather3A_771 = vector.shape_cast %broadcast_in_dim3A_770 : vector<16x1xi32> to vector<16xi32>
        %gather3A_772 = tpu.dynamic_gather %add3A_762[%gather3A_771] in [0] : vector<16xf32>, vector<16xi32> -> vector<16xf32>
        %add3A_773 = arith.addf %add3A_762, %gather3A_772 : vector<16xf32>
        %eq3A_774 = arith.constant 6 : i32
        %eq3A_775 = vector.broadcast %eq3A_774 : i32 to vector<16xi32>
        %eq3A_776 = arith.cmpi eq, %iota3A, %eq3A_775 : vector<16xi32>
        %select_n3A_777 = arith.select %eq3A_776, %add3A_773, %select_n3A_678 : vector<16xi1>, vector<16xf32>
        %mul3A_778 = arith.constant 25 : i32
        %mul3A_779 = arith.muli %scan3A_51, %mul3A_778 : i32
        %add3A_780 = arith.constant 7 : i32
        %add3A_781 = arith.addi %mul3A_779, %add3A_780 : i32
        %get3A_782 = arith.index_cast %add3A_781 : i32 to index
        %get3A_783 = arith.constant 0 : index
        %get3A_784 = tpu.vector_load %arg10[%get3A_782, %get3A_783] {strides = array<i32>} : memref<200x128xf32, #tpu.memory_space<vmem>>, vector<1x16xf32>,
        %get3A_785 = vector.shape_cast %get3A_784 : vector<1x16xf32> to vector<16xf32>
        %mul3A_786 = arith.mulf %get3A_57, %get3A_785 : vector<16xf32>
        %get3A_787 = arith.index_cast %add3A_781 : i32 to index
        %get3A_788 = arith.constant 16 : index
        %get3A_789 = tpu.vector_load %arg10[%get3A_787, %get3A_788] {strides = array<i32>} : memref<200x128xf32, #tpu.memory_space<vmem>>, vector<1x16xf32>,
        %get3A_790 = vector.shape_cast %get3A_789 : vector<1x16xf32> to vector<16xf32>
        %mul3A_791 = arith.mulf %get3A_61, %get3A_790 : vector<16xf32>
        %add3A_792 = arith.addf %mul3A_786, %mul3A_791 : vector<16xf32>
        %get3A_793 = arith.index_cast %add3A_781 : i32 to index
        %get3A_794 = arith.constant 32 : index
        %get3A_795 = tpu.vector_load %arg10[%get3A_793, %get3A_794] {strides = array<i32>} : memref<200x128xf32, #tpu.memory_space<vmem>>, vector<1x16xf32>,
        %get3A_796 = vector.shape_cast %get3A_795 : vector<1x16xf32> to vector<16xf32>
        %mul3A_797 = arith.mulf %get3A_65, %get3A_796 : vector<16xf32>
        %add3A_798 = arith.addf %add3A_792, %mul3A_797 : vector<16xf32>
        %get3A_799 = arith.index_cast %add3A_781 : i32 to index
        %get3A_800 = arith.constant 48 : index
        %get3A_801 = tpu.vector_load %arg10[%get3A_799, %get3A_800] {strides = array<i32>} : memref<200x128xf32, #tpu.memory_space<vmem>>, vector<1x16xf32>,
        %get3A_802 = vector.shape_cast %get3A_801 : vector<1x16xf32> to vector<16xf32>
        %mul3A_803 = arith.mulf %get3A_69, %get3A_802 : vector<16xf32>
        %add3A_804 = arith.addf %add3A_798, %mul3A_803 : vector<16xf32>
        %get3A_805 = arith.index_cast %add3A_781 : i32 to index
        %get3A_806 = arith.constant 64 : index
        %get3A_807 = tpu.vector_load %arg10[%get3A_805, %get3A_806] {strides = array<i32>} : memref<200x128xf32, #tpu.memory_space<vmem>>, vector<1x16xf32>,
        %get3A_808 = vector.shape_cast %get3A_807 : vector<1x16xf32> to vector<16xf32>
        %mul3A_809 = arith.mulf %get3A_73, %get3A_808 : vector<16xf32>
        %add3A_810 = arith.addf %add3A_804, %mul3A_809 : vector<16xf32>
        %get3A_811 = arith.index_cast %add3A_781 : i32 to index
        %get3A_812 = arith.constant 80 : index
        %get3A_813 = tpu.vector_load %arg10[%get3A_811, %get3A_812] {strides = array<i32>} : memref<200x128xf32, #tpu.memory_space<vmem>>, vector<1x16xf32>,
        %get3A_814 = vector.shape_cast %get3A_813 : vector<1x16xf32> to vector<16xf32>
        %mul3A_815 = arith.mulf %get3A_77, %get3A_814 : vector<16xf32>
        %add3A_816 = arith.addf %add3A_810, %mul3A_815 : vector<16xf32>
        %get3A_817 = arith.index_cast %add3A_781 : i32 to index
        %get3A_818 = arith.constant 96 : index
        %get3A_819 = tpu.vector_load %arg10[%get3A_817, %get3A_818] {strides = array<i32>} : memref<200x128xf32, #tpu.memory_space<vmem>>, vector<1x16xf32>,
        %get3A_820 = vector.shape_cast %get3A_819 : vector<1x16xf32> to vector<16xf32>
        %mul3A_821 = arith.mulf %get3A_81, %get3A_820 : vector<16xf32>
        %add3A_822 = arith.addf %add3A_816, %mul3A_821 : vector<16xf32>
        %get3A_823 = arith.index_cast %add3A_781 : i32 to index
        %get3A_824 = arith.constant 112 : index
        %get3A_825 = tpu.vector_load %arg10[%get3A_823, %get3A_824] {strides = array<i32>} : memref<200x128xf32, #tpu.memory_space<vmem>>, vector<1x16xf32>,
        %get3A_826 = vector.shape_cast %get3A_825 : vector<1x16xf32> to vector<16xf32>
        %mul3A_827 = arith.mulf %get3A_85, %get3A_826 : vector<16xf32>
        %add3A_828 = arith.addf %add3A_822, %mul3A_827 : vector<16xf32>
        %iota3A_829 = tpu.iota {dimensions = array<i32: 0>} : vector<16xi32>
        %add3A_830 = arith.constant 8 : i32
        %add3A_831 = vector.broadcast %add3A_830 : i32 to vector<16xi32>
        %add3A_832 = arith.addi %iota3A_829, %add3A_831 : vector<16xi32>
        %and3A_833 = arith.constant 15 : i32
        %and3A_834 = vector.broadcast %and3A_833 : i32 to vector<16xi32>
        %and3A_835 = arith.andi %add3A_832, %and3A_834 : vector<16xi32>
        %broadcast_in_dim3A_836 = vector.shape_cast %and3A_835 : vector<16xi32> to vector<16x1xi32>
        %gather3A_837 = vector.shape_cast %broadcast_in_dim3A_836 : vector<16x1xi32> to vector<16xi32>
        %gather3A_838 = tpu.dynamic_gather %add3A_828[%gather3A_837] in [0] : vector<16xf32>, vector<16xi32> -> vector<16xf32>
        %add3A_839 = arith.addf %add3A_828, %gather3A_838 : vector<16xf32>
        %iota3A_840 = tpu.iota {dimensions = array<i32: 0>} : vector<16xi32>
        %add3A_841 = arith.constant 4 : i32
        %add3A_842 = vector.broadcast %add3A_841 : i32 to vector<16xi32>
        %add3A_843 = arith.addi %iota3A_840, %add3A_842 : vector<16xi32>
        %and3A_844 = arith.constant 15 : i32
        %and3A_845 = vector.broadcast %and3A_844 : i32 to vector<16xi32>
        %and3A_846 = arith.andi %add3A_843, %and3A_845 : vector<16xi32>
        %broadcast_in_dim3A_847 = vector.shape_cast %and3A_846 : vector<16xi32> to vector<16x1xi32>
        %gather3A_848 = vector.shape_cast %broadcast_in_dim3A_847 : vector<16x1xi32> to vector<16xi32>
        %gather3A_849 = tpu.dynamic_gather %add3A_839[%gather3A_848] in [0] : vector<16xf32>, vector<16xi32> -> vector<16xf32>
        %add3A_850 = arith.addf %add3A_839, %gather3A_849 : vector<16xf32>
        %iota3A_851 = tpu.iota {dimensions = array<i32: 0>} : vector<16xi32>
        %add3A_852 = arith.constant 2 : i32
        %add3A_853 = vector.broadcast %add3A_852 : i32 to vector<16xi32>
        %add3A_854 = arith.addi %iota3A_851, %add3A_853 : vector<16xi32>
        %and3A_855 = arith.constant 15 : i32
        %and3A_856 = vector.broadcast %and3A_855 : i32 to vector<16xi32>
        %and3A_857 = arith.andi %add3A_854, %and3A_856 : vector<16xi32>
        %broadcast_in_dim3A_858 = vector.shape_cast %and3A_857 : vector<16xi32> to vector<16x1xi32>
        %gather3A_859 = vector.shape_cast %broadcast_in_dim3A_858 : vector<16x1xi32> to vector<16xi32>
        %gather3A_860 = tpu.dynamic_gather %add3A_850[%gather3A_859] in [0] : vector<16xf32>, vector<16xi32> -> vector<16xf32>
        %add3A_861 = arith.addf %add3A_850, %gather3A_860 : vector<16xf32>
        %iota3A_862 = tpu.iota {dimensions = array<i32: 0>} : vector<16xi32>
        %add3A_863 = arith.constant 1 : i32
        %add3A_864 = vector.broadcast %add3A_863 : i32 to vector<16xi32>
        %add3A_865 = arith.addi %iota3A_862, %add3A_864 : vector<16xi32>
        %and3A_866 = arith.constant 15 : i32
        %and3A_867 = vector.broadcast %and3A_866 : i32 to vector<16xi32>
        %and3A_868 = arith.andi %add3A_865, %and3A_867 : vector<16xi32>
        %broadcast_in_dim3A_869 = vector.shape_cast %and3A_868 : vector<16xi32> to vector<16x1xi32>
        %gather3A_870 = vector.shape_cast %broadcast_in_dim3A_869 : vector<16x1xi32> to vector<16xi32>
        %gather3A_871 = tpu.dynamic_gather %add3A_861[%gather3A_870] in [0] : vector<16xf32>, vector<16xi32> -> vector<16xf32>
        %add3A_872 = arith.addf %add3A_861, %gather3A_871 : vector<16xf32>
        %eq3A_873 = arith.constant 7 : i32
        %eq3A_874 = vector.broadcast %eq3A_873 : i32 to vector<16xi32>
        %eq3A_875 = arith.cmpi eq, %iota3A, %eq3A_874 : vector<16xi32>
        %select_n3A_876 = arith.select %eq3A_875, %add3A_872, %select_n3A_777 : vector<16xi1>, vector<16xf32>
        %mul3A_877 = arith.constant 25 : i32
        %mul3A_878 = arith.muli %scan3A_51, %mul3A_877 : i32
        %add3A_879 = arith.constant 8 : i32
        %add3A_880 = arith.addi %mul3A_878, %add3A_879 : i32
        %get3A_881 = arith.index_cast %add3A_880 : i32 to index
        %get3A_882 = arith.constant 0 : index
        %get3A_883 = tpu.vector_load %arg10[%get3A_881, %get3A_882] {strides = array<i32>} : memref<200x128xf32, #tpu.memory_space<vmem>>, vector<1x16xf32>,
        %get3A_884 = vector.shape_cast %get3A_883 : vector<1x16xf32> to vector<16xf32>
        %mul3A_885 = arith.mulf %get3A_57, %get3A_884 : vector<16xf32>
        %get3A_886 = arith.index_cast %add3A_880 : i32 to index
        %get3A_887 = arith.constant 16 : index
        %get3A_888 = tpu.vector_load %arg10[%get3A_886, %get3A_887] {strides = array<i32>} : memref<200x128xf32, #tpu.memory_space<vmem>>, vector<1x16xf32>,
        %get3A_889 = vector.shape_cast %get3A_888 : vector<1x16xf32> to vector<16xf32>
        %mul3A_890 = arith.mulf %get3A_61, %get3A_889 : vector<16xf32>
        %add3A_891 = arith.addf %mul3A_885, %mul3A_890 : vector<16xf32>
        %get3A_892 = arith.index_cast %add3A_880 : i32 to index
        %get3A_893 = arith.constant 32 : index
        %get3A_894 = tpu.vector_load %arg10[%get3A_892, %get3A_893] {strides = array<i32>} : memref<200x128xf32, #tpu.memory_space<vmem>>, vector<1x16xf32>,
        %get3A_895 = vector.shape_cast %get3A_894 : vector<1x16xf32> to vector<16xf32>
        %mul3A_896 = arith.mulf %get3A_65, %get3A_895 : vector<16xf32>
        %add3A_897 = arith.addf %add3A_891, %mul3A_896 : vector<16xf32>
        %get3A_898 = arith.index_cast %add3A_880 : i32 to index
        %get3A_899 = arith.constant 48 : index
        %get3A_900 = tpu.vector_load %arg10[%get3A_898, %get3A_899] {strides = array<i32>} : memref<200x128xf32, #tpu.memory_space<vmem>>, vector<1x16xf32>,
        %get3A_901 = vector.shape_cast %get3A_900 : vector<1x16xf32> to vector<16xf32>
        %mul3A_902 = arith.mulf %get3A_69, %get3A_901 : vector<16xf32>
        %add3A_903 = arith.addf %add3A_897, %mul3A_902 : vector<16xf32>
        %get3A_904 = arith.index_cast %add3A_880 : i32 to index
        %get3A_905 = arith.constant 64 : index
        %get3A_906 = tpu.vector_load %arg10[%get3A_904, %get3A_905] {strides = array<i32>} : memref<200x128xf32, #tpu.memory_space<vmem>>, vector<1x16xf32>,
        %get3A_907 = vector.shape_cast %get3A_906 : vector<1x16xf32> to vector<16xf32>
        %mul3A_908 = arith.mulf %get3A_73, %get3A_907 : vector<16xf32>
        %add3A_909 = arith.addf %add3A_903, %mul3A_908 : vector<16xf32>
        %get3A_910 = arith.index_cast %add3A_880 : i32 to index
        %get3A_911 = arith.constant 80 : index
        %get3A_912 = tpu.vector_load %arg10[%get3A_910, %get3A_911] {strides = array<i32>} : memref<200x128xf32, #tpu.memory_space<vmem>>, vector<1x16xf32>,
        %get3A_913 = vector.shape_cast %get3A_912 : vector<1x16xf32> to vector<16xf32>
        %mul3A_914 = arith.mulf %get3A_77, %get3A_913 : vector<16xf32>
        %add3A_915 = arith.addf %add3A_909, %mul3A_914 : vector<16xf32>
        %get3A_916 = arith.index_cast %add3A_880 : i32 to index
        %get3A_917 = arith.constant 96 : index
        %get3A_918 = tpu.vector_load %arg10[%get3A_916, %get3A_917] {strides = array<i32>} : memref<200x128xf32, #tpu.memory_space<vmem>>, vector<1x16xf32>,
        %get3A_919 = vector.shape_cast %get3A_918 : vector<1x16xf32> to vector<16xf32>
        %mul3A_920 = arith.mulf %get3A_81, %get3A_919 : vector<16xf32>
        %add3A_921 = arith.addf %add3A_915, %mul3A_920 : vector<16xf32>
        %get3A_922 = arith.index_cast %add3A_880 : i32 to index
        %get3A_923 = arith.constant 112 : index
        %get3A_924 = tpu.vector_load %arg10[%get3A_922, %get3A_923] {strides = array<i32>} : memref<200x128xf32, #tpu.memory_space<vmem>>, vector<1x16xf32>,
        %get3A_925 = vector.shape_cast %get3A_924 : vector<1x16xf32> to vector<16xf32>
        %mul3A_926 = arith.mulf %get3A_85, %get3A_925 : vector<16xf32>
        %add3A_927 = arith.addf %add3A_921, %mul3A_926 : vector<16xf32>
        %iota3A_928 = tpu.iota {dimensions = array<i32: 0>} : vector<16xi32>
        %add3A_929 = arith.constant 8 : i32
        %add3A_930 = vector.broadcast %add3A_929 : i32 to vector<16xi32>
        %add3A_931 = arith.addi %iota3A_928, %add3A_930 : vector<16xi32>
        %and3A_932 = arith.constant 15 : i32
        %and3A_933 = vector.broadcast %and3A_932 : i32 to vector<16xi32>
        %and3A_934 = arith.andi %add3A_931, %and3A_933 : vector<16xi32>
        %broadcast_in_dim3A_935 = vector.shape_cast %and3A_934 : vector<16xi32> to vector<16x1xi32>
        %gather3A_936 = vector.shape_cast %broadcast_in_dim3A_935 : vector<16x1xi32> to vector<16xi32>
        %gather3A_937 = tpu.dynamic_gather %add3A_927[%gather3A_936] in [0] : vector<16xf32>, vector<16xi32> -> vector<16xf32>
        %add3A_938 = arith.addf %add3A_927, %gather3A_937 : vector<16xf32>
        %iota3A_939 = tpu.iota {dimensions = array<i32: 0>} : vector<16xi32>
        %add3A_940 = arith.constant 4 : i32
        %add3A_941 = vector.broadcast %add3A_940 : i32 to vector<16xi32>
        %add3A_942 = arith.addi %iota3A_939, %add3A_941 : vector<16xi32>
        %and3A_943 = arith.constant 15 : i32
        %and3A_944 = vector.broadcast %and3A_943 : i32 to vector<16xi32>
        %and3A_945 = arith.andi %add3A_942, %and3A_944 : vector<16xi32>
        %broadcast_in_dim3A_946 = vector.shape_cast %and3A_945 : vector<16xi32> to vector<16x1xi32>
        %gather3A_947 = vector.shape_cast %broadcast_in_dim3A_946 : vector<16x1xi32> to vector<16xi32>
        %gather3A_948 = tpu.dynamic_gather %add3A_938[%gather3A_947] in [0] : vector<16xf32>, vector<16xi32> -> vector<16xf32>
        %add3A_949 = arith.addf %add3A_938, %gather3A_948 : vector<16xf32>
        %iota3A_950 = tpu.iota {dimensions = array<i32: 0>} : vector<16xi32>
        %add3A_951 = arith.constant 2 : i32
        %add3A_952 = vector.broadcast %add3A_951 : i32 to vector<16xi32>
        %add3A_953 = arith.addi %iota3A_950, %add3A_952 : vector<16xi32>
        %and3A_954 = arith.constant 15 : i32
        %and3A_955 = vector.broadcast %and3A_954 : i32 to vector<16xi32>
        %and3A_956 = arith.andi %add3A_953, %and3A_955 : vector<16xi32>
        %broadcast_in_dim3A_957 = vector.shape_cast %and3A_956 : vector<16xi32> to vector<16x1xi32>
        %gather3A_958 = vector.shape_cast %broadcast_in_dim3A_957 : vector<16x1xi32> to vector<16xi32>
        %gather3A_959 = tpu.dynamic_gather %add3A_949[%gather3A_958] in [0] : vector<16xf32>, vector<16xi32> -> vector<16xf32>
        %add3A_960 = arith.addf %add3A_949, %gather3A_959 : vector<16xf32>
        %iota3A_961 = tpu.iota {dimensions = array<i32: 0>} : vector<16xi32>
        %add3A_962 = arith.constant 1 : i32
        %add3A_963 = vector.broadcast %add3A_962 : i32 to vector<16xi32>
        %add3A_964 = arith.addi %iota3A_961, %add3A_963 : vector<16xi32>
        %and3A_965 = arith.constant 15 : i32
        %and3A_966 = vector.broadcast %and3A_965 : i32 to vector<16xi32>
        %and3A_967 = arith.andi %add3A_964, %and3A_966 : vector<16xi32>
        %broadcast_in_dim3A_968 = vector.shape_cast %and3A_967 : vector<16xi32> to vector<16x1xi32>
        %gather3A_969 = vector.shape_cast %broadcast_in_dim3A_968 : vector<16x1xi32> to vector<16xi32>
        %gather3A_970 = tpu.dynamic_gather %add3A_960[%gather3A_969] in [0] : vector<16xf32>, vector<16xi32> -> vector<16xf32>
        %add3A_971 = arith.addf %add3A_960, %gather3A_970 : vector<16xf32>
        %eq3A_972 = arith.constant 8 : i32
        %eq3A_973 = vector.broadcast %eq3A_972 : i32 to vector<16xi32>
        %eq3A_974 = arith.cmpi eq, %iota3A, %eq3A_973 : vector<16xi32>
        %select_n3A_975 = arith.select %eq3A_974, %add3A_971, %select_n3A_876 : vector<16xi1>, vector<16xf32>
        %mul3A_976 = arith.constant 25 : i32
        %mul3A_977 = arith.muli %scan3A_51, %mul3A_976 : i32
        %add3A_978 = arith.constant 9 : i32
        %add3A_979 = arith.addi %mul3A_977, %add3A_978 : i32
        %get3A_980 = arith.index_cast %add3A_979 : i32 to index
        %get3A_981 = arith.constant 0 : index
        %get3A_982 = tpu.vector_load %arg10[%get3A_980, %get3A_981] {strides = array<i32>} : memref<200x128xf32, #tpu.memory_space<vmem>>, vector<1x16xf32>,
        %get3A_983 = vector.shape_cast %get3A_982 : vector<1x16xf32> to vector<16xf32>
        %mul3A_984 = arith.mulf %get3A_57, %get3A_983 : vector<16xf32>
        %get3A_985 = arith.index_cast %add3A_979 : i32 to index
        %get3A_986 = arith.constant 16 : index
        %get3A_987 = tpu.vector_load %arg10[%get3A_985, %get3A_986] {strides = array<i32>} : memref<200x128xf32, #tpu.memory_space<vmem>>, vector<1x16xf32>,
        %get3A_988 = vector.shape_cast %get3A_987 : vector<1x16xf32> to vector<16xf32>
        %mul3A_989 = arith.mulf %get3A_61, %get3A_988 : vector<16xf32>
        %add3A_990 = arith.addf %mul3A_984, %mul3A_989 : vector<16xf32>
        %get3A_991 = arith.index_cast %add3A_979 : i32 to index
        %get3A_992 = arith.constant 32 : index
        %get3A_993 = tpu.vector_load %arg10[%get3A_991, %get3A_992] {strides = array<i32>} : memref<200x128xf32, #tpu.memory_space<vmem>>, vector<1x16xf32>,
        %get3A_994 = vector.shape_cast %get3A_993 : vector<1x16xf32> to vector<16xf32>
        %mul3A_995 = arith.mulf %get3A_65, %get3A_994 : vector<16xf32>
        %add3A_996 = arith.addf %add3A_990, %mul3A_995 : vector<16xf32>
        %get3A_997 = arith.index_cast %add3A_979 : i32 to index
        %get3A_998 = arith.constant 48 : index
        %get3A_999 = tpu.vector_load %arg10[%get3A_997, %get3A_998] {strides = array<i32>} : memref<200x128xf32, #tpu.memory_space<vmem>>, vector<1x16xf32>,
        %get3A_1000 = vector.shape_cast %get3A_999 : vector<1x16xf32> to vector<16xf32>
        %mul3A_1001 = arith.mulf %get3A_69, %get3A_1000 : vector<16xf32>
        %add3A_1002 = arith.addf %add3A_996, %mul3A_1001 : vector<16xf32>
        %get3A_1003 = arith.index_cast %add3A_979 : i32 to index
        %get3A_1004 = arith.constant 64 : index
        %get3A_1005 = tpu.vector_load %arg10[%get3A_1003, %get3A_1004] {strides = array<i32>} : memref<200x128xf32, #tpu.memory_space<vmem>>, vector<1x16xf32>,
        %get3A_1006 = vector.shape_cast %get3A_1005 : vector<1x16xf32> to vector<16xf32>
        %mul3A_1007 = arith.mulf %get3A_73, %get3A_1006 : vector<16xf32>
        %add3A_1008 = arith.addf %add3A_1002, %mul3A_1007 : vector<16xf32>
        %get3A_1009 = arith.index_cast %add3A_979 : i32 to index
        %get3A_1010 = arith.constant 80 : index
        %get3A_1011 = tpu.vector_load %arg10[%get3A_1009, %get3A_1010] {strides = array<i32>} : memref<200x128xf32, #tpu.memory_space<vmem>>, vector<1x16xf32>,
        %get3A_1012 = vector.shape_cast %get3A_1011 : vector<1x16xf32> to vector<16xf32>
        %mul3A_1013 = arith.mulf %get3A_77, %get3A_1012 : vector<16xf32>
        %add3A_1014 = arith.addf %add3A_1008, %mul3A_1013 : vector<16xf32>
        %get3A_1015 = arith.index_cast %add3A_979 : i32 to index
        %get3A_1016 = arith.constant 96 : index
        %get3A_1017 = tpu.vector_load %arg10[%get3A_1015, %get3A_1016] {strides = array<i32>} : memref<200x128xf32, #tpu.memory_space<vmem>>, vector<1x16xf32>,
        %get3A_1018 = vector.shape_cast %get3A_1017 : vector<1x16xf32> to vector<16xf32>
        %mul3A_1019 = arith.mulf %get3A_81, %get3A_1018 : vector<16xf32>
        %add3A_1020 = arith.addf %add3A_1014, %mul3A_1019 : vector<16xf32>
        %get3A_1021 = arith.index_cast %add3A_979 : i32 to index
        %get3A_1022 = arith.constant 112 : index
        %get3A_1023 = tpu.vector_load %arg10[%get3A_1021, %get3A_1022] {strides = array<i32>} : memref<200x128xf32, #tpu.memory_space<vmem>>, vector<1x16xf32>,
        %get3A_1024 = vector.shape_cast %get3A_1023 : vector<1x16xf32> to vector<16xf32>
        %mul3A_1025 = arith.mulf %get3A_85, %get3A_1024 : vector<16xf32>
        %add3A_1026 = arith.addf %add3A_1020, %mul3A_1025 : vector<16xf32>
        %iota3A_1027 = tpu.iota {dimensions = array<i32: 0>} : vector<16xi32>
        %add3A_1028 = arith.constant 8 : i32
        %add3A_1029 = vector.broadcast %add3A_1028 : i32 to vector<16xi32>
        %add3A_1030 = arith.addi %iota3A_1027, %add3A_1029 : vector<16xi32>
        %and3A_1031 = arith.constant 15 : i32
        %and3A_1032 = vector.broadcast %and3A_1031 : i32 to vector<16xi32>
        %and3A_1033 = arith.andi %add3A_1030, %and3A_1032 : vector<16xi32>
        %broadcast_in_dim3A_1034 = vector.shape_cast %and3A_1033 : vector<16xi32> to vector<16x1xi32>
        %gather3A_1035 = vector.shape_cast %broadcast_in_dim3A_1034 : vector<16x1xi32> to vector<16xi32>
        %gather3A_1036 = tpu.dynamic_gather %add3A_1026[%gather3A_1035] in [0] : vector<16xf32>, vector<16xi32> -> vector<16xf32>
        %add3A_1037 = arith.addf %add3A_1026, %gather3A_1036 : vector<16xf32>
        %iota3A_1038 = tpu.iota {dimensions = array<i32: 0>} : vector<16xi32>
        %add3A_1039 = arith.constant 4 : i32
        %add3A_1040 = vector.broadcast %add3A_1039 : i32 to vector<16xi32>
        %add3A_1041 = arith.addi %iota3A_1038, %add3A_1040 : vector<16xi32>
        %and3A_1042 = arith.constant 15 : i32
        %and3A_1043 = vector.broadcast %and3A_1042 : i32 to vector<16xi32>
        %and3A_1044 = arith.andi %add3A_1041, %and3A_1043 : vector<16xi32>
        %broadcast_in_dim3A_1045 = vector.shape_cast %and3A_1044 : vector<16xi32> to vector<16x1xi32>
        %gather3A_1046 = vector.shape_cast %broadcast_in_dim3A_1045 : vector<16x1xi32> to vector<16xi32>
        %gather3A_1047 = tpu.dynamic_gather %add3A_1037[%gather3A_1046] in [0] : vector<16xf32>, vector<16xi32> -> vector<16xf32>
        %add3A_1048 = arith.addf %add3A_1037, %gather3A_1047 : vector<16xf32>
        %iota3A_1049 = tpu.iota {dimensions = array<i32: 0>} : vector<16xi32>
        %add3A_1050 = arith.constant 2 : i32
        %add3A_1051 = vector.broadcast %add3A_1050 : i32 to vector<16xi32>
        %add3A_1052 = arith.addi %iota3A_1049, %add3A_1051 : vector<16xi32>
        %and3A_1053 = arith.constant 15 : i32
        %and3A_1054 = vector.broadcast %and3A_1053 : i32 to vector<16xi32>
        %and3A_1055 = arith.andi %add3A_1052, %and3A_1054 : vector<16xi32>
        %broadcast_in_dim3A_1056 = vector.shape_cast %and3A_1055 : vector<16xi32> to vector<16x1xi32>
        %gather3A_1057 = vector.shape_cast %broadcast_in_dim3A_1056 : vector<16x1xi32> to vector<16xi32>
        %gather3A_1058 = tpu.dynamic_gather %add3A_1048[%gather3A_1057] in [0] : vector<16xf32>, vector<16xi32> -> vector<16xf32>
        %add3A_1059 = arith.addf %add3A_1048, %gather3A_1058 : vector<16xf32>
        %iota3A_1060 = tpu.iota {dimensions = array<i32: 0>} : vector<16xi32>
        %add3A_1061 = arith.constant 1 : i32
        %add3A_1062 = vector.broadcast %add3A_1061 : i32 to vector<16xi32>
        %add3A_1063 = arith.addi %iota3A_1060, %add3A_1062 : vector<16xi32>
        %and3A_1064 = arith.constant 15 : i32
        %and3A_1065 = vector.broadcast %and3A_1064 : i32 to vector<16xi32>
        %and3A_1066 = arith.andi %add3A_1063, %and3A_1065 : vector<16xi32>
        %broadcast_in_dim3A_1067 = vector.shape_cast %and3A_1066 : vector<16xi32> to vector<16x1xi32>
        %gather3A_1068 = vector.shape_cast %broadcast_in_dim3A_1067 : vector<16x1xi32> to vector<16xi32>
        %gather3A_1069 = tpu.dynamic_gather %add3A_1059[%gather3A_1068] in [0] : vector<16xf32>, vector<16xi32> -> vector<16xf32>
        %add3A_1070 = arith.addf %add3A_1059, %gather3A_1069 : vector<16xf32>
        %eq3A_1071 = arith.constant 9 : i32
        %eq3A_1072 = vector.broadcast %eq3A_1071 : i32 to vector<16xi32>
        %eq3A_1073 = arith.cmpi eq, %iota3A, %eq3A_1072 : vector<16xi32>
        %select_n3A_1074 = arith.select %eq3A_1073, %add3A_1070, %select_n3A_975 : vector<16xi1>, vector<16xf32>
        %mul3A_1075 = arith.constant 25 : i32
        %mul3A_1076 = arith.muli %scan3A_51, %mul3A_1075 : i32
        %add3A_1077 = arith.constant 10 : i32
        %add3A_1078 = arith.addi %mul3A_1076, %add3A_1077 : i32
        %get3A_1079 = arith.index_cast %add3A_1078 : i32 to index
        %get3A_1080 = arith.constant 0 : index
        %get3A_1081 = tpu.vector_load %arg10[%get3A_1079, %get3A_1080] {strides = array<i32>} : memref<200x128xf32, #tpu.memory_space<vmem>>, vector<1x16xf32>,
        %get3A_1082 = vector.shape_cast %get3A_1081 : vector<1x16xf32> to vector<16xf32>
        %mul3A_1083 = arith.mulf %get3A_57, %get3A_1082 : vector<16xf32>
        %get3A_1084 = arith.index_cast %add3A_1078 : i32 to index
        %get3A_1085 = arith.constant 16 : index
        %get3A_1086 = tpu.vector_load %arg10[%get3A_1084, %get3A_1085] {strides = array<i32>} : memref<200x128xf32, #tpu.memory_space<vmem>>, vector<1x16xf32>,
        %get3A_1087 = vector.shape_cast %get3A_1086 : vector<1x16xf32> to vector<16xf32>
        %mul3A_1088 = arith.mulf %get3A_61, %get3A_1087 : vector<16xf32>
        %add3A_1089 = arith.addf %mul3A_1083, %mul3A_1088 : vector<16xf32>
        %get3A_1090 = arith.index_cast %add3A_1078 : i32 to index
        %get3A_1091 = arith.constant 32 : index
        %get3A_1092 = tpu.vector_load %arg10[%get3A_1090, %get3A_1091] {strides = array<i32>} : memref<200x128xf32, #tpu.memory_space<vmem>>, vector<1x16xf32>,
        %get3A_1093 = vector.shape_cast %get3A_1092 : vector<1x16xf32> to vector<16xf32>
        %mul3A_1094 = arith.mulf %get3A_65, %get3A_1093 : vector<16xf32>
        %add3A_1095 = arith.addf %add3A_1089, %mul3A_1094 : vector<16xf32>
        %get3A_1096 = arith.index_cast %add3A_1078 : i32 to index
        %get3A_1097 = arith.constant 48 : index
        %get3A_1098 = tpu.vector_load %arg10[%get3A_1096, %get3A_1097] {strides = array<i32>} : memref<200x128xf32, #tpu.memory_space<vmem>>, vector<1x16xf32>,
        %get3A_1099 = vector.shape_cast %get3A_1098 : vector<1x16xf32> to vector<16xf32>
        %mul3A_1100 = arith.mulf %get3A_69, %get3A_1099 : vector<16xf32>
        %add3A_1101 = arith.addf %add3A_1095, %mul3A_1100 : vector<16xf32>
        %get3A_1102 = arith.index_cast %add3A_1078 : i32 to index
        %get3A_1103 = arith.constant 64 : index
        %get3A_1104 = tpu.vector_load %arg10[%get3A_1102, %get3A_1103] {strides = array<i32>} : memref<200x128xf32, #tpu.memory_space<vmem>>, vector<1x16xf32>,
        %get3A_1105 = vector.shape_cast %get3A_1104 : vector<1x16xf32> to vector<16xf32>
        %mul3A_1106 = arith.mulf %get3A_73, %get3A_1105 : vector<16xf32>
        %add3A_1107 = arith.addf %add3A_1101, %mul3A_1106 : vector<16xf32>
        %get3A_1108 = arith.index_cast %add3A_1078 : i32 to index
        %get3A_1109 = arith.constant 80 : index
        %get3A_1110 = tpu.vector_load %arg10[%get3A_1108, %get3A_1109] {strides = array<i32>} : memref<200x128xf32, #tpu.memory_space<vmem>>, vector<1x16xf32>,
        %get3A_1111 = vector.shape_cast %get3A_1110 : vector<1x16xf32> to vector<16xf32>
        %mul3A_1112 = arith.mulf %get3A_77, %get3A_1111 : vector<16xf32>
        %add3A_1113 = arith.addf %add3A_1107, %mul3A_1112 : vector<16xf32>
        %get3A_1114 = arith.index_cast %add3A_1078 : i32 to index
        %get3A_1115 = arith.constant 96 : index
        %get3A_1116 = tpu.vector_load %arg10[%get3A_1114, %get3A_1115] {strides = array<i32>} : memref<200x128xf32, #tpu.memory_space<vmem>>, vector<1x16xf32>,
        %get3A_1117 = vector.shape_cast %get3A_1116 : vector<1x16xf32> to vector<16xf32>
        %mul3A_1118 = arith.mulf %get3A_81, %get3A_1117 : vector<16xf32>
        %add3A_1119 = arith.addf %add3A_1113, %mul3A_1118 : vector<16xf32>
        %get3A_1120 = arith.index_cast %add3A_1078 : i32 to index
        %get3A_1121 = arith.constant 112 : index
        %get3A_1122 = tpu.vector_load %arg10[%get3A_1120, %get3A_1121] {strides = array<i32>} : memref<200x128xf32, #tpu.memory_space<vmem>>, vector<1x16xf32>,
        %get3A_1123 = vector.shape_cast %get3A_1122 : vector<1x16xf32> to vector<16xf32>
        %mul3A_1124 = arith.mulf %get3A_85, %get3A_1123 : vector<16xf32>
        %add3A_1125 = arith.addf %add3A_1119, %mul3A_1124 : vector<16xf32>
        %iota3A_1126 = tpu.iota {dimensions = array<i32: 0>} : vector<16xi32>
        %add3A_1127 = arith.constant 8 : i32
        %add3A_1128 = vector.broadcast %add3A_1127 : i32 to vector<16xi32>
        %add3A_1129 = arith.addi %iota3A_1126, %add3A_1128 : vector<16xi32>
        %and3A_1130 = arith.constant 15 : i32
        %and3A_1131 = vector.broadcast %and3A_1130 : i32 to vector<16xi32>
        %and3A_1132 = arith.andi %add3A_1129, %and3A_1131 : vector<16xi32>
        %broadcast_in_dim3A_1133 = vector.shape_cast %and3A_1132 : vector<16xi32> to vector<16x1xi32>
        %gather3A_1134 = vector.shape_cast %broadcast_in_dim3A_1133 : vector<16x1xi32> to vector<16xi32>
        %gather3A_1135 = tpu.dynamic_gather %add3A_1125[%gather3A_1134] in [0] : vector<16xf32>, vector<16xi32> -> vector<16xf32>
        %add3A_1136 = arith.addf %add3A_1125, %gather3A_1135 : vector<16xf32>
        %iota3A_1137 = tpu.iota {dimensions = array<i32: 0>} : vector<16xi32>
        %add3A_1138 = arith.constant 4 : i32
        %add3A_1139 = vector.broadcast %add3A_1138 : i32 to vector<16xi32>
        %add3A_1140 = arith.addi %iota3A_1137, %add3A_1139 : vector<16xi32>
        %and3A_1141 = arith.constant 15 : i32
        %and3A_1142 = vector.broadcast %and3A_1141 : i32 to vector<16xi32>
        %and3A_1143 = arith.andi %add3A_1140, %and3A_1142 : vector<16xi32>
        %broadcast_in_dim3A_1144 = vector.shape_cast %and3A_1143 : vector<16xi32> to vector<16x1xi32>
        %gather3A_1145 = vector.shape_cast %broadcast_in_dim3A_1144 : vector<16x1xi32> to vector<16xi32>
        %gather3A_1146 = tpu.dynamic_gather %add3A_1136[%gather3A_1145] in [0] : vector<16xf32>, vector<16xi32> -> vector<16xf32>
        %add3A_1147 = arith.addf %add3A_1136, %gather3A_1146 : vector<16xf32>
        %iota3A_1148 = tpu.iota {dimensions = array<i32: 0>} : vector<16xi32>
        %add3A_1149 = arith.constant 2 : i32
        %add3A_1150 = vector.broadcast %add3A_1149 : i32 to vector<16xi32>
        %add3A_1151 = arith.addi %iota3A_1148, %add3A_1150 : vector<16xi32>
        %and3A_1152 = arith.constant 15 : i32
        %and3A_1153 = vector.broadcast %and3A_1152 : i32 to vector<16xi32>
        %and3A_1154 = arith.andi %add3A_1151, %and3A_1153 : vector<16xi32>
        %broadcast_in_dim3A_1155 = vector.shape_cast %and3A_1154 : vector<16xi32> to vector<16x1xi32>
        %gather3A_1156 = vector.shape_cast %broadcast_in_dim3A_1155 : vector<16x1xi32> to vector<16xi32>
        %gather3A_1157 = tpu.dynamic_gather %add3A_1147[%gather3A_1156] in [0] : vector<16xf32>, vector<16xi32> -> vector<16xf32>
        %add3A_1158 = arith.addf %add3A_1147, %gather3A_1157 : vector<16xf32>
        %iota3A_1159 = tpu.iota {dimensions = array<i32: 0>} : vector<16xi32>
        %add3A_1160 = arith.constant 1 : i32
        %add3A_1161 = vector.broadcast %add3A_1160 : i32 to vector<16xi32>
        %add3A_1162 = arith.addi %iota3A_1159, %add3A_1161 : vector<16xi32>
        %and3A_1163 = arith.constant 15 : i32
        %and3A_1164 = vector.broadcast %and3A_1163 : i32 to vector<16xi32>
        %and3A_1165 = arith.andi %add3A_1162, %and3A_1164 : vector<16xi32>
        %broadcast_in_dim3A_1166 = vector.shape_cast %and3A_1165 : vector<16xi32> to vector<16x1xi32>
        %gather3A_1167 = vector.shape_cast %broadcast_in_dim3A_1166 : vector<16x1xi32> to vector<16xi32>
        %gather3A_1168 = tpu.dynamic_gather %add3A_1158[%gather3A_1167] in [0] : vector<16xf32>, vector<16xi32> -> vector<16xf32>
        %add3A_1169 = arith.addf %add3A_1158, %gather3A_1168 : vector<16xf32>
        %eq3A_1170 = arith.constant 10 : i32
        %eq3A_1171 = vector.broadcast %eq3A_1170 : i32 to vector<16xi32>
        %eq3A_1172 = arith.cmpi eq, %iota3A, %eq3A_1171 : vector<16xi32>
        %select_n3A_1173 = arith.select %eq3A_1172, %add3A_1169, %select_n3A_1074 : vector<16xi1>, vector<16xf32>
        %mul3A_1174 = arith.constant 25 : i32
        %mul3A_1175 = arith.muli %scan3A_51, %mul3A_1174 : i32
        %add3A_1176 = arith.constant 11 : i32
        %add3A_1177 = arith.addi %mul3A_1175, %add3A_1176 : i32
        %get3A_1178 = arith.index_cast %add3A_1177 : i32 to index
        %get3A_1179 = arith.constant 0 : index
        %get3A_1180 = tpu.vector_load %arg10[%get3A_1178, %get3A_1179] {strides = array<i32>} : memref<200x128xf32, #tpu.memory_space<vmem>>, vector<1x16xf32>,
        %get3A_1181 = vector.shape_cast %get3A_1180 : vector<1x16xf32> to vector<16xf32>
        %mul3A_1182 = arith.mulf %get3A_57, %get3A_1181 : vector<16xf32>
        %get3A_1183 = arith.index_cast %add3A_1177 : i32 to index
        %get3A_1184 = arith.constant 16 : index
        %get3A_1185 = tpu.vector_load %arg10[%get3A_1183, %get3A_1184] {strides = array<i32>} : memref<200x128xf32, #tpu.memory_space<vmem>>, vector<1x16xf32>,
        %get3A_1186 = vector.shape_cast %get3A_1185 : vector<1x16xf32> to vector<16xf32>
        %mul3A_1187 = arith.mulf %get3A_61, %get3A_1186 : vector<16xf32>
        %add3A_1188 = arith.addf %mul3A_1182, %mul3A_1187 : vector<16xf32>
        %get3A_1189 = arith.index_cast %add3A_1177 : i32 to index
        %get3A_1190 = arith.constant 32 : index
        %get3A_1191 = tpu.vector_load %arg10[%get3A_1189, %get3A_1190] {strides = array<i32>} : memref<200x128xf32, #tpu.memory_space<vmem>>, vector<1x16xf32>,
        %get3A_1192 = vector.shape_cast %get3A_1191 : vector<1x16xf32> to vector<16xf32>
        %mul3A_1193 = arith.mulf %get3A_65, %get3A_1192 : vector<16xf32>
        %add3A_1194 = arith.addf %add3A_1188, %mul3A_1193 : vector<16xf32>
        %get3A_1195 = arith.index_cast %add3A_1177 : i32 to index
        %get3A_1196 = arith.constant 48 : index
        %get3A_1197 = tpu.vector_load %arg10[%get3A_1195, %get3A_1196] {strides = array<i32>} : memref<200x128xf32, #tpu.memory_space<vmem>>, vector<1x16xf32>,
        %get3A_1198 = vector.shape_cast %get3A_1197 : vector<1x16xf32> to vector<16xf32>
        %mul3A_1199 = arith.mulf %get3A_69, %get3A_1198 : vector<16xf32>
        %add3A_1200 = arith.addf %add3A_1194, %mul3A_1199 : vector<16xf32>
        %get3A_1201 = arith.index_cast %add3A_1177 : i32 to index
        %get3A_1202 = arith.constant 64 : index
        %get3A_1203 = tpu.vector_load %arg10[%get3A_1201, %get3A_1202] {strides = array<i32>} : memref<200x128xf32, #tpu.memory_space<vmem>>, vector<1x16xf32>,
        %get3A_1204 = vector.shape_cast %get3A_1203 : vector<1x16xf32> to vector<16xf32>
        %mul3A_1205 = arith.mulf %get3A_73, %get3A_1204 : vector<16xf32>
        %add3A_1206 = arith.addf %add3A_1200, %mul3A_1205 : vector<16xf32>
        %get3A_1207 = arith.index_cast %add3A_1177 : i32 to index
        %get3A_1208 = arith.constant 80 : index
        %get3A_1209 = tpu.vector_load %arg10[%get3A_1207, %get3A_1208] {strides = array<i32>} : memref<200x128xf32, #tpu.memory_space<vmem>>, vector<1x16xf32>,
        %get3A_1210 = vector.shape_cast %get3A_1209 : vector<1x16xf32> to vector<16xf32>
        %mul3A_1211 = arith.mulf %get3A_77, %get3A_1210 : vector<16xf32>
        %add3A_1212 = arith.addf %add3A_1206, %mul3A_1211 : vector<16xf32>
        %get3A_1213 = arith.index_cast %add3A_1177 : i32 to index
        %get3A_1214 = arith.constant 96 : index
        %get3A_1215 = tpu.vector_load %arg10[%get3A_1213, %get3A_1214] {strides = array<i32>} : memref<200x128xf32, #tpu.memory_space<vmem>>, vector<1x16xf32>,
        %get3A_1216 = vector.shape_cast %get3A_1215 : vector<1x16xf32> to vector<16xf32>
        %mul3A_1217 = arith.mulf %get3A_81, %get3A_1216 : vector<16xf32>
        %add3A_1218 = arith.addf %add3A_1212, %mul3A_1217 : vector<16xf32>
        %get3A_1219 = arith.index_cast %add3A_1177 : i32 to index
        %get3A_1220 = arith.constant 112 : index
        %get3A_1221 = tpu.vector_load %arg10[%get3A_1219, %get3A_1220] {strides = array<i32>} : memref<200x128xf32, #tpu.memory_space<vmem>>, vector<1x16xf32>,
        %get3A_1222 = vector.shape_cast %get3A_1221 : vector<1x16xf32> to vector<16xf32>
        %mul3A_1223 = arith.mulf %get3A_85, %get3A_1222 : vector<16xf32>
        %add3A_1224 = arith.addf %add3A_1218, %mul3A_1223 : vector<16xf32>
        %iota3A_1225 = tpu.iota {dimensions = array<i32: 0>} : vector<16xi32>
        %add3A_1226 = arith.constant 8 : i32
        %add3A_1227 = vector.broadcast %add3A_1226 : i32 to vector<16xi32>
        %add3A_1228 = arith.addi %iota3A_1225, %add3A_1227 : vector<16xi32>
        %and3A_1229 = arith.constant 15 : i32
        %and3A_1230 = vector.broadcast %and3A_1229 : i32 to vector<16xi32>
        %and3A_1231 = arith.andi %add3A_1228, %and3A_1230 : vector<16xi32>
        %broadcast_in_dim3A_1232 = vector.shape_cast %and3A_1231 : vector<16xi32> to vector<16x1xi32>
        %gather3A_1233 = vector.shape_cast %broadcast_in_dim3A_1232 : vector<16x1xi32> to vector<16xi32>
        %gather3A_1234 = tpu.dynamic_gather %add3A_1224[%gather3A_1233] in [0] : vector<16xf32>, vector<16xi32> -> vector<16xf32>
        %add3A_1235 = arith.addf %add3A_1224, %gather3A_1234 : vector<16xf32>
        %iota3A_1236 = tpu.iota {dimensions = array<i32: 0>} : vector<16xi32>
        %add3A_1237 = arith.constant 4 : i32
        %add3A_1238 = vector.broadcast %add3A_1237 : i32 to vector<16xi32>
        %add3A_1239 = arith.addi %iota3A_1236, %add3A_1238 : vector<16xi32>
        %and3A_1240 = arith.constant 15 : i32
        %and3A_1241 = vector.broadcast %and3A_1240 : i32 to vector<16xi32>
        %and3A_1242 = arith.andi %add3A_1239, %and3A_1241 : vector<16xi32>
        %broadcast_in_dim3A_1243 = vector.shape_cast %and3A_1242 : vector<16xi32> to vector<16x1xi32>
        %gather3A_1244 = vector.shape_cast %broadcast_in_dim3A_1243 : vector<16x1xi32> to vector<16xi32>
        %gather3A_1245 = tpu.dynamic_gather %add3A_1235[%gather3A_1244] in [0] : vector<16xf32>, vector<16xi32> -> vector<16xf32>
        %add3A_1246 = arith.addf %add3A_1235, %gather3A_1245 : vector<16xf32>
        %iota3A_1247 = tpu.iota {dimensions = array<i32: 0>} : vector<16xi32>
        %add3A_1248 = arith.constant 2 : i32
        %add3A_1249 = vector.broadcast %add3A_1248 : i32 to vector<16xi32>
        %add3A_1250 = arith.addi %iota3A_1247, %add3A_1249 : vector<16xi32>
        %and3A_1251 = arith.constant 15 : i32
        %and3A_1252 = vector.broadcast %and3A_1251 : i32 to vector<16xi32>
        %and3A_1253 = arith.andi %add3A_1250, %and3A_1252 : vector<16xi32>
        %broadcast_in_dim3A_1254 = vector.shape_cast %and3A_1253 : vector<16xi32> to vector<16x1xi32>
        %gather3A_1255 = vector.shape_cast %broadcast_in_dim3A_1254 : vector<16x1xi32> to vector<16xi32>
        %gather3A_1256 = tpu.dynamic_gather %add3A_1246[%gather3A_1255] in [0] : vector<16xf32>, vector<16xi32> -> vector<16xf32>
        %add3A_1257 = arith.addf %add3A_1246, %gather3A_1256 : vector<16xf32>
        %iota3A_1258 = tpu.iota {dimensions = array<i32: 0>} : vector<16xi32>
        %add3A_1259 = arith.constant 1 : i32
        %add3A_1260 = vector.broadcast %add3A_1259 : i32 to vector<16xi32>
        %add3A_1261 = arith.addi %iota3A_1258, %add3A_1260 : vector<16xi32>
        %and3A_1262 = arith.constant 15 : i32
        %and3A_1263 = vector.broadcast %and3A_1262 : i32 to vector<16xi32>
        %and3A_1264 = arith.andi %add3A_1261, %and3A_1263 : vector<16xi32>
        %broadcast_in_dim3A_1265 = vector.shape_cast %and3A_1264 : vector<16xi32> to vector<16x1xi32>
        %gather3A_1266 = vector.shape_cast %broadcast_in_dim3A_1265 : vector<16x1xi32> to vector<16xi32>
        %gather3A_1267 = tpu.dynamic_gather %add3A_1257[%gather3A_1266] in [0] : vector<16xf32>, vector<16xi32> -> vector<16xf32>
        %add3A_1268 = arith.addf %add3A_1257, %gather3A_1267 : vector<16xf32>
        %eq3A_1269 = arith.constant 11 : i32
        %eq3A_1270 = vector.broadcast %eq3A_1269 : i32 to vector<16xi32>
        %eq3A_1271 = arith.cmpi eq, %iota3A, %eq3A_1270 : vector<16xi32>
        %select_n3A_1272 = arith.select %eq3A_1271, %add3A_1268, %select_n3A_1173 : vector<16xi1>, vector<16xf32>
        %mul3A_1273 = arith.constant 25 : i32
        %mul3A_1274 = arith.muli %scan3A_51, %mul3A_1273 : i32
        %add3A_1275 = arith.constant 12 : i32
        %add3A_1276 = arith.addi %mul3A_1274, %add3A_1275 : i32
        %get3A_1277 = arith.index_cast %add3A_1276 : i32 to index
        %get3A_1278 = arith.constant 0 : index
        %get3A_1279 = tpu.vector_load %arg10[%get3A_1277, %get3A_1278] {strides = array<i32>} : memref<200x128xf32, #tpu.memory_space<vmem>>, vector<1x16xf32>,
        %get3A_1280 = vector.shape_cast %get3A_1279 : vector<1x16xf32> to vector<16xf32>
        %mul3A_1281 = arith.mulf %get3A_57, %get3A_1280 : vector<16xf32>
        %get3A_1282 = arith.index_cast %add3A_1276 : i32 to index
        %get3A_1283 = arith.constant 16 : index
        %get3A_1284 = tpu.vector_load %arg10[%get3A_1282, %get3A_1283] {strides = array<i32>} : memref<200x128xf32, #tpu.memory_space<vmem>>, vector<1x16xf32>,
        %get3A_1285 = vector.shape_cast %get3A_1284 : vector<1x16xf32> to vector<16xf32>
        %mul3A_1286 = arith.mulf %get3A_61, %get3A_1285 : vector<16xf32>
        %add3A_1287 = arith.addf %mul3A_1281, %mul3A_1286 : vector<16xf32>
        %get3A_1288 = arith.index_cast %add3A_1276 : i32 to index
        %get3A_1289 = arith.constant 32 : index
        %get3A_1290 = tpu.vector_load %arg10[%get3A_1288, %get3A_1289] {strides = array<i32>} : memref<200x128xf32, #tpu.memory_space<vmem>>, vector<1x16xf32>,
        %get3A_1291 = vector.shape_cast %get3A_1290 : vector<1x16xf32> to vector<16xf32>
        %mul3A_1292 = arith.mulf %get3A_65, %get3A_1291 : vector<16xf32>
        %add3A_1293 = arith.addf %add3A_1287, %mul3A_1292 : vector<16xf32>
        %get3A_1294 = arith.index_cast %add3A_1276 : i32 to index
        %get3A_1295 = arith.constant 48 : index
        %get3A_1296 = tpu.vector_load %arg10[%get3A_1294, %get3A_1295] {strides = array<i32>} : memref<200x128xf32, #tpu.memory_space<vmem>>, vector<1x16xf32>,
        %get3A_1297 = vector.shape_cast %get3A_1296 : vector<1x16xf32> to vector<16xf32>
        %mul3A_1298 = arith.mulf %get3A_69, %get3A_1297 : vector<16xf32>
        %add3A_1299 = arith.addf %add3A_1293, %mul3A_1298 : vector<16xf32>
        %get3A_1300 = arith.index_cast %add3A_1276 : i32 to index
        %get3A_1301 = arith.constant 64 : index
        %get3A_1302 = tpu.vector_load %arg10[%get3A_1300, %get3A_1301] {strides = array<i32>} : memref<200x128xf32, #tpu.memory_space<vmem>>, vector<1x16xf32>,
        %get3A_1303 = vector.shape_cast %get3A_1302 : vector<1x16xf32> to vector<16xf32>
        %mul3A_1304 = arith.mulf %get3A_73, %get3A_1303 : vector<16xf32>
        %add3A_1305 = arith.addf %add3A_1299, %mul3A_1304 : vector<16xf32>
        %get3A_1306 = arith.index_cast %add3A_1276 : i32 to index
        %get3A_1307 = arith.constant 80 : index
        %get3A_1308 = tpu.vector_load %arg10[%get3A_1306, %get3A_1307] {strides = array<i32>} : memref<200x128xf32, #tpu.memory_space<vmem>>, vector<1x16xf32>,
        %get3A_1309 = vector.shape_cast %get3A_1308 : vector<1x16xf32> to vector<16xf32>
        %mul3A_1310 = arith.mulf %get3A_77, %get3A_1309 : vector<16xf32>
        %add3A_1311 = arith.addf %add3A_1305, %mul3A_1310 : vector<16xf32>
        %get3A_1312 = arith.index_cast %add3A_1276 : i32 to index
        %get3A_1313 = arith.constant 96 : index
        %get3A_1314 = tpu.vector_load %arg10[%get3A_1312, %get3A_1313] {strides = array<i32>} : memref<200x128xf32, #tpu.memory_space<vmem>>, vector<1x16xf32>,
        %get3A_1315 = vector.shape_cast %get3A_1314 : vector<1x16xf32> to vector<16xf32>
        %mul3A_1316 = arith.mulf %get3A_81, %get3A_1315 : vector<16xf32>
        %add3A_1317 = arith.addf %add3A_1311, %mul3A_1316 : vector<16xf32>
        %get3A_1318 = arith.index_cast %add3A_1276 : i32 to index
        %get3A_1319 = arith.constant 112 : index
        %get3A_1320 = tpu.vector_load %arg10[%get3A_1318, %get3A_1319] {strides = array<i32>} : memref<200x128xf32, #tpu.memory_space<vmem>>, vector<1x16xf32>,
        %get3A_1321 = vector.shape_cast %get3A_1320 : vector<1x16xf32> to vector<16xf32>
        %mul3A_1322 = arith.mulf %get3A_85, %get3A_1321 : vector<16xf32>
        %add3A_1323 = arith.addf %add3A_1317, %mul3A_1322 : vector<16xf32>
        %iota3A_1324 = tpu.iota {dimensions = array<i32: 0>} : vector<16xi32>
        %add3A_1325 = arith.constant 8 : i32
        %add3A_1326 = vector.broadcast %add3A_1325 : i32 to vector<16xi32>
        %add3A_1327 = arith.addi %iota3A_1324, %add3A_1326 : vector<16xi32>
        %and3A_1328 = arith.constant 15 : i32
        %and3A_1329 = vector.broadcast %and3A_1328 : i32 to vector<16xi32>
        %and3A_1330 = arith.andi %add3A_1327, %and3A_1329 : vector<16xi32>
        %broadcast_in_dim3A_1331 = vector.shape_cast %and3A_1330 : vector<16xi32> to vector<16x1xi32>
        %gather3A_1332 = vector.shape_cast %broadcast_in_dim3A_1331 : vector<16x1xi32> to vector<16xi32>
        %gather3A_1333 = tpu.dynamic_gather %add3A_1323[%gather3A_1332] in [0] : vector<16xf32>, vector<16xi32> -> vector<16xf32>
        %add3A_1334 = arith.addf %add3A_1323, %gather3A_1333 : vector<16xf32>
        %iota3A_1335 = tpu.iota {dimensions = array<i32: 0>} : vector<16xi32>
        %add3A_1336 = arith.constant 4 : i32
        %add3A_1337 = vector.broadcast %add3A_1336 : i32 to vector<16xi32>
        %add3A_1338 = arith.addi %iota3A_1335, %add3A_1337 : vector<16xi32>
        %and3A_1339 = arith.constant 15 : i32
        %and3A_1340 = vector.broadcast %and3A_1339 : i32 to vector<16xi32>
        %and3A_1341 = arith.andi %add3A_1338, %and3A_1340 : vector<16xi32>
        %broadcast_in_dim3A_1342 = vector.shape_cast %and3A_1341 : vector<16xi32> to vector<16x1xi32>
        %gather3A_1343 = vector.shape_cast %broadcast_in_dim3A_1342 : vector<16x1xi32> to vector<16xi32>
        %gather3A_1344 = tpu.dynamic_gather %add3A_1334[%gather3A_1343] in [0] : vector<16xf32>, vector<16xi32> -> vector<16xf32>
        %add3A_1345 = arith.addf %add3A_1334, %gather3A_1344 : vector<16xf32>
        %iota3A_1346 = tpu.iota {dimensions = array<i32: 0>} : vector<16xi32>
        %add3A_1347 = arith.constant 2 : i32
        %add3A_1348 = vector.broadcast %add3A_1347 : i32 to vector<16xi32>
        %add3A_1349 = arith.addi %iota3A_1346, %add3A_1348 : vector<16xi32>
        %and3A_1350 = arith.constant 15 : i32
        %and3A_1351 = vector.broadcast %and3A_1350 : i32 to vector<16xi32>
        %and3A_1352 = arith.andi %add3A_1349, %and3A_1351 : vector<16xi32>
        %broadcast_in_dim3A_1353 = vector.shape_cast %and3A_1352 : vector<16xi32> to vector<16x1xi32>
        %gather3A_1354 = vector.shape_cast %broadcast_in_dim3A_1353 : vector<16x1xi32> to vector<16xi32>
        %gather3A_1355 = tpu.dynamic_gather %add3A_1345[%gather3A_1354] in [0] : vector<16xf32>, vector<16xi32> -> vector<16xf32>
        %add3A_1356 = arith.addf %add3A_1345, %gather3A_1355 : vector<16xf32>
        %iota3A_1357 = tpu.iota {dimensions = array<i32: 0>} : vector<16xi32>
        %add3A_1358 = arith.constant 1 : i32
        %add3A_1359 = vector.broadcast %add3A_1358 : i32 to vector<16xi32>
        %add3A_1360 = arith.addi %iota3A_1357, %add3A_1359 : vector<16xi32>
        %and3A_1361 = arith.constant 15 : i32
        %and3A_1362 = vector.broadcast %and3A_1361 : i32 to vector<16xi32>
        %and3A_1363 = arith.andi %add3A_1360, %and3A_1362 : vector<16xi32>
        %broadcast_in_dim3A_1364 = vector.shape_cast %and3A_1363 : vector<16xi32> to vector<16x1xi32>
        %gather3A_1365 = vector.shape_cast %broadcast_in_dim3A_1364 : vector<16x1xi32> to vector<16xi32>
        %gather3A_1366 = tpu.dynamic_gather %add3A_1356[%gather3A_1365] in [0] : vector<16xf32>, vector<16xi32> -> vector<16xf32>
        %add3A_1367 = arith.addf %add3A_1356, %gather3A_1366 : vector<16xf32>
        %eq3A_1368 = arith.constant 12 : i32
        %eq3A_1369 = vector.broadcast %eq3A_1368 : i32 to vector<16xi32>
        %eq3A_1370 = arith.cmpi eq, %iota3A, %eq3A_1369 : vector<16xi32>
        %select_n3A_1371 = arith.select %eq3A_1370, %add3A_1367, %select_n3A_1272 : vector<16xi1>, vector<16xf32>
        %mul3A_1372 = arith.constant 25 : i32
        %mul3A_1373 = arith.muli %scan3A_51, %mul3A_1372 : i32
        %add3A_1374 = arith.constant 13 : i32
        %add3A_1375 = arith.addi %mul3A_1373, %add3A_1374 : i32
        %get3A_1376 = arith.index_cast %add3A_1375 : i32 to index
        %get3A_1377 = arith.constant 0 : index
        %get3A_1378 = tpu.vector_load %arg10[%get3A_1376, %get3A_1377] {strides = array<i32>} : memref<200x128xf32, #tpu.memory_space<vmem>>, vector<1x16xf32>,
        %get3A_1379 = vector.shape_cast %get3A_1378 : vector<1x16xf32> to vector<16xf32>
        %mul3A_1380 = arith.mulf %get3A_57, %get3A_1379 : vector<16xf32>
        %get3A_1381 = arith.index_cast %add3A_1375 : i32 to index
        %get3A_1382 = arith.constant 16 : index
        %get3A_1383 = tpu.vector_load %arg10[%get3A_1381, %get3A_1382] {strides = array<i32>} : memref<200x128xf32, #tpu.memory_space<vmem>>, vector<1x16xf32>,
        %get3A_1384 = vector.shape_cast %get3A_1383 : vector<1x16xf32> to vector<16xf32>
        %mul3A_1385 = arith.mulf %get3A_61, %get3A_1384 : vector<16xf32>
        %add3A_1386 = arith.addf %mul3A_1380, %mul3A_1385 : vector<16xf32>
        %get3A_1387 = arith.index_cast %add3A_1375 : i32 to index
        %get3A_1388 = arith.constant 32 : index
        %get3A_1389 = tpu.vector_load %arg10[%get3A_1387, %get3A_1388] {strides = array<i32>} : memref<200x128xf32, #tpu.memory_space<vmem>>, vector<1x16xf32>,
        %get3A_1390 = vector.shape_cast %get3A_1389 : vector<1x16xf32> to vector<16xf32>
        %mul3A_1391 = arith.mulf %get3A_65, %get3A_1390 : vector<16xf32>
        %add3A_1392 = arith.addf %add3A_1386, %mul3A_1391 : vector<16xf32>
        %get3A_1393 = arith.index_cast %add3A_1375 : i32 to index
        %get3A_1394 = arith.constant 48 : index
        %get3A_1395 = tpu.vector_load %arg10[%get3A_1393, %get3A_1394] {strides = array<i32>} : memref<200x128xf32, #tpu.memory_space<vmem>>, vector<1x16xf32>,
        %get3A_1396 = vector.shape_cast %get3A_1395 : vector<1x16xf32> to vector<16xf32>
        %mul3A_1397 = arith.mulf %get3A_69, %get3A_1396 : vector<16xf32>
        %add3A_1398 = arith.addf %add3A_1392, %mul3A_1397 : vector<16xf32>
        %get3A_1399 = arith.index_cast %add3A_1375 : i32 to index
        %get3A_1400 = arith.constant 64 : index
        %get3A_1401 = tpu.vector_load %arg10[%get3A_1399, %get3A_1400] {strides = array<i32>} : memref<200x128xf32, #tpu.memory_space<vmem>>, vector<1x16xf32>,
        %get3A_1402 = vector.shape_cast %get3A_1401 : vector<1x16xf32> to vector<16xf32>
        %mul3A_1403 = arith.mulf %get3A_73, %get3A_1402 : vector<16xf32>
        %add3A_1404 = arith.addf %add3A_1398, %mul3A_1403 : vector<16xf32>
        %get3A_1405 = arith.index_cast %add3A_1375 : i32 to index
        %get3A_1406 = arith.constant 80 : index
        %get3A_1407 = tpu.vector_load %arg10[%get3A_1405, %get3A_1406] {strides = array<i32>} : memref<200x128xf32, #tpu.memory_space<vmem>>, vector<1x16xf32>,
        %get3A_1408 = vector.shape_cast %get3A_1407 : vector<1x16xf32> to vector<16xf32>
        %mul3A_1409 = arith.mulf %get3A_77, %get3A_1408 : vector<16xf32>
        %add3A_1410 = arith.addf %add3A_1404, %mul3A_1409 : vector<16xf32>
        %get3A_1411 = arith.index_cast %add3A_1375 : i32 to index
        %get3A_1412 = arith.constant 96 : index
        %get3A_1413 = tpu.vector_load %arg10[%get3A_1411, %get3A_1412] {strides = array<i32>} : memref<200x128xf32, #tpu.memory_space<vmem>>, vector<1x16xf32>,
        %get3A_1414 = vector.shape_cast %get3A_1413 : vector<1x16xf32> to vector<16xf32>
        %mul3A_1415 = arith.mulf %get3A_81, %get3A_1414 : vector<16xf32>
        %add3A_1416 = arith.addf %add3A_1410, %mul3A_1415 : vector<16xf32>
        %get3A_1417 = arith.index_cast %add3A_1375 : i32 to index
        %get3A_1418 = arith.constant 112 : index
        %get3A_1419 = tpu.vector_load %arg10[%get3A_1417, %get3A_1418] {strides = array<i32>} : memref<200x128xf32, #tpu.memory_space<vmem>>, vector<1x16xf32>,
        %get3A_1420 = vector.shape_cast %get3A_1419 : vector<1x16xf32> to vector<16xf32>
        %mul3A_1421 = arith.mulf %get3A_85, %get3A_1420 : vector<16xf32>
        %add3A_1422 = arith.addf %add3A_1416, %mul3A_1421 : vector<16xf32>
        %iota3A_1423 = tpu.iota {dimensions = array<i32: 0>} : vector<16xi32>
        %add3A_1424 = arith.constant 8 : i32
        %add3A_1425 = vector.broadcast %add3A_1424 : i32 to vector<16xi32>
        %add3A_1426 = arith.addi %iota3A_1423, %add3A_1425 : vector<16xi32>
        %and3A_1427 = arith.constant 15 : i32
        %and3A_1428 = vector.broadcast %and3A_1427 : i32 to vector<16xi32>
        %and3A_1429 = arith.andi %add3A_1426, %and3A_1428 : vector<16xi32>
        %broadcast_in_dim3A_1430 = vector.shape_cast %and3A_1429 : vector<16xi32> to vector<16x1xi32>
        %gather3A_1431 = vector.shape_cast %broadcast_in_dim3A_1430 : vector<16x1xi32> to vector<16xi32>
        %gather3A_1432 = tpu.dynamic_gather %add3A_1422[%gather3A_1431] in [0] : vector<16xf32>, vector<16xi32> -> vector<16xf32>
        %add3A_1433 = arith.addf %add3A_1422, %gather3A_1432 : vector<16xf32>
        %iota3A_1434 = tpu.iota {dimensions = array<i32: 0>} : vector<16xi32>
        %add3A_1435 = arith.constant 4 : i32
        %add3A_1436 = vector.broadcast %add3A_1435 : i32 to vector<16xi32>
        %add3A_1437 = arith.addi %iota3A_1434, %add3A_1436 : vector<16xi32>
        %and3A_1438 = arith.constant 15 : i32
        %and3A_1439 = vector.broadcast %and3A_1438 : i32 to vector<16xi32>
        %and3A_1440 = arith.andi %add3A_1437, %and3A_1439 : vector<16xi32>
        %broadcast_in_dim3A_1441 = vector.shape_cast %and3A_1440 : vector<16xi32> to vector<16x1xi32>
        %gather3A_1442 = vector.shape_cast %broadcast_in_dim3A_1441 : vector<16x1xi32> to vector<16xi32>
        %gather3A_1443 = tpu.dynamic_gather %add3A_1433[%gather3A_1442] in [0] : vector<16xf32>, vector<16xi32> -> vector<16xf32>
        %add3A_1444 = arith.addf %add3A_1433, %gather3A_1443 : vector<16xf32>
        %iota3A_1445 = tpu.iota {dimensions = array<i32: 0>} : vector<16xi32>
        %add3A_1446 = arith.constant 2 : i32
        %add3A_1447 = vector.broadcast %add3A_1446 : i32 to vector<16xi32>
        %add3A_1448 = arith.addi %iota3A_1445, %add3A_1447 : vector<16xi32>
        %and3A_1449 = arith.constant 15 : i32
        %and3A_1450 = vector.broadcast %and3A_1449 : i32 to vector<16xi32>
        %and3A_1451 = arith.andi %add3A_1448, %and3A_1450 : vector<16xi32>
        %broadcast_in_dim3A_1452 = vector.shape_cast %and3A_1451 : vector<16xi32> to vector<16x1xi32>
        %gather3A_1453 = vector.shape_cast %broadcast_in_dim3A_1452 : vector<16x1xi32> to vector<16xi32>
        %gather3A_1454 = tpu.dynamic_gather %add3A_1444[%gather3A_1453] in [0] : vector<16xf32>, vector<16xi32> -> vector<16xf32>
        %add3A_1455 = arith.addf %add3A_1444, %gather3A_1454 : vector<16xf32>
        %iota3A_1456 = tpu.iota {dimensions = array<i32: 0>} : vector<16xi32>
        %add3A_1457 = arith.constant 1 : i32
        %add3A_1458 = vector.broadcast %add3A_1457 : i32 to vector<16xi32>
        %add3A_1459 = arith.addi %iota3A_1456, %add3A_1458 : vector<16xi32>
        %and3A_1460 = arith.constant 15 : i32
        %and3A_1461 = vector.broadcast %and3A_1460 : i32 to vector<16xi32>
        %and3A_1462 = arith.andi %add3A_1459, %and3A_1461 : vector<16xi32>
        %broadcast_in_dim3A_1463 = vector.shape_cast %and3A_1462 : vector<16xi32> to vector<16x1xi32>
        %gather3A_1464 = vector.shape_cast %broadcast_in_dim3A_1463 : vector<16x1xi32> to vector<16xi32>
        %gather3A_1465 = tpu.dynamic_gather %add3A_1455[%gather3A_1464] in [0] : vector<16xf32>, vector<16xi32> -> vector<16xf32>
        %add3A_1466 = arith.addf %add3A_1455, %gather3A_1465 : vector<16xf32>
        %eq3A_1467 = arith.constant 13 : i32
        %eq3A_1468 = vector.broadcast %eq3A_1467 : i32 to vector<16xi32>
        %eq3A_1469 = arith.cmpi eq, %iota3A, %eq3A_1468 : vector<16xi32>
        %select_n3A_1470 = arith.select %eq3A_1469, %add3A_1466, %select_n3A_1371 : vector<16xi1>, vector<16xf32>
        %mul3A_1471 = arith.constant 25 : i32
        %mul3A_1472 = arith.muli %scan3A_51, %mul3A_1471 : i32
        %add3A_1473 = arith.constant 14 : i32
        %add3A_1474 = arith.addi %mul3A_1472, %add3A_1473 : i32
        %get3A_1475 = arith.index_cast %add3A_1474 : i32 to index
        %get3A_1476 = arith.constant 0 : index
        %get3A_1477 = tpu.vector_load %arg10[%get3A_1475, %get3A_1476] {strides = array<i32>} : memref<200x128xf32, #tpu.memory_space<vmem>>, vector<1x16xf32>,
        %get3A_1478 = vector.shape_cast %get3A_1477 : vector<1x16xf32> to vector<16xf32>
        %mul3A_1479 = arith.mulf %get3A_57, %get3A_1478 : vector<16xf32>
        %get3A_1480 = arith.index_cast %add3A_1474 : i32 to index
        %get3A_1481 = arith.constant 16 : index
        %get3A_1482 = tpu.vector_load %arg10[%get3A_1480, %get3A_1481] {strides = array<i32>} : memref<200x128xf32, #tpu.memory_space<vmem>>, vector<1x16xf32>,
        %get3A_1483 = vector.shape_cast %get3A_1482 : vector<1x16xf32> to vector<16xf32>
        %mul3A_1484 = arith.mulf %get3A_61, %get3A_1483 : vector<16xf32>
        %add3A_1485 = arith.addf %mul3A_1479, %mul3A_1484 : vector<16xf32>
        %get3A_1486 = arith.index_cast %add3A_1474 : i32 to index
        %get3A_1487 = arith.constant 32 : index
        %get3A_1488 = tpu.vector_load %arg10[%get3A_1486, %get3A_1487] {strides = array<i32>} : memref<200x128xf32, #tpu.memory_space<vmem>>, vector<1x16xf32>,
        %get3A_1489 = vector.shape_cast %get3A_1488 : vector<1x16xf32> to vector<16xf32>
        %mul3A_1490 = arith.mulf %get3A_65, %get3A_1489 : vector<16xf32>
        %add3A_1491 = arith.addf %add3A_1485, %mul3A_1490 : vector<16xf32>
        %get3A_1492 = arith.index_cast %add3A_1474 : i32 to index
        %get3A_1493 = arith.constant 48 : index
        %get3A_1494 = tpu.vector_load %arg10[%get3A_1492, %get3A_1493] {strides = array<i32>} : memref<200x128xf32, #tpu.memory_space<vmem>>, vector<1x16xf32>,
        %get3A_1495 = vector.shape_cast %get3A_1494 : vector<1x16xf32> to vector<16xf32>
        %mul3A_1496 = arith.mulf %get3A_69, %get3A_1495 : vector<16xf32>
        %add3A_1497 = arith.addf %add3A_1491, %mul3A_1496 : vector<16xf32>
        %get3A_1498 = arith.index_cast %add3A_1474 : i32 to index
        %get3A_1499 = arith.constant 64 : index
        %get3A_1500 = tpu.vector_load %arg10[%get3A_1498, %get3A_1499] {strides = array<i32>} : memref<200x128xf32, #tpu.memory_space<vmem>>, vector<1x16xf32>,
        %get3A_1501 = vector.shape_cast %get3A_1500 : vector<1x16xf32> to vector<16xf32>
        %mul3A_1502 = arith.mulf %get3A_73, %get3A_1501 : vector<16xf32>
        %add3A_1503 = arith.addf %add3A_1497, %mul3A_1502 : vector<16xf32>
        %get3A_1504 = arith.index_cast %add3A_1474 : i32 to index
        %get3A_1505 = arith.constant 80 : index
        %get3A_1506 = tpu.vector_load %arg10[%get3A_1504, %get3A_1505] {strides = array<i32>} : memref<200x128xf32, #tpu.memory_space<vmem>>, vector<1x16xf32>,
        %get3A_1507 = vector.shape_cast %get3A_1506 : vector<1x16xf32> to vector<16xf32>
        %mul3A_1508 = arith.mulf %get3A_77, %get3A_1507 : vector<16xf32>
        %add3A_1509 = arith.addf %add3A_1503, %mul3A_1508 : vector<16xf32>
        %get3A_1510 = arith.index_cast %add3A_1474 : i32 to index
        %get3A_1511 = arith.constant 96 : index
        %get3A_1512 = tpu.vector_load %arg10[%get3A_1510, %get3A_1511] {strides = array<i32>} : memref<200x128xf32, #tpu.memory_space<vmem>>, vector<1x16xf32>,
        %get3A_1513 = vector.shape_cast %get3A_1512 : vector<1x16xf32> to vector<16xf32>
        %mul3A_1514 = arith.mulf %get3A_81, %get3A_1513 : vector<16xf32>
        %add3A_1515 = arith.addf %add3A_1509, %mul3A_1514 : vector<16xf32>
        %get3A_1516 = arith.index_cast %add3A_1474 : i32 to index
        %get3A_1517 = arith.constant 112 : index
        %get3A_1518 = tpu.vector_load %arg10[%get3A_1516, %get3A_1517] {strides = array<i32>} : memref<200x128xf32, #tpu.memory_space<vmem>>, vector<1x16xf32>,
        %get3A_1519 = vector.shape_cast %get3A_1518 : vector<1x16xf32> to vector<16xf32>
        %mul3A_1520 = arith.mulf %get3A_85, %get3A_1519 : vector<16xf32>
        %add3A_1521 = arith.addf %add3A_1515, %mul3A_1520 : vector<16xf32>
        %iota3A_1522 = tpu.iota {dimensions = array<i32: 0>} : vector<16xi32>
        %add3A_1523 = arith.constant 8 : i32
        %add3A_1524 = vector.broadcast %add3A_1523 : i32 to vector<16xi32>
        %add3A_1525 = arith.addi %iota3A_1522, %add3A_1524 : vector<16xi32>
        %and3A_1526 = arith.constant 15 : i32
        %and3A_1527 = vector.broadcast %and3A_1526 : i32 to vector<16xi32>
        %and3A_1528 = arith.andi %add3A_1525, %and3A_1527 : vector<16xi32>
        %broadcast_in_dim3A_1529 = vector.shape_cast %and3A_1528 : vector<16xi32> to vector<16x1xi32>
        %gather3A_1530 = vector.shape_cast %broadcast_in_dim3A_1529 : vector<16x1xi32> to vector<16xi32>
        %gather3A_1531 = tpu.dynamic_gather %add3A_1521[%gather3A_1530] in [0] : vector<16xf32>, vector<16xi32> -> vector<16xf32>
        %add3A_1532 = arith.addf %add3A_1521, %gather3A_1531 : vector<16xf32>
        %iota3A_1533 = tpu.iota {dimensions = array<i32: 0>} : vector<16xi32>
        %add3A_1534 = arith.constant 4 : i32
        %add3A_1535 = vector.broadcast %add3A_1534 : i32 to vector<16xi32>
        %add3A_1536 = arith.addi %iota3A_1533, %add3A_1535 : vector<16xi32>
        %and3A_1537 = arith.constant 15 : i32
        %and3A_1538 = vector.broadcast %and3A_1537 : i32 to vector<16xi32>
        %and3A_1539 = arith.andi %add3A_1536, %and3A_1538 : vector<16xi32>
        %broadcast_in_dim3A_1540 = vector.shape_cast %and3A_1539 : vector<16xi32> to vector<16x1xi32>
        %gather3A_1541 = vector.shape_cast %broadcast_in_dim3A_1540 : vector<16x1xi32> to vector<16xi32>
        %gather3A_1542 = tpu.dynamic_gather %add3A_1532[%gather3A_1541] in [0] : vector<16xf32>, vector<16xi32> -> vector<16xf32>
        %add3A_1543 = arith.addf %add3A_1532, %gather3A_1542 : vector<16xf32>
        %iota3A_1544 = tpu.iota {dimensions = array<i32: 0>} : vector<16xi32>
        %add3A_1545 = arith.constant 2 : i32
        %add3A_1546 = vector.broadcast %add3A_1545 : i32 to vector<16xi32>
        %add3A_1547 = arith.addi %iota3A_1544, %add3A_1546 : vector<16xi32>
        %and3A_1548 = arith.constant 15 : i32
        %and3A_1549 = vector.broadcast %and3A_1548 : i32 to vector<16xi32>
        %and3A_1550 = arith.andi %add3A_1547, %and3A_1549 : vector<16xi32>
        %broadcast_in_dim3A_1551 = vector.shape_cast %and3A_1550 : vector<16xi32> to vector<16x1xi32>
        %gather3A_1552 = vector.shape_cast %broadcast_in_dim3A_1551 : vector<16x1xi32> to vector<16xi32>
        %gather3A_1553 = tpu.dynamic_gather %add3A_1543[%gather3A_1552] in [0] : vector<16xf32>, vector<16xi32> -> vector<16xf32>
        %add3A_1554 = arith.addf %add3A_1543, %gather3A_1553 : vector<16xf32>
        %iota3A_1555 = tpu.iota {dimensions = array<i32: 0>} : vector<16xi32>
        %add3A_1556 = arith.constant 1 : i32
        %add3A_1557 = vector.broadcast %add3A_1556 : i32 to vector<16xi32>
        %add3A_1558 = arith.addi %iota3A_1555, %add3A_1557 : vector<16xi32>
        %and3A_1559 = arith.constant 15 : i32
        %and3A_1560 = vector.broadcast %and3A_1559 : i32 to vector<16xi32>
        %and3A_1561 = arith.andi %add3A_1558, %and3A_1560 : vector<16xi32>
        %broadcast_in_dim3A_1562 = vector.shape_cast %and3A_1561 : vector<16xi32> to vector<16x1xi32>
        %gather3A_1563 = vector.shape_cast %broadcast_in_dim3A_1562 : vector<16x1xi32> to vector<16xi32>
        %gather3A_1564 = tpu.dynamic_gather %add3A_1554[%gather3A_1563] in [0] : vector<16xf32>, vector<16xi32> -> vector<16xf32>
        %add3A_1565 = arith.addf %add3A_1554, %gather3A_1564 : vector<16xf32>
        %eq3A_1566 = arith.constant 14 : i32
        %eq3A_1567 = vector.broadcast %eq3A_1566 : i32 to vector<16xi32>
        %eq3A_1568 = arith.cmpi eq, %iota3A, %eq3A_1567 : vector<16xi32>
        %select_n3A_1569 = arith.select %eq3A_1568, %add3A_1565, %select_n3A_1470 : vector<16xi1>, vector<16xf32>
        %mul3A_1570 = arith.constant 25 : i32
        %mul3A_1571 = arith.muli %scan3A_51, %mul3A_1570 : i32
        %add3A_1572 = arith.constant 15 : i32
        %add3A_1573 = arith.addi %mul3A_1571, %add3A_1572 : i32
        %get3A_1574 = arith.index_cast %add3A_1573 : i32 to index
        %get3A_1575 = arith.constant 0 : index
        %get3A_1576 = tpu.vector_load %arg10[%get3A_1574, %get3A_1575] {strides = array<i32>} : memref<200x128xf32, #tpu.memory_space<vmem>>, vector<1x16xf32>,
        %get3A_1577 = vector.shape_cast %get3A_1576 : vector<1x16xf32> to vector<16xf32>
        %mul3A_1578 = arith.mulf %get3A_57, %get3A_1577 : vector<16xf32>
        %get3A_1579 = arith.index_cast %add3A_1573 : i32 to index
        %get3A_1580 = arith.constant 16 : index
        %get3A_1581 = tpu.vector_load %arg10[%get3A_1579, %get3A_1580] {strides = array<i32>} : memref<200x128xf32, #tpu.memory_space<vmem>>, vector<1x16xf32>,
        %get3A_1582 = vector.shape_cast %get3A_1581 : vector<1x16xf32> to vector<16xf32>
        %mul3A_1583 = arith.mulf %get3A_61, %get3A_1582 : vector<16xf32>
        %add3A_1584 = arith.addf %mul3A_1578, %mul3A_1583 : vector<16xf32>
        %get3A_1585 = arith.index_cast %add3A_1573 : i32 to index
        %get3A_1586 = arith.constant 32 : index
        %get3A_1587 = tpu.vector_load %arg10[%get3A_1585, %get3A_1586] {strides = array<i32>} : memref<200x128xf32, #tpu.memory_space<vmem>>, vector<1x16xf32>,
        %get3A_1588 = vector.shape_cast %get3A_1587 : vector<1x16xf32> to vector<16xf32>
        %mul3A_1589 = arith.mulf %get3A_65, %get3A_1588 : vector<16xf32>
        %add3A_1590 = arith.addf %add3A_1584, %mul3A_1589 : vector<16xf32>
        %get3A_1591 = arith.index_cast %add3A_1573 : i32 to index
        %get3A_1592 = arith.constant 48 : index
        %get3A_1593 = tpu.vector_load %arg10[%get3A_1591, %get3A_1592] {strides = array<i32>} : memref<200x128xf32, #tpu.memory_space<vmem>>, vector<1x16xf32>,
        %get3A_1594 = vector.shape_cast %get3A_1593 : vector<1x16xf32> to vector<16xf32>
        %mul3A_1595 = arith.mulf %get3A_69, %get3A_1594 : vector<16xf32>
        %add3A_1596 = arith.addf %add3A_1590, %mul3A_1595 : vector<16xf32>
        %get3A_1597 = arith.index_cast %add3A_1573 : i32 to index
        %get3A_1598 = arith.constant 64 : index
        %get3A_1599 = tpu.vector_load %arg10[%get3A_1597, %get3A_1598] {strides = array<i32>} : memref<200x128xf32, #tpu.memory_space<vmem>>, vector<1x16xf32>,
        %get3A_1600 = vector.shape_cast %get3A_1599 : vector<1x16xf32> to vector<16xf32>
        %mul3A_1601 = arith.mulf %get3A_73, %get3A_1600 : vector<16xf32>
        %add3A_1602 = arith.addf %add3A_1596, %mul3A_1601 : vector<16xf32>
        %get3A_1603 = arith.index_cast %add3A_1573 : i32 to index
        %get3A_1604 = arith.constant 80 : index
        %get3A_1605 = tpu.vector_load %arg10[%get3A_1603, %get3A_1604] {strides = array<i32>} : memref<200x128xf32, #tpu.memory_space<vmem>>, vector<1x16xf32>,
        %get3A_1606 = vector.shape_cast %get3A_1605 : vector<1x16xf32> to vector<16xf32>
        %mul3A_1607 = arith.mulf %get3A_77, %get3A_1606 : vector<16xf32>
        %add3A_1608 = arith.addf %add3A_1602, %mul3A_1607 : vector<16xf32>
        %get3A_1609 = arith.index_cast %add3A_1573 : i32 to index
        %get3A_1610 = arith.constant 96 : index
        %get3A_1611 = tpu.vector_load %arg10[%get3A_1609, %get3A_1610] {strides = array<i32>} : memref<200x128xf32, #tpu.memory_space<vmem>>, vector<1x16xf32>,
        %get3A_1612 = vector.shape_cast %get3A_1611 : vector<1x16xf32> to vector<16xf32>
        %mul3A_1613 = arith.mulf %get3A_81, %get3A_1612 : vector<16xf32>
        %add3A_1614 = arith.addf %add3A_1608, %mul3A_1613 : vector<16xf32>
        %get3A_1615 = arith.index_cast %add3A_1573 : i32 to index
        %get3A_1616 = arith.constant 112 : index
        %get3A_1617 = tpu.vector_load %arg10[%get3A_1615, %get3A_1616] {strides = array<i32>} : memref<200x128xf32, #tpu.memory_space<vmem>>, vector<1x16xf32>,
        %get3A_1618 = vector.shape_cast %get3A_1617 : vector<1x16xf32> to vector<16xf32>
        %mul3A_1619 = arith.mulf %get3A_85, %get3A_1618 : vector<16xf32>
        %add3A_1620 = arith.addf %add3A_1614, %mul3A_1619 : vector<16xf32>
        %iota3A_1621 = tpu.iota {dimensions = array<i32: 0>} : vector<16xi32>
        %add3A_1622 = arith.constant 8 : i32
        %add3A_1623 = vector.broadcast %add3A_1622 : i32 to vector<16xi32>
        %add3A_1624 = arith.addi %iota3A_1621, %add3A_1623 : vector<16xi32>
        %and3A_1625 = arith.constant 15 : i32
        %and3A_1626 = vector.broadcast %and3A_1625 : i32 to vector<16xi32>
        %and3A_1627 = arith.andi %add3A_1624, %and3A_1626 : vector<16xi32>
        %broadcast_in_dim3A_1628 = vector.shape_cast %and3A_1627 : vector<16xi32> to vector<16x1xi32>
        %gather3A_1629 = vector.shape_cast %broadcast_in_dim3A_1628 : vector<16x1xi32> to vector<16xi32>
        %gather3A_1630 = tpu.dynamic_gather %add3A_1620[%gather3A_1629] in [0] : vector<16xf32>, vector<16xi32> -> vector<16xf32>
        %add3A_1631 = arith.addf %add3A_1620, %gather3A_1630 : vector<16xf32>
        %iota3A_1632 = tpu.iota {dimensions = array<i32: 0>} : vector<16xi32>
        %add3A_1633 = arith.constant 4 : i32
        %add3A_1634 = vector.broadcast %add3A_1633 : i32 to vector<16xi32>
        %add3A_1635 = arith.addi %iota3A_1632, %add3A_1634 : vector<16xi32>
        %and3A_1636 = arith.constant 15 : i32
        %and3A_1637 = vector.broadcast %and3A_1636 : i32 to vector<16xi32>
        %and3A_1638 = arith.andi %add3A_1635, %and3A_1637 : vector<16xi32>
        %broadcast_in_dim3A_1639 = vector.shape_cast %and3A_1638 : vector<16xi32> to vector<16x1xi32>
        %gather3A_1640 = vector.shape_cast %broadcast_in_dim3A_1639 : vector<16x1xi32> to vector<16xi32>
        %gather3A_1641 = tpu.dynamic_gather %add3A_1631[%gather3A_1640] in [0] : vector<16xf32>, vector<16xi32> -> vector<16xf32>
        %add3A_1642 = arith.addf %add3A_1631, %gather3A_1641 : vector<16xf32>
        %iota3A_1643 = tpu.iota {dimensions = array<i32: 0>} : vector<16xi32>
        %add3A_1644 = arith.constant 2 : i32
        %add3A_1645 = vector.broadcast %add3A_1644 : i32 to vector<16xi32>
        %add3A_1646 = arith.addi %iota3A_1643, %add3A_1645 : vector<16xi32>
        %and3A_1647 = arith.constant 15 : i32
        %and3A_1648 = vector.broadcast %and3A_1647 : i32 to vector<16xi32>
        %and3A_1649 = arith.andi %add3A_1646, %and3A_1648 : vector<16xi32>
        %broadcast_in_dim3A_1650 = vector.shape_cast %and3A_1649 : vector<16xi32> to vector<16x1xi32>
        %gather3A_1651 = vector.shape_cast %broadcast_in_dim3A_1650 : vector<16x1xi32> to vector<16xi32>
        %gather3A_1652 = tpu.dynamic_gather %add3A_1642[%gather3A_1651] in [0] : vector<16xf32>, vector<16xi32> -> vector<16xf32>
        %add3A_1653 = arith.addf %add3A_1642, %gather3A_1652 : vector<16xf32>
        %iota3A_1654 = tpu.iota {dimensions = array<i32: 0>} : vector<16xi32>
        %add3A_1655 = arith.constant 1 : i32
        %add3A_1656 = vector.broadcast %add3A_1655 : i32 to vector<16xi32>
        %add3A_1657 = arith.addi %iota3A_1654, %add3A_1656 : vector<16xi32>
        %and3A_1658 = arith.constant 15 : i32
        %and3A_1659 = vector.broadcast %and3A_1658 : i32 to vector<16xi32>
        %and3A_1660 = arith.andi %add3A_1657, %and3A_1659 : vector<16xi32>
        %broadcast_in_dim3A_1661 = vector.shape_cast %and3A_1660 : vector<16xi32> to vector<16x1xi32>
        %gather3A_1662 = vector.shape_cast %broadcast_in_dim3A_1661 : vector<16x1xi32> to vector<16xi32>
        %gather3A_1663 = tpu.dynamic_gather %add3A_1653[%gather3A_1662] in [0] : vector<16xf32>, vector<16xi32> -> vector<16xf32>
        %add3A_1664 = arith.addf %add3A_1653, %gather3A_1663 : vector<16xf32>
        %eq3A_1665 = arith.constant 15 : i32
        %eq3A_1666 = vector.broadcast %eq3A_1665 : i32 to vector<16xi32>
        %eq3A_1667 = arith.cmpi eq, %iota3A, %eq3A_1666 : vector<16xi32>
        %select_n3A_1668 = arith.select %eq3A_1667, %add3A_1664, %select_n3A_1569 : vector<16xi1>, vector<16xf32>
        %mul3A_1669 = arith.constant 25 : i32
        %mul3A_1670 = arith.muli %scan3A_51, %mul3A_1669 : i32
        %add3A_1671 = arith.constant 16 : i32
        %add3A_1672 = arith.addi %mul3A_1670, %add3A_1671 : i32
        %get3A_1673 = arith.index_cast %add3A_1672 : i32 to index
        %get3A_1674 = arith.constant 0 : index
        %get3A_1675 = tpu.vector_load %arg10[%get3A_1673, %get3A_1674] {strides = array<i32>} : memref<200x128xf32, #tpu.memory_space<vmem>>, vector<1x16xf32>,
        %get3A_1676 = vector.shape_cast %get3A_1675 : vector<1x16xf32> to vector<16xf32>
        %mul3A_1677 = arith.mulf %get3A_57, %get3A_1676 : vector<16xf32>
        %get3A_1678 = arith.index_cast %add3A_1672 : i32 to index
        %get3A_1679 = arith.constant 16 : index
        %get3A_1680 = tpu.vector_load %arg10[%get3A_1678, %get3A_1679] {strides = array<i32>} : memref<200x128xf32, #tpu.memory_space<vmem>>, vector<1x16xf32>,
        %get3A_1681 = vector.shape_cast %get3A_1680 : vector<1x16xf32> to vector<16xf32>
        %mul3A_1682 = arith.mulf %get3A_61, %get3A_1681 : vector<16xf32>
        %add3A_1683 = arith.addf %mul3A_1677, %mul3A_1682 : vector<16xf32>
        %get3A_1684 = arith.index_cast %add3A_1672 : i32 to index
        %get3A_1685 = arith.constant 32 : index
        %get3A_1686 = tpu.vector_load %arg10[%get3A_1684, %get3A_1685] {strides = array<i32>} : memref<200x128xf32, #tpu.memory_space<vmem>>, vector<1x16xf32>,
        %get3A_1687 = vector.shape_cast %get3A_1686 : vector<1x16xf32> to vector<16xf32>
        %mul3A_1688 = arith.mulf %get3A_65, %get3A_1687 : vector<16xf32>
        %add3A_1689 = arith.addf %add3A_1683, %mul3A_1688 : vector<16xf32>
        %get3A_1690 = arith.index_cast %add3A_1672 : i32 to index
        %get3A_1691 = arith.constant 48 : index
        %get3A_1692 = tpu.vector_load %arg10[%get3A_1690, %get3A_1691] {strides = array<i32>} : memref<200x128xf32, #tpu.memory_space<vmem>>, vector<1x16xf32>,
        %get3A_1693 = vector.shape_cast %get3A_1692 : vector<1x16xf32> to vector<16xf32>
        %mul3A_1694 = arith.mulf %get3A_69, %get3A_1693 : vector<16xf32>
        %add3A_1695 = arith.addf %add3A_1689, %mul3A_1694 : vector<16xf32>
        %get3A_1696 = arith.index_cast %add3A_1672 : i32 to index
        %get3A_1697 = arith.constant 64 : index
        %get3A_1698 = tpu.vector_load %arg10[%get3A_1696, %get3A_1697] {strides = array<i32>} : memref<200x128xf32, #tpu.memory_space<vmem>>, vector<1x16xf32>,
        %get3A_1699 = vector.shape_cast %get3A_1698 : vector<1x16xf32> to vector<16xf32>
        %mul3A_1700 = arith.mulf %get3A_73, %get3A_1699 : vector<16xf32>
        %add3A_1701 = arith.addf %add3A_1695, %mul3A_1700 : vector<16xf32>
        %get3A_1702 = arith.index_cast %add3A_1672 : i32 to index
        %get3A_1703 = arith.constant 80 : index
        %get3A_1704 = tpu.vector_load %arg10[%get3A_1702, %get3A_1703] {strides = array<i32>} : memref<200x128xf32, #tpu.memory_space<vmem>>, vector<1x16xf32>,
        %get3A_1705 = vector.shape_cast %get3A_1704 : vector<1x16xf32> to vector<16xf32>
        %mul3A_1706 = arith.mulf %get3A_77, %get3A_1705 : vector<16xf32>
        %add3A_1707 = arith.addf %add3A_1701, %mul3A_1706 : vector<16xf32>
        %get3A_1708 = arith.index_cast %add3A_1672 : i32 to index
        %get3A_1709 = arith.constant 96 : index
        %get3A_1710 = tpu.vector_load %arg10[%get3A_1708, %get3A_1709] {strides = array<i32>} : memref<200x128xf32, #tpu.memory_space<vmem>>, vector<1x16xf32>,
        %get3A_1711 = vector.shape_cast %get3A_1710 : vector<1x16xf32> to vector<16xf32>
        %mul3A_1712 = arith.mulf %get3A_81, %get3A_1711 : vector<16xf32>
        %add3A_1713 = arith.addf %add3A_1707, %mul3A_1712 : vector<16xf32>
        %get3A_1714 = arith.index_cast %add3A_1672 : i32 to index
        %get3A_1715 = arith.constant 112 : index
        %get3A_1716 = tpu.vector_load %arg10[%get3A_1714, %get3A_1715] {strides = array<i32>} : memref<200x128xf32, #tpu.memory_space<vmem>>, vector<1x16xf32>,
        %get3A_1717 = vector.shape_cast %get3A_1716 : vector<1x16xf32> to vector<16xf32>
        %mul3A_1718 = arith.mulf %get3A_85, %get3A_1717 : vector<16xf32>
        %add3A_1719 = arith.addf %add3A_1713, %mul3A_1718 : vector<16xf32>
        %iota3A_1720 = tpu.iota {dimensions = array<i32: 0>} : vector<16xi32>
        %add3A_1721 = arith.constant 8 : i32
        %add3A_1722 = vector.broadcast %add3A_1721 : i32 to vector<16xi32>
        %add3A_1723 = arith.addi %iota3A_1720, %add3A_1722 : vector<16xi32>
        %and3A_1724 = arith.constant 15 : i32
        %and3A_1725 = vector.broadcast %and3A_1724 : i32 to vector<16xi32>
        %and3A_1726 = arith.andi %add3A_1723, %and3A_1725 : vector<16xi32>
        %broadcast_in_dim3A_1727 = vector.shape_cast %and3A_1726 : vector<16xi32> to vector<16x1xi32>
        %gather3A_1728 = vector.shape_cast %broadcast_in_dim3A_1727 : vector<16x1xi32> to vector<16xi32>
        %gather3A_1729 = tpu.dynamic_gather %add3A_1719[%gather3A_1728] in [0] : vector<16xf32>, vector<16xi32> -> vector<16xf32>
        %add3A_1730 = arith.addf %add3A_1719, %gather3A_1729 : vector<16xf32>
        %iota3A_1731 = tpu.iota {dimensions = array<i32: 0>} : vector<16xi32>
        %add3A_1732 = arith.constant 4 : i32
        %add3A_1733 = vector.broadcast %add3A_1732 : i32 to vector<16xi32>
        %add3A_1734 = arith.addi %iota3A_1731, %add3A_1733 : vector<16xi32>
        %and3A_1735 = arith.constant 15 : i32
        %and3A_1736 = vector.broadcast %and3A_1735 : i32 to vector<16xi32>
        %and3A_1737 = arith.andi %add3A_1734, %and3A_1736 : vector<16xi32>
        %broadcast_in_dim3A_1738 = vector.shape_cast %and3A_1737 : vector<16xi32> to vector<16x1xi32>
        %gather3A_1739 = vector.shape_cast %broadcast_in_dim3A_1738 : vector<16x1xi32> to vector<16xi32>
        %gather3A_1740 = tpu.dynamic_gather %add3A_1730[%gather3A_1739] in [0] : vector<16xf32>, vector<16xi32> -> vector<16xf32>
        %add3A_1741 = arith.addf %add3A_1730, %gather3A_1740 : vector<16xf32>
        %iota3A_1742 = tpu.iota {dimensions = array<i32: 0>} : vector<16xi32>
        %add3A_1743 = arith.constant 2 : i32
        %add3A_1744 = vector.broadcast %add3A_1743 : i32 to vector<16xi32>
        %add3A_1745 = arith.addi %iota3A_1742, %add3A_1744 : vector<16xi32>
        %and3A_1746 = arith.constant 15 : i32
        %and3A_1747 = vector.broadcast %and3A_1746 : i32 to vector<16xi32>
        %and3A_1748 = arith.andi %add3A_1745, %and3A_1747 : vector<16xi32>
        %broadcast_in_dim3A_1749 = vector.shape_cast %and3A_1748 : vector<16xi32> to vector<16x1xi32>
        %gather3A_1750 = vector.shape_cast %broadcast_in_dim3A_1749 : vector<16x1xi32> to vector<16xi32>
        %gather3A_1751 = tpu.dynamic_gather %add3A_1741[%gather3A_1750] in [0] : vector<16xf32>, vector<16xi32> -> vector<16xf32>
        %add3A_1752 = arith.addf %add3A_1741, %gather3A_1751 : vector<16xf32>
        %iota3A_1753 = tpu.iota {dimensions = array<i32: 0>} : vector<16xi32>
        %add3A_1754 = arith.constant 1 : i32
        %add3A_1755 = vector.broadcast %add3A_1754 : i32 to vector<16xi32>
        %add3A_1756 = arith.addi %iota3A_1753, %add3A_1755 : vector<16xi32>
        %and3A_1757 = arith.constant 15 : i32
        %and3A_1758 = vector.broadcast %and3A_1757 : i32 to vector<16xi32>
        %and3A_1759 = arith.andi %add3A_1756, %and3A_1758 : vector<16xi32>
        %broadcast_in_dim3A_1760 = vector.shape_cast %and3A_1759 : vector<16xi32> to vector<16x1xi32>
        %gather3A_1761 = vector.shape_cast %broadcast_in_dim3A_1760 : vector<16x1xi32> to vector<16xi32>
        %gather3A_1762 = tpu.dynamic_gather %add3A_1752[%gather3A_1761] in [0] : vector<16xf32>, vector<16xi32> -> vector<16xf32>
        %add3A_1763 = arith.addf %add3A_1752, %gather3A_1762 : vector<16xf32>
        %eq3A_1764 = arith.constant 0 : i32
        %eq3A_1765 = vector.broadcast %eq3A_1764 : i32 to vector<16xi32>
        %eq3A_1766 = arith.cmpi eq, %iota3A, %eq3A_1765 : vector<16xi32>
        %select_n3A_1767 = arith.select %eq3A_1766, %add3A_1763, %broadcast_in_dim3A_88 : vector<16xi1>, vector<16xf32>
        %mul3A_1768 = arith.constant 25 : i32
        %mul3A_1769 = arith.muli %scan3A_51, %mul3A_1768 : i32
        %add3A_1770 = arith.constant 17 : i32
        %add3A_1771 = arith.addi %mul3A_1769, %add3A_1770 : i32
        %get3A_1772 = arith.index_cast %add3A_1771 : i32 to index
        %get3A_1773 = arith.constant 0 : index
        %get3A_1774 = tpu.vector_load %arg10[%get3A_1772, %get3A_1773] {strides = array<i32>} : memref<200x128xf32, #tpu.memory_space<vmem>>, vector<1x16xf32>,
        %get3A_1775 = vector.shape_cast %get3A_1774 : vector<1x16xf32> to vector<16xf32>
        %mul3A_1776 = arith.mulf %get3A_57, %get3A_1775 : vector<16xf32>
        %get3A_1777 = arith.index_cast %add3A_1771 : i32 to index
        %get3A_1778 = arith.constant 16 : index
        %get3A_1779 = tpu.vector_load %arg10[%get3A_1777, %get3A_1778] {strides = array<i32>} : memref<200x128xf32, #tpu.memory_space<vmem>>, vector<1x16xf32>,
        %get3A_1780 = vector.shape_cast %get3A_1779 : vector<1x16xf32> to vector<16xf32>
        %mul3A_1781 = arith.mulf %get3A_61, %get3A_1780 : vector<16xf32>
        %add3A_1782 = arith.addf %mul3A_1776, %mul3A_1781 : vector<16xf32>
        %get3A_1783 = arith.index_cast %add3A_1771 : i32 to index
        %get3A_1784 = arith.constant 32 : index
        %get3A_1785 = tpu.vector_load %arg10[%get3A_1783, %get3A_1784] {strides = array<i32>} : memref<200x128xf32, #tpu.memory_space<vmem>>, vector<1x16xf32>,
        %get3A_1786 = vector.shape_cast %get3A_1785 : vector<1x16xf32> to vector<16xf32>
        %mul3A_1787 = arith.mulf %get3A_65, %get3A_1786 : vector<16xf32>
        %add3A_1788 = arith.addf %add3A_1782, %mul3A_1787 : vector<16xf32>
        %get3A_1789 = arith.index_cast %add3A_1771 : i32 to index
        %get3A_1790 = arith.constant 48 : index
        %get3A_1791 = tpu.vector_load %arg10[%get3A_1789, %get3A_1790] {strides = array<i32>} : memref<200x128xf32, #tpu.memory_space<vmem>>, vector<1x16xf32>,
        %get3A_1792 = vector.shape_cast %get3A_1791 : vector<1x16xf32> to vector<16xf32>
        %mul3A_1793 = arith.mulf %get3A_69, %get3A_1792 : vector<16xf32>
        %add3A_1794 = arith.addf %add3A_1788, %mul3A_1793 : vector<16xf32>
        %get3A_1795 = arith.index_cast %add3A_1771 : i32 to index
        %get3A_1796 = arith.constant 64 : index
        %get3A_1797 = tpu.vector_load %arg10[%get3A_1795, %get3A_1796] {strides = array<i32>} : memref<200x128xf32, #tpu.memory_space<vmem>>, vector<1x16xf32>,
        %get3A_1798 = vector.shape_cast %get3A_1797 : vector<1x16xf32> to vector<16xf32>
        %mul3A_1799 = arith.mulf %get3A_73, %get3A_1798 : vector<16xf32>
        %add3A_1800 = arith.addf %add3A_1794, %mul3A_1799 : vector<16xf32>
        %get3A_1801 = arith.index_cast %add3A_1771 : i32 to index
        %get3A_1802 = arith.constant 80 : index
        %get3A_1803 = tpu.vector_load %arg10[%get3A_1801, %get3A_1802] {strides = array<i32>} : memref<200x128xf32, #tpu.memory_space<vmem>>, vector<1x16xf32>,
        %get3A_1804 = vector.shape_cast %get3A_1803 : vector<1x16xf32> to vector<16xf32>
        %mul3A_1805 = arith.mulf %get3A_77, %get3A_1804 : vector<16xf32>
        %add3A_1806 = arith.addf %add3A_1800, %mul3A_1805 : vector<16xf32>
        %get3A_1807 = arith.index_cast %add3A_1771 : i32 to index
        %get3A_1808 = arith.constant 96 : index
        %get3A_1809 = tpu.vector_load %arg10[%get3A_1807, %get3A_1808] {strides = array<i32>} : memref<200x128xf32, #tpu.memory_space<vmem>>, vector<1x16xf32>,
        %get3A_1810 = vector.shape_cast %get3A_1809 : vector<1x16xf32> to vector<16xf32>
        %mul3A_1811 = arith.mulf %get3A_81, %get3A_1810 : vector<16xf32>
        %add3A_1812 = arith.addf %add3A_1806, %mul3A_1811 : vector<16xf32>
        %get3A_1813 = arith.index_cast %add3A_1771 : i32 to index
        %get3A_1814 = arith.constant 112 : index
        %get3A_1815 = tpu.vector_load %arg10[%get3A_1813, %get3A_1814] {strides = array<i32>} : memref<200x128xf32, #tpu.memory_space<vmem>>, vector<1x16xf32>,
        %get3A_1816 = vector.shape_cast %get3A_1815 : vector<1x16xf32> to vector<16xf32>
        %mul3A_1817 = arith.mulf %get3A_85, %get3A_1816 : vector<16xf32>
        %add3A_1818 = arith.addf %add3A_1812, %mul3A_1817 : vector<16xf32>
        %iota3A_1819 = tpu.iota {dimensions = array<i32: 0>} : vector<16xi32>
        %add3A_1820 = arith.constant 8 : i32
        %add3A_1821 = vector.broadcast %add3A_1820 : i32 to vector<16xi32>
        %add3A_1822 = arith.addi %iota3A_1819, %add3A_1821 : vector<16xi32>
        %and3A_1823 = arith.constant 15 : i32
        %and3A_1824 = vector.broadcast %and3A_1823 : i32 to vector<16xi32>
        %and3A_1825 = arith.andi %add3A_1822, %and3A_1824 : vector<16xi32>
        %broadcast_in_dim3A_1826 = vector.shape_cast %and3A_1825 : vector<16xi32> to vector<16x1xi32>
        %gather3A_1827 = vector.shape_cast %broadcast_in_dim3A_1826 : vector<16x1xi32> to vector<16xi32>
        %gather3A_1828 = tpu.dynamic_gather %add3A_1818[%gather3A_1827] in [0] : vector<16xf32>, vector<16xi32> -> vector<16xf32>
        %add3A_1829 = arith.addf %add3A_1818, %gather3A_1828 : vector<16xf32>
        %iota3A_1830 = tpu.iota {dimensions = array<i32: 0>} : vector<16xi32>
        %add3A_1831 = arith.constant 4 : i32
        %add3A_1832 = vector.broadcast %add3A_1831 : i32 to vector<16xi32>
        %add3A_1833 = arith.addi %iota3A_1830, %add3A_1832 : vector<16xi32>
        %and3A_1834 = arith.constant 15 : i32
        %and3A_1835 = vector.broadcast %and3A_1834 : i32 to vector<16xi32>
        %and3A_1836 = arith.andi %add3A_1833, %and3A_1835 : vector<16xi32>
        %broadcast_in_dim3A_1837 = vector.shape_cast %and3A_1836 : vector<16xi32> to vector<16x1xi32>
        %gather3A_1838 = vector.shape_cast %broadcast_in_dim3A_1837 : vector<16x1xi32> to vector<16xi32>
        %gather3A_1839 = tpu.dynamic_gather %add3A_1829[%gather3A_1838] in [0] : vector<16xf32>, vector<16xi32> -> vector<16xf32>
        %add3A_1840 = arith.addf %add3A_1829, %gather3A_1839 : vector<16xf32>
        %iota3A_1841 = tpu.iota {dimensions = array<i32: 0>} : vector<16xi32>
        %add3A_1842 = arith.constant 2 : i32
        %add3A_1843 = vector.broadcast %add3A_1842 : i32 to vector<16xi32>
        %add3A_1844 = arith.addi %iota3A_1841, %add3A_1843 : vector<16xi32>
        %and3A_1845 = arith.constant 15 : i32
        %and3A_1846 = vector.broadcast %and3A_1845 : i32 to vector<16xi32>
        %and3A_1847 = arith.andi %add3A_1844, %and3A_1846 : vector<16xi32>
        %broadcast_in_dim3A_1848 = vector.shape_cast %and3A_1847 : vector<16xi32> to vector<16x1xi32>
        %gather3A_1849 = vector.shape_cast %broadcast_in_dim3A_1848 : vector<16x1xi32> to vector<16xi32>
        %gather3A_1850 = tpu.dynamic_gather %add3A_1840[%gather3A_1849] in [0] : vector<16xf32>, vector<16xi32> -> vector<16xf32>
        %add3A_1851 = arith.addf %add3A_1840, %gather3A_1850 : vector<16xf32>
        %iota3A_1852 = tpu.iota {dimensions = array<i32: 0>} : vector<16xi32>
        %add3A_1853 = arith.constant 1 : i32
        %add3A_1854 = vector.broadcast %add3A_1853 : i32 to vector<16xi32>
        %add3A_1855 = arith.addi %iota3A_1852, %add3A_1854 : vector<16xi32>
        %and3A_1856 = arith.constant 15 : i32
        %and3A_1857 = vector.broadcast %and3A_1856 : i32 to vector<16xi32>
        %and3A_1858 = arith.andi %add3A_1855, %and3A_1857 : vector<16xi32>
        %broadcast_in_dim3A_1859 = vector.shape_cast %and3A_1858 : vector<16xi32> to vector<16x1xi32>
        %gather3A_1860 = vector.shape_cast %broadcast_in_dim3A_1859 : vector<16x1xi32> to vector<16xi32>
        %gather3A_1861 = tpu.dynamic_gather %add3A_1851[%gather3A_1860] in [0] : vector<16xf32>, vector<16xi32> -> vector<16xf32>
        %add3A_1862 = arith.addf %add3A_1851, %gather3A_1861 : vector<16xf32>
        %eq3A_1863 = arith.constant 1 : i32
        %eq3A_1864 = vector.broadcast %eq3A_1863 : i32 to vector<16xi32>
        %eq3A_1865 = arith.cmpi eq, %iota3A, %eq3A_1864 : vector<16xi32>
        %select_n3A_1866 = arith.select %eq3A_1865, %add3A_1862, %select_n3A_1767 : vector<16xi1>, vector<16xf32>
        %mul3A_1867 = arith.constant 25 : i32
        %mul3A_1868 = arith.muli %scan3A_51, %mul3A_1867 : i32
        %add3A_1869 = arith.constant 18 : i32
        %add3A_1870 = arith.addi %mul3A_1868, %add3A_1869 : i32
        %get3A_1871 = arith.index_cast %add3A_1870 : i32 to index
        %get3A_1872 = arith.constant 0 : index
        %get3A_1873 = tpu.vector_load %arg10[%get3A_1871, %get3A_1872] {strides = array<i32>} : memref<200x128xf32, #tpu.memory_space<vmem>>, vector<1x16xf32>,
        %get3A_1874 = vector.shape_cast %get3A_1873 : vector<1x16xf32> to vector<16xf32>
        %mul3A_1875 = arith.mulf %get3A_57, %get3A_1874 : vector<16xf32>
        %get3A_1876 = arith.index_cast %add3A_1870 : i32 to index
        %get3A_1877 = arith.constant 16 : index
        %get3A_1878 = tpu.vector_load %arg10[%get3A_1876, %get3A_1877] {strides = array<i32>} : memref<200x128xf32, #tpu.memory_space<vmem>>, vector<1x16xf32>,
        %get3A_1879 = vector.shape_cast %get3A_1878 : vector<1x16xf32> to vector<16xf32>
        %mul3A_1880 = arith.mulf %get3A_61, %get3A_1879 : vector<16xf32>
        %add3A_1881 = arith.addf %mul3A_1875, %mul3A_1880 : vector<16xf32>
        %get3A_1882 = arith.index_cast %add3A_1870 : i32 to index
        %get3A_1883 = arith.constant 32 : index
        %get3A_1884 = tpu.vector_load %arg10[%get3A_1882, %get3A_1883] {strides = array<i32>} : memref<200x128xf32, #tpu.memory_space<vmem>>, vector<1x16xf32>,
        %get3A_1885 = vector.shape_cast %get3A_1884 : vector<1x16xf32> to vector<16xf32>
        %mul3A_1886 = arith.mulf %get3A_65, %get3A_1885 : vector<16xf32>
        %add3A_1887 = arith.addf %add3A_1881, %mul3A_1886 : vector<16xf32>
        %get3A_1888 = arith.index_cast %add3A_1870 : i32 to index
        %get3A_1889 = arith.constant 48 : index
        %get3A_1890 = tpu.vector_load %arg10[%get3A_1888, %get3A_1889] {strides = array<i32>} : memref<200x128xf32, #tpu.memory_space<vmem>>, vector<1x16xf32>,
        %get3A_1891 = vector.shape_cast %get3A_1890 : vector<1x16xf32> to vector<16xf32>
        %mul3A_1892 = arith.mulf %get3A_69, %get3A_1891 : vector<16xf32>
        %add3A_1893 = arith.addf %add3A_1887, %mul3A_1892 : vector<16xf32>
        %get3A_1894 = arith.index_cast %add3A_1870 : i32 to index
        %get3A_1895 = arith.constant 64 : index
        %get3A_1896 = tpu.vector_load %arg10[%get3A_1894, %get3A_1895] {strides = array<i32>} : memref<200x128xf32, #tpu.memory_space<vmem>>, vector<1x16xf32>,
        %get3A_1897 = vector.shape_cast %get3A_1896 : vector<1x16xf32> to vector<16xf32>
        %mul3A_1898 = arith.mulf %get3A_73, %get3A_1897 : vector<16xf32>
        %add3A_1899 = arith.addf %add3A_1893, %mul3A_1898 : vector<16xf32>
        %get3A_1900 = arith.index_cast %add3A_1870 : i32 to index
        %get3A_1901 = arith.constant 80 : index
        %get3A_1902 = tpu.vector_load %arg10[%get3A_1900, %get3A_1901] {strides = array<i32>} : memref<200x128xf32, #tpu.memory_space<vmem>>, vector<1x16xf32>,
        %get3A_1903 = vector.shape_cast %get3A_1902 : vector<1x16xf32> to vector<16xf32>
        %mul3A_1904 = arith.mulf %get3A_77, %get3A_1903 : vector<16xf32>
        %add3A_1905 = arith.addf %add3A_1899, %mul3A_1904 : vector<16xf32>
        %get3A_1906 = arith.index_cast %add3A_1870 : i32 to index
        %get3A_1907 = arith.constant 96 : index
        %get3A_1908 = tpu.vector_load %arg10[%get3A_1906, %get3A_1907] {strides = array<i32>} : memref<200x128xf32, #tpu.memory_space<vmem>>, vector<1x16xf32>,
        %get3A_1909 = vector.shape_cast %get3A_1908 : vector<1x16xf32> to vector<16xf32>
        %mul3A_1910 = arith.mulf %get3A_81, %get3A_1909 : vector<16xf32>
        %add3A_1911 = arith.addf %add3A_1905, %mul3A_1910 : vector<16xf32>
        %get3A_1912 = arith.index_cast %add3A_1870 : i32 to index
        %get3A_1913 = arith.constant 112 : index
        %get3A_1914 = tpu.vector_load %arg10[%get3A_1912, %get3A_1913] {strides = array<i32>} : memref<200x128xf32, #tpu.memory_space<vmem>>, vector<1x16xf32>,
        %get3A_1915 = vector.shape_cast %get3A_1914 : vector<1x16xf32> to vector<16xf32>
        %mul3A_1916 = arith.mulf %get3A_85, %get3A_1915 : vector<16xf32>
        %add3A_1917 = arith.addf %add3A_1911, %mul3A_1916 : vector<16xf32>
        %iota3A_1918 = tpu.iota {dimensions = array<i32: 0>} : vector<16xi32>
        %add3A_1919 = arith.constant 8 : i32
        %add3A_1920 = vector.broadcast %add3A_1919 : i32 to vector<16xi32>
        %add3A_1921 = arith.addi %iota3A_1918, %add3A_1920 : vector<16xi32>
        %and3A_1922 = arith.constant 15 : i32
        %and3A_1923 = vector.broadcast %and3A_1922 : i32 to vector<16xi32>
        %and3A_1924 = arith.andi %add3A_1921, %and3A_1923 : vector<16xi32>
        %broadcast_in_dim3A_1925 = vector.shape_cast %and3A_1924 : vector<16xi32> to vector<16x1xi32>
        %gather3A_1926 = vector.shape_cast %broadcast_in_dim3A_1925 : vector<16x1xi32> to vector<16xi32>
        %gather3A_1927 = tpu.dynamic_gather %add3A_1917[%gather3A_1926] in [0] : vector<16xf32>, vector<16xi32> -> vector<16xf32>
        %add3A_1928 = arith.addf %add3A_1917, %gather3A_1927 : vector<16xf32>
        %iota3A_1929 = tpu.iota {dimensions = array<i32: 0>} : vector<16xi32>
        %add3A_1930 = arith.constant 4 : i32
        %add3A_1931 = vector.broadcast %add3A_1930 : i32 to vector<16xi32>
        %add3A_1932 = arith.addi %iota3A_1929, %add3A_1931 : vector<16xi32>
        %and3A_1933 = arith.constant 15 : i32
        %and3A_1934 = vector.broadcast %and3A_1933 : i32 to vector<16xi32>
        %and3A_1935 = arith.andi %add3A_1932, %and3A_1934 : vector<16xi32>
        %broadcast_in_dim3A_1936 = vector.shape_cast %and3A_1935 : vector<16xi32> to vector<16x1xi32>
        %gather3A_1937 = vector.shape_cast %broadcast_in_dim3A_1936 : vector<16x1xi32> to vector<16xi32>
        %gather3A_1938 = tpu.dynamic_gather %add3A_1928[%gather3A_1937] in [0] : vector<16xf32>, vector<16xi32> -> vector<16xf32>
        %add3A_1939 = arith.addf %add3A_1928, %gather3A_1938 : vector<16xf32>
        %iota3A_1940 = tpu.iota {dimensions = array<i32: 0>} : vector<16xi32>
        %add3A_1941 = arith.constant 2 : i32
        %add3A_1942 = vector.broadcast %add3A_1941 : i32 to vector<16xi32>
        %add3A_1943 = arith.addi %iota3A_1940, %add3A_1942 : vector<16xi32>
        %and3A_1944 = arith.constant 15 : i32
        %and3A_1945 = vector.broadcast %and3A_1944 : i32 to vector<16xi32>
        %and3A_1946 = arith.andi %add3A_1943, %and3A_1945 : vector<16xi32>
        %broadcast_in_dim3A_1947 = vector.shape_cast %and3A_1946 : vector<16xi32> to vector<16x1xi32>
        %gather3A_1948 = vector.shape_cast %broadcast_in_dim3A_1947 : vector<16x1xi32> to vector<16xi32>
        %gather3A_1949 = tpu.dynamic_gather %add3A_1939[%gather3A_1948] in [0] : vector<16xf32>, vector<16xi32> -> vector<16xf32>
        %add3A_1950 = arith.addf %add3A_1939, %gather3A_1949 : vector<16xf32>
        %iota3A_1951 = tpu.iota {dimensions = array<i32: 0>} : vector<16xi32>
        %add3A_1952 = arith.constant 1 : i32
        %add3A_1953 = vector.broadcast %add3A_1952 : i32 to vector<16xi32>
        %add3A_1954 = arith.addi %iota3A_1951, %add3A_1953 : vector<16xi32>
        %and3A_1955 = arith.constant 15 : i32
        %and3A_1956 = vector.broadcast %and3A_1955 : i32 to vector<16xi32>
        %and3A_1957 = arith.andi %add3A_1954, %and3A_1956 : vector<16xi32>
        %broadcast_in_dim3A_1958 = vector.shape_cast %and3A_1957 : vector<16xi32> to vector<16x1xi32>
        %gather3A_1959 = vector.shape_cast %broadcast_in_dim3A_1958 : vector<16x1xi32> to vector<16xi32>
        %gather3A_1960 = tpu.dynamic_gather %add3A_1950[%gather3A_1959] in [0] : vector<16xf32>, vector<16xi32> -> vector<16xf32>
        %add3A_1961 = arith.addf %add3A_1950, %gather3A_1960 : vector<16xf32>
        %eq3A_1962 = arith.constant 2 : i32
        %eq3A_1963 = vector.broadcast %eq3A_1962 : i32 to vector<16xi32>
        %eq3A_1964 = arith.cmpi eq, %iota3A, %eq3A_1963 : vector<16xi32>
        %select_n3A_1965 = arith.select %eq3A_1964, %add3A_1961, %select_n3A_1866 : vector<16xi1>, vector<16xf32>
        %mul3A_1966 = arith.constant 25 : i32
        %mul3A_1967 = arith.muli %scan3A_51, %mul3A_1966 : i32
        %add3A_1968 = arith.constant 19 : i32
        %add3A_1969 = arith.addi %mul3A_1967, %add3A_1968 : i32
        %get3A_1970 = arith.index_cast %add3A_1969 : i32 to index
        %get3A_1971 = arith.constant 0 : index
        %get3A_1972 = tpu.vector_load %arg10[%get3A_1970, %get3A_1971] {strides = array<i32>} : memref<200x128xf32, #tpu.memory_space<vmem>>, vector<1x16xf32>,
        %get3A_1973 = vector.shape_cast %get3A_1972 : vector<1x16xf32> to vector<16xf32>
        %mul3A_1974 = arith.mulf %get3A_57, %get3A_1973 : vector<16xf32>
        %get3A_1975 = arith.index_cast %add3A_1969 : i32 to index
        %get3A_1976 = arith.constant 16 : index
        %get3A_1977 = tpu.vector_load %arg10[%get3A_1975, %get3A_1976] {strides = array<i32>} : memref<200x128xf32, #tpu.memory_space<vmem>>, vector<1x16xf32>,
        %get3A_1978 = vector.shape_cast %get3A_1977 : vector<1x16xf32> to vector<16xf32>
        %mul3A_1979 = arith.mulf %get3A_61, %get3A_1978 : vector<16xf32>
        %add3A_1980 = arith.addf %mul3A_1974, %mul3A_1979 : vector<16xf32>
        %get3A_1981 = arith.index_cast %add3A_1969 : i32 to index
        %get3A_1982 = arith.constant 32 : index
        %get3A_1983 = tpu.vector_load %arg10[%get3A_1981, %get3A_1982] {strides = array<i32>} : memref<200x128xf32, #tpu.memory_space<vmem>>, vector<1x16xf32>,
        %get3A_1984 = vector.shape_cast %get3A_1983 : vector<1x16xf32> to vector<16xf32>
        %mul3A_1985 = arith.mulf %get3A_65, %get3A_1984 : vector<16xf32>
        %add3A_1986 = arith.addf %add3A_1980, %mul3A_1985 : vector<16xf32>
        %get3A_1987 = arith.index_cast %add3A_1969 : i32 to index
        %get3A_1988 = arith.constant 48 : index
        %get3A_1989 = tpu.vector_load %arg10[%get3A_1987, %get3A_1988] {strides = array<i32>} : memref<200x128xf32, #tpu.memory_space<vmem>>, vector<1x16xf32>,
        %get3A_1990 = vector.shape_cast %get3A_1989 : vector<1x16xf32> to vector<16xf32>
        %mul3A_1991 = arith.mulf %get3A_69, %get3A_1990 : vector<16xf32>
        %add3A_1992 = arith.addf %add3A_1986, %mul3A_1991 : vector<16xf32>
        %get3A_1993 = arith.index_cast %add3A_1969 : i32 to index
        %get3A_1994 = arith.constant 64 : index
        %get3A_1995 = tpu.vector_load %arg10[%get3A_1993, %get3A_1994] {strides = array<i32>} : memref<200x128xf32, #tpu.memory_space<vmem>>, vector<1x16xf32>,
        %get3A_1996 = vector.shape_cast %get3A_1995 : vector<1x16xf32> to vector<16xf32>
        %mul3A_1997 = arith.mulf %get3A_73, %get3A_1996 : vector<16xf32>
        %add3A_1998 = arith.addf %add3A_1992, %mul3A_1997 : vector<16xf32>
        %get3A_1999 = arith.index_cast %add3A_1969 : i32 to index
        %get3A_2000 = arith.constant 80 : index
        %get3A_2001 = tpu.vector_load %arg10[%get3A_1999, %get3A_2000] {strides = array<i32>} : memref<200x128xf32, #tpu.memory_space<vmem>>, vector<1x16xf32>,
        %get3A_2002 = vector.shape_cast %get3A_2001 : vector<1x16xf32> to vector<16xf32>
        %mul3A_2003 = arith.mulf %get3A_77, %get3A_2002 : vector<16xf32>
        %add3A_2004 = arith.addf %add3A_1998, %mul3A_2003 : vector<16xf32>
        %get3A_2005 = arith.index_cast %add3A_1969 : i32 to index
        %get3A_2006 = arith.constant 96 : index
        %get3A_2007 = tpu.vector_load %arg10[%get3A_2005, %get3A_2006] {strides = array<i32>} : memref<200x128xf32, #tpu.memory_space<vmem>>, vector<1x16xf32>,
        %get3A_2008 = vector.shape_cast %get3A_2007 : vector<1x16xf32> to vector<16xf32>
        %mul3A_2009 = arith.mulf %get3A_81, %get3A_2008 : vector<16xf32>
        %add3A_2010 = arith.addf %add3A_2004, %mul3A_2009 : vector<16xf32>
        %get3A_2011 = arith.index_cast %add3A_1969 : i32 to index
        %get3A_2012 = arith.constant 112 : index
        %get3A_2013 = tpu.vector_load %arg10[%get3A_2011, %get3A_2012] {strides = array<i32>} : memref<200x128xf32, #tpu.memory_space<vmem>>, vector<1x16xf32>,
        %get3A_2014 = vector.shape_cast %get3A_2013 : vector<1x16xf32> to vector<16xf32>
        %mul3A_2015 = arith.mulf %get3A_85, %get3A_2014 : vector<16xf32>
        %add3A_2016 = arith.addf %add3A_2010, %mul3A_2015 : vector<16xf32>
        %iota3A_2017 = tpu.iota {dimensions = array<i32: 0>} : vector<16xi32>
        %add3A_2018 = arith.constant 8 : i32
        %add3A_2019 = vector.broadcast %add3A_2018 : i32 to vector<16xi32>
        %add3A_2020 = arith.addi %iota3A_2017, %add3A_2019 : vector<16xi32>
        %and3A_2021 = arith.constant 15 : i32
        %and3A_2022 = vector.broadcast %and3A_2021 : i32 to vector<16xi32>
        %and3A_2023 = arith.andi %add3A_2020, %and3A_2022 : vector<16xi32>
        %broadcast_in_dim3A_2024 = vector.shape_cast %and3A_2023 : vector<16xi32> to vector<16x1xi32>
        %gather3A_2025 = vector.shape_cast %broadcast_in_dim3A_2024 : vector<16x1xi32> to vector<16xi32>
        %gather3A_2026 = tpu.dynamic_gather %add3A_2016[%gather3A_2025] in [0] : vector<16xf32>, vector<16xi32> -> vector<16xf32>
        %add3A_2027 = arith.addf %add3A_2016, %gather3A_2026 : vector<16xf32>
        %iota3A_2028 = tpu.iota {dimensions = array<i32: 0>} : vector<16xi32>
        %add3A_2029 = arith.constant 4 : i32
        %add3A_2030 = vector.broadcast %add3A_2029 : i32 to vector<16xi32>
        %add3A_2031 = arith.addi %iota3A_2028, %add3A_2030 : vector<16xi32>
        %and3A_2032 = arith.constant 15 : i32
        %and3A_2033 = vector.broadcast %and3A_2032 : i32 to vector<16xi32>
        %and3A_2034 = arith.andi %add3A_2031, %and3A_2033 : vector<16xi32>
        %broadcast_in_dim3A_2035 = vector.shape_cast %and3A_2034 : vector<16xi32> to vector<16x1xi32>
        %gather3A_2036 = vector.shape_cast %broadcast_in_dim3A_2035 : vector<16x1xi32> to vector<16xi32>
        %gather3A_2037 = tpu.dynamic_gather %add3A_2027[%gather3A_2036] in [0] : vector<16xf32>, vector<16xi32> -> vector<16xf32>
        %add3A_2038 = arith.addf %add3A_2027, %gather3A_2037 : vector<16xf32>
        %iota3A_2039 = tpu.iota {dimensions = array<i32: 0>} : vector<16xi32>
        %add3A_2040 = arith.constant 2 : i32
        %add3A_2041 = vector.broadcast %add3A_2040 : i32 to vector<16xi32>
        %add3A_2042 = arith.addi %iota3A_2039, %add3A_2041 : vector<16xi32>
        %and3A_2043 = arith.constant 15 : i32
        %and3A_2044 = vector.broadcast %and3A_2043 : i32 to vector<16xi32>
        %and3A_2045 = arith.andi %add3A_2042, %and3A_2044 : vector<16xi32>
        %broadcast_in_dim3A_2046 = vector.shape_cast %and3A_2045 : vector<16xi32> to vector<16x1xi32>
        %gather3A_2047 = vector.shape_cast %broadcast_in_dim3A_2046 : vector<16x1xi32> to vector<16xi32>
        %gather3A_2048 = tpu.dynamic_gather %add3A_2038[%gather3A_2047] in [0] : vector<16xf32>, vector<16xi32> -> vector<16xf32>
        %add3A_2049 = arith.addf %add3A_2038, %gather3A_2048 : vector<16xf32>
        %iota3A_2050 = tpu.iota {dimensions = array<i32: 0>} : vector<16xi32>
        %add3A_2051 = arith.constant 1 : i32
        %add3A_2052 = vector.broadcast %add3A_2051 : i32 to vector<16xi32>
        %add3A_2053 = arith.addi %iota3A_2050, %add3A_2052 : vector<16xi32>
        %and3A_2054 = arith.constant 15 : i32
        %and3A_2055 = vector.broadcast %and3A_2054 : i32 to vector<16xi32>
        %and3A_2056 = arith.andi %add3A_2053, %and3A_2055 : vector<16xi32>
        %broadcast_in_dim3A_2057 = vector.shape_cast %and3A_2056 : vector<16xi32> to vector<16x1xi32>
        %gather3A_2058 = vector.shape_cast %broadcast_in_dim3A_2057 : vector<16x1xi32> to vector<16xi32>
        %gather3A_2059 = tpu.dynamic_gather %add3A_2049[%gather3A_2058] in [0] : vector<16xf32>, vector<16xi32> -> vector<16xf32>
        %add3A_2060 = arith.addf %add3A_2049, %gather3A_2059 : vector<16xf32>
        %eq3A_2061 = arith.constant 3 : i32
        %eq3A_2062 = vector.broadcast %eq3A_2061 : i32 to vector<16xi32>
        %eq3A_2063 = arith.cmpi eq, %iota3A, %eq3A_2062 : vector<16xi32>
        %select_n3A_2064 = arith.select %eq3A_2063, %add3A_2060, %select_n3A_1965 : vector<16xi1>, vector<16xf32>
        %mul3A_2065 = arith.constant 25 : i32
        %mul3A_2066 = arith.muli %scan3A_51, %mul3A_2065 : i32
        %add3A_2067 = arith.constant 20 : i32
        %add3A_2068 = arith.addi %mul3A_2066, %add3A_2067 : i32
        %get3A_2069 = arith.index_cast %add3A_2068 : i32 to index
        %get3A_2070 = arith.constant 0 : index
        %get3A_2071 = tpu.vector_load %arg10[%get3A_2069, %get3A_2070] {strides = array<i32>} : memref<200x128xf32, #tpu.memory_space<vmem>>, vector<1x16xf32>,
        %get3A_2072 = vector.shape_cast %get3A_2071 : vector<1x16xf32> to vector<16xf32>
        %mul3A_2073 = arith.mulf %get3A_57, %get3A_2072 : vector<16xf32>
        %get3A_2074 = arith.index_cast %add3A_2068 : i32 to index
        %get3A_2075 = arith.constant 16 : index
        %get3A_2076 = tpu.vector_load %arg10[%get3A_2074, %get3A_2075] {strides = array<i32>} : memref<200x128xf32, #tpu.memory_space<vmem>>, vector<1x16xf32>,
        %get3A_2077 = vector.shape_cast %get3A_2076 : vector<1x16xf32> to vector<16xf32>
        %mul3A_2078 = arith.mulf %get3A_61, %get3A_2077 : vector<16xf32>
        %add3A_2079 = arith.addf %mul3A_2073, %mul3A_2078 : vector<16xf32>
        %get3A_2080 = arith.index_cast %add3A_2068 : i32 to index
        %get3A_2081 = arith.constant 32 : index
        %get3A_2082 = tpu.vector_load %arg10[%get3A_2080, %get3A_2081] {strides = array<i32>} : memref<200x128xf32, #tpu.memory_space<vmem>>, vector<1x16xf32>,
        %get3A_2083 = vector.shape_cast %get3A_2082 : vector<1x16xf32> to vector<16xf32>
        %mul3A_2084 = arith.mulf %get3A_65, %get3A_2083 : vector<16xf32>
        %add3A_2085 = arith.addf %add3A_2079, %mul3A_2084 : vector<16xf32>
        %get3A_2086 = arith.index_cast %add3A_2068 : i32 to index
        %get3A_2087 = arith.constant 48 : index
        %get3A_2088 = tpu.vector_load %arg10[%get3A_2086, %get3A_2087] {strides = array<i32>} : memref<200x128xf32, #tpu.memory_space<vmem>>, vector<1x16xf32>,
        %get3A_2089 = vector.shape_cast %get3A_2088 : vector<1x16xf32> to vector<16xf32>
        %mul3A_2090 = arith.mulf %get3A_69, %get3A_2089 : vector<16xf32>
        %add3A_2091 = arith.addf %add3A_2085, %mul3A_2090 : vector<16xf32>
        %get3A_2092 = arith.index_cast %add3A_2068 : i32 to index
        %get3A_2093 = arith.constant 64 : index
        %get3A_2094 = tpu.vector_load %arg10[%get3A_2092, %get3A_2093] {strides = array<i32>} : memref<200x128xf32, #tpu.memory_space<vmem>>, vector<1x16xf32>,
        %get3A_2095 = vector.shape_cast %get3A_2094 : vector<1x16xf32> to vector<16xf32>
        %mul3A_2096 = arith.mulf %get3A_73, %get3A_2095 : vector<16xf32>
        %add3A_2097 = arith.addf %add3A_2091, %mul3A_2096 : vector<16xf32>
        %get3A_2098 = arith.index_cast %add3A_2068 : i32 to index
        %get3A_2099 = arith.constant 80 : index
        %get3A_2100 = tpu.vector_load %arg10[%get3A_2098, %get3A_2099] {strides = array<i32>} : memref<200x128xf32, #tpu.memory_space<vmem>>, vector<1x16xf32>,
        %get3A_2101 = vector.shape_cast %get3A_2100 : vector<1x16xf32> to vector<16xf32>
        %mul3A_2102 = arith.mulf %get3A_77, %get3A_2101 : vector<16xf32>
        %add3A_2103 = arith.addf %add3A_2097, %mul3A_2102 : vector<16xf32>
        %get3A_2104 = arith.index_cast %add3A_2068 : i32 to index
        %get3A_2105 = arith.constant 96 : index
        %get3A_2106 = tpu.vector_load %arg10[%get3A_2104, %get3A_2105] {strides = array<i32>} : memref<200x128xf32, #tpu.memory_space<vmem>>, vector<1x16xf32>,
        %get3A_2107 = vector.shape_cast %get3A_2106 : vector<1x16xf32> to vector<16xf32>
        %mul3A_2108 = arith.mulf %get3A_81, %get3A_2107 : vector<16xf32>
        %add3A_2109 = arith.addf %add3A_2103, %mul3A_2108 : vector<16xf32>
        %get3A_2110 = arith.index_cast %add3A_2068 : i32 to index
        %get3A_2111 = arith.constant 112 : index
        %get3A_2112 = tpu.vector_load %arg10[%get3A_2110, %get3A_2111] {strides = array<i32>} : memref<200x128xf32, #tpu.memory_space<vmem>>, vector<1x16xf32>,
        %get3A_2113 = vector.shape_cast %get3A_2112 : vector<1x16xf32> to vector<16xf32>
        %mul3A_2114 = arith.mulf %get3A_85, %get3A_2113 : vector<16xf32>
        %add3A_2115 = arith.addf %add3A_2109, %mul3A_2114 : vector<16xf32>
        %iota3A_2116 = tpu.iota {dimensions = array<i32: 0>} : vector<16xi32>
        %add3A_2117 = arith.constant 8 : i32
        %add3A_2118 = vector.broadcast %add3A_2117 : i32 to vector<16xi32>
        %add3A_2119 = arith.addi %iota3A_2116, %add3A_2118 : vector<16xi32>
        %and3A_2120 = arith.constant 15 : i32
        %and3A_2121 = vector.broadcast %and3A_2120 : i32 to vector<16xi32>
        %and3A_2122 = arith.andi %add3A_2119, %and3A_2121 : vector<16xi32>
        %broadcast_in_dim3A_2123 = vector.shape_cast %and3A_2122 : vector<16xi32> to vector<16x1xi32>
        %gather3A_2124 = vector.shape_cast %broadcast_in_dim3A_2123 : vector<16x1xi32> to vector<16xi32>
        %gather3A_2125 = tpu.dynamic_gather %add3A_2115[%gather3A_2124] in [0] : vector<16xf32>, vector<16xi32> -> vector<16xf32>
        %add3A_2126 = arith.addf %add3A_2115, %gather3A_2125 : vector<16xf32>
        %iota3A_2127 = tpu.iota {dimensions = array<i32: 0>} : vector<16xi32>
        %add3A_2128 = arith.constant 4 : i32
        %add3A_2129 = vector.broadcast %add3A_2128 : i32 to vector<16xi32>
        %add3A_2130 = arith.addi %iota3A_2127, %add3A_2129 : vector<16xi32>
        %and3A_2131 = arith.constant 15 : i32
        %and3A_2132 = vector.broadcast %and3A_2131 : i32 to vector<16xi32>
        %and3A_2133 = arith.andi %add3A_2130, %and3A_2132 : vector<16xi32>
        %broadcast_in_dim3A_2134 = vector.shape_cast %and3A_2133 : vector<16xi32> to vector<16x1xi32>
        %gather3A_2135 = vector.shape_cast %broadcast_in_dim3A_2134 : vector<16x1xi32> to vector<16xi32>
        %gather3A_2136 = tpu.dynamic_gather %add3A_2126[%gather3A_2135] in [0] : vector<16xf32>, vector<16xi32> -> vector<16xf32>
        %add3A_2137 = arith.addf %add3A_2126, %gather3A_2136 : vector<16xf32>
        %iota3A_2138 = tpu.iota {dimensions = array<i32: 0>} : vector<16xi32>
        %add3A_2139 = arith.constant 2 : i32
        %add3A_2140 = vector.broadcast %add3A_2139 : i32 to vector<16xi32>
        %add3A_2141 = arith.addi %iota3A_2138, %add3A_2140 : vector<16xi32>
        %and3A_2142 = arith.constant 15 : i32
        %and3A_2143 = vector.broadcast %and3A_2142 : i32 to vector<16xi32>
        %and3A_2144 = arith.andi %add3A_2141, %and3A_2143 : vector<16xi32>
        %broadcast_in_dim3A_2145 = vector.shape_cast %and3A_2144 : vector<16xi32> to vector<16x1xi32>
        %gather3A_2146 = vector.shape_cast %broadcast_in_dim3A_2145 : vector<16x1xi32> to vector<16xi32>
        %gather3A_2147 = tpu.dynamic_gather %add3A_2137[%gather3A_2146] in [0] : vector<16xf32>, vector<16xi32> -> vector<16xf32>
        %add3A_2148 = arith.addf %add3A_2137, %gather3A_2147 : vector<16xf32>
        %iota3A_2149 = tpu.iota {dimensions = array<i32: 0>} : vector<16xi32>
        %add3A_2150 = arith.constant 1 : i32
        %add3A_2151 = vector.broadcast %add3A_2150 : i32 to vector<16xi32>
        %add3A_2152 = arith.addi %iota3A_2149, %add3A_2151 : vector<16xi32>
        %and3A_2153 = arith.constant 15 : i32
        %and3A_2154 = vector.broadcast %and3A_2153 : i32 to vector<16xi32>
        %and3A_2155 = arith.andi %add3A_2152, %and3A_2154 : vector<16xi32>
        %broadcast_in_dim3A_2156 = vector.shape_cast %and3A_2155 : vector<16xi32> to vector<16x1xi32>
        %gather3A_2157 = vector.shape_cast %broadcast_in_dim3A_2156 : vector<16x1xi32> to vector<16xi32>
        %gather3A_2158 = tpu.dynamic_gather %add3A_2148[%gather3A_2157] in [0] : vector<16xf32>, vector<16xi32> -> vector<16xf32>
        %add3A_2159 = arith.addf %add3A_2148, %gather3A_2158 : vector<16xf32>
        %eq3A_2160 = arith.constant 4 : i32
        %eq3A_2161 = vector.broadcast %eq3A_2160 : i32 to vector<16xi32>
        %eq3A_2162 = arith.cmpi eq, %iota3A, %eq3A_2161 : vector<16xi32>
        %select_n3A_2163 = arith.select %eq3A_2162, %add3A_2159, %select_n3A_2064 : vector<16xi1>, vector<16xf32>
        %mul3A_2164 = arith.constant 25 : i32
        %mul3A_2165 = arith.muli %scan3A_51, %mul3A_2164 : i32
        %add3A_2166 = arith.constant 21 : i32
        %add3A_2167 = arith.addi %mul3A_2165, %add3A_2166 : i32
        %get3A_2168 = arith.index_cast %add3A_2167 : i32 to index
        %get3A_2169 = arith.constant 0 : index
        %get3A_2170 = tpu.vector_load %arg10[%get3A_2168, %get3A_2169] {strides = array<i32>} : memref<200x128xf32, #tpu.memory_space<vmem>>, vector<1x16xf32>,
        %get3A_2171 = vector.shape_cast %get3A_2170 : vector<1x16xf32> to vector<16xf32>
        %mul3A_2172 = arith.mulf %get3A_57, %get3A_2171 : vector<16xf32>
        %get3A_2173 = arith.index_cast %add3A_2167 : i32 to index
        %get3A_2174 = arith.constant 16 : index
        %get3A_2175 = tpu.vector_load %arg10[%get3A_2173, %get3A_2174] {strides = array<i32>} : memref<200x128xf32, #tpu.memory_space<vmem>>, vector<1x16xf32>,
        %get3A_2176 = vector.shape_cast %get3A_2175 : vector<1x16xf32> to vector<16xf32>
        %mul3A_2177 = arith.mulf %get3A_61, %get3A_2176 : vector<16xf32>
        %add3A_2178 = arith.addf %mul3A_2172, %mul3A_2177 : vector<16xf32>
        %get3A_2179 = arith.index_cast %add3A_2167 : i32 to index
        %get3A_2180 = arith.constant 32 : index
        %get3A_2181 = tpu.vector_load %arg10[%get3A_2179, %get3A_2180] {strides = array<i32>} : memref<200x128xf32, #tpu.memory_space<vmem>>, vector<1x16xf32>,
        %get3A_2182 = vector.shape_cast %get3A_2181 : vector<1x16xf32> to vector<16xf32>
        %mul3A_2183 = arith.mulf %get3A_65, %get3A_2182 : vector<16xf32>
        %add3A_2184 = arith.addf %add3A_2178, %mul3A_2183 : vector<16xf32>
        %get3A_2185 = arith.index_cast %add3A_2167 : i32 to index
        %get3A_2186 = arith.constant 48 : index
        %get3A_2187 = tpu.vector_load %arg10[%get3A_2185, %get3A_2186] {strides = array<i32>} : memref<200x128xf32, #tpu.memory_space<vmem>>, vector<1x16xf32>,
        %get3A_2188 = vector.shape_cast %get3A_2187 : vector<1x16xf32> to vector<16xf32>
        %mul3A_2189 = arith.mulf %get3A_69, %get3A_2188 : vector<16xf32>
        %add3A_2190 = arith.addf %add3A_2184, %mul3A_2189 : vector<16xf32>
        %get3A_2191 = arith.index_cast %add3A_2167 : i32 to index
        %get3A_2192 = arith.constant 64 : index
        %get3A_2193 = tpu.vector_load %arg10[%get3A_2191, %get3A_2192] {strides = array<i32>} : memref<200x128xf32, #tpu.memory_space<vmem>>, vector<1x16xf32>,
        %get3A_2194 = vector.shape_cast %get3A_2193 : vector<1x16xf32> to vector<16xf32>
        %mul3A_2195 = arith.mulf %get3A_73, %get3A_2194 : vector<16xf32>
        %add3A_2196 = arith.addf %add3A_2190, %mul3A_2195 : vector<16xf32>
        %get3A_2197 = arith.index_cast %add3A_2167 : i32 to index
        %get3A_2198 = arith.constant 80 : index
        %get3A_2199 = tpu.vector_load %arg10[%get3A_2197, %get3A_2198] {strides = array<i32>} : memref<200x128xf32, #tpu.memory_space<vmem>>, vector<1x16xf32>,
        %get3A_2200 = vector.shape_cast %get3A_2199 : vector<1x16xf32> to vector<16xf32>
        %mul3A_2201 = arith.mulf %get3A_77, %get3A_2200 : vector<16xf32>
        %add3A_2202 = arith.addf %add3A_2196, %mul3A_2201 : vector<16xf32>
        %get3A_2203 = arith.index_cast %add3A_2167 : i32 to index
        %get3A_2204 = arith.constant 96 : index
        %get3A_2205 = tpu.vector_load %arg10[%get3A_2203, %get3A_2204] {strides = array<i32>} : memref<200x128xf32, #tpu.memory_space<vmem>>, vector<1x16xf32>,
        %get3A_2206 = vector.shape_cast %get3A_2205 : vector<1x16xf32> to vector<16xf32>
        %mul3A_2207 = arith.mulf %get3A_81, %get3A_2206 : vector<16xf32>
        %add3A_2208 = arith.addf %add3A_2202, %mul3A_2207 : vector<16xf32>
        %get3A_2209 = arith.index_cast %add3A_2167 : i32 to index
        %get3A_2210 = arith.constant 112 : index
        %get3A_2211 = tpu.vector_load %arg10[%get3A_2209, %get3A_2210] {strides = array<i32>} : memref<200x128xf32, #tpu.memory_space<vmem>>, vector<1x16xf32>,
        %get3A_2212 = vector.shape_cast %get3A_2211 : vector<1x16xf32> to vector<16xf32>
        %mul3A_2213 = arith.mulf %get3A_85, %get3A_2212 : vector<16xf32>
        %add3A_2214 = arith.addf %add3A_2208, %mul3A_2213 : vector<16xf32>
        %iota3A_2215 = tpu.iota {dimensions = array<i32: 0>} : vector<16xi32>
        %add3A_2216 = arith.constant 8 : i32
        %add3A_2217 = vector.broadcast %add3A_2216 : i32 to vector<16xi32>
        %add3A_2218 = arith.addi %iota3A_2215, %add3A_2217 : vector<16xi32>
        %and3A_2219 = arith.constant 15 : i32
        %and3A_2220 = vector.broadcast %and3A_2219 : i32 to vector<16xi32>
        %and3A_2221 = arith.andi %add3A_2218, %and3A_2220 : vector<16xi32>
        %broadcast_in_dim3A_2222 = vector.shape_cast %and3A_2221 : vector<16xi32> to vector<16x1xi32>
        %gather3A_2223 = vector.shape_cast %broadcast_in_dim3A_2222 : vector<16x1xi32> to vector<16xi32>
        %gather3A_2224 = tpu.dynamic_gather %add3A_2214[%gather3A_2223] in [0] : vector<16xf32>, vector<16xi32> -> vector<16xf32>
        %add3A_2225 = arith.addf %add3A_2214, %gather3A_2224 : vector<16xf32>
        %iota3A_2226 = tpu.iota {dimensions = array<i32: 0>} : vector<16xi32>
        %add3A_2227 = arith.constant 4 : i32
        %add3A_2228 = vector.broadcast %add3A_2227 : i32 to vector<16xi32>
        %add3A_2229 = arith.addi %iota3A_2226, %add3A_2228 : vector<16xi32>
        %and3A_2230 = arith.constant 15 : i32
        %and3A_2231 = vector.broadcast %and3A_2230 : i32 to vector<16xi32>
        %and3A_2232 = arith.andi %add3A_2229, %and3A_2231 : vector<16xi32>
        %broadcast_in_dim3A_2233 = vector.shape_cast %and3A_2232 : vector<16xi32> to vector<16x1xi32>
        %gather3A_2234 = vector.shape_cast %broadcast_in_dim3A_2233 : vector<16x1xi32> to vector<16xi32>
        %gather3A_2235 = tpu.dynamic_gather %add3A_2225[%gather3A_2234] in [0] : vector<16xf32>, vector<16xi32> -> vector<16xf32>
        %add3A_2236 = arith.addf %add3A_2225, %gather3A_2235 : vector<16xf32>
        %iota3A_2237 = tpu.iota {dimensions = array<i32: 0>} : vector<16xi32>
        %add3A_2238 = arith.constant 2 : i32
        %add3A_2239 = vector.broadcast %add3A_2238 : i32 to vector<16xi32>
        %add3A_2240 = arith.addi %iota3A_2237, %add3A_2239 : vector<16xi32>
        %and3A_2241 = arith.constant 15 : i32
        %and3A_2242 = vector.broadcast %and3A_2241 : i32 to vector<16xi32>
        %and3A_2243 = arith.andi %add3A_2240, %and3A_2242 : vector<16xi32>
        %broadcast_in_dim3A_2244 = vector.shape_cast %and3A_2243 : vector<16xi32> to vector<16x1xi32>
        %gather3A_2245 = vector.shape_cast %broadcast_in_dim3A_2244 : vector<16x1xi32> to vector<16xi32>
        %gather3A_2246 = tpu.dynamic_gather %add3A_2236[%gather3A_2245] in [0] : vector<16xf32>, vector<16xi32> -> vector<16xf32>
        %add3A_2247 = arith.addf %add3A_2236, %gather3A_2246 : vector<16xf32>
        %iota3A_2248 = tpu.iota {dimensions = array<i32: 0>} : vector<16xi32>
        %add3A_2249 = arith.constant 1 : i32
        %add3A_2250 = vector.broadcast %add3A_2249 : i32 to vector<16xi32>
        %add3A_2251 = arith.addi %iota3A_2248, %add3A_2250 : vector<16xi32>
        %and3A_2252 = arith.constant 15 : i32
        %and3A_2253 = vector.broadcast %and3A_2252 : i32 to vector<16xi32>
        %and3A_2254 = arith.andi %add3A_2251, %and3A_2253 : vector<16xi32>
        %broadcast_in_dim3A_2255 = vector.shape_cast %and3A_2254 : vector<16xi32> to vector<16x1xi32>
        %gather3A_2256 = vector.shape_cast %broadcast_in_dim3A_2255 : vector<16x1xi32> to vector<16xi32>
        %gather3A_2257 = tpu.dynamic_gather %add3A_2247[%gather3A_2256] in [0] : vector<16xf32>, vector<16xi32> -> vector<16xf32>
        %add3A_2258 = arith.addf %add3A_2247, %gather3A_2257 : vector<16xf32>
        %eq3A_2259 = arith.constant 5 : i32
        %eq3A_2260 = vector.broadcast %eq3A_2259 : i32 to vector<16xi32>
        %eq3A_2261 = arith.cmpi eq, %iota3A, %eq3A_2260 : vector<16xi32>
        %select_n3A_2262 = arith.select %eq3A_2261, %add3A_2258, %select_n3A_2163 : vector<16xi1>, vector<16xf32>
        %mul3A_2263 = arith.constant 25 : i32
        %mul3A_2264 = arith.muli %scan3A_51, %mul3A_2263 : i32
        %add3A_2265 = arith.constant 22 : i32
        %add3A_2266 = arith.addi %mul3A_2264, %add3A_2265 : i32
        %get3A_2267 = arith.index_cast %add3A_2266 : i32 to index
        %get3A_2268 = arith.constant 0 : index
        %get3A_2269 = tpu.vector_load %arg10[%get3A_2267, %get3A_2268] {strides = array<i32>} : memref<200x128xf32, #tpu.memory_space<vmem>>, vector<1x16xf32>,
        %get3A_2270 = vector.shape_cast %get3A_2269 : vector<1x16xf32> to vector<16xf32>
        %mul3A_2271 = arith.mulf %get3A_57, %get3A_2270 : vector<16xf32>
        %get3A_2272 = arith.index_cast %add3A_2266 : i32 to index
        %get3A_2273 = arith.constant 16 : index
        %get3A_2274 = tpu.vector_load %arg10[%get3A_2272, %get3A_2273] {strides = array<i32>} : memref<200x128xf32, #tpu.memory_space<vmem>>, vector<1x16xf32>,
        %get3A_2275 = vector.shape_cast %get3A_2274 : vector<1x16xf32> to vector<16xf32>
        %mul3A_2276 = arith.mulf %get3A_61, %get3A_2275 : vector<16xf32>
        %add3A_2277 = arith.addf %mul3A_2271, %mul3A_2276 : vector<16xf32>
        %get3A_2278 = arith.index_cast %add3A_2266 : i32 to index
        %get3A_2279 = arith.constant 32 : index
        %get3A_2280 = tpu.vector_load %arg10[%get3A_2278, %get3A_2279] {strides = array<i32>} : memref<200x128xf32, #tpu.memory_space<vmem>>, vector<1x16xf32>,
        %get3A_2281 = vector.shape_cast %get3A_2280 : vector<1x16xf32> to vector<16xf32>
        %mul3A_2282 = arith.mulf %get3A_65, %get3A_2281 : vector<16xf32>
        %add3A_2283 = arith.addf %add3A_2277, %mul3A_2282 : vector<16xf32>
        %get3A_2284 = arith.index_cast %add3A_2266 : i32 to index
        %get3A_2285 = arith.constant 48 : index
        %get3A_2286 = tpu.vector_load %arg10[%get3A_2284, %get3A_2285] {strides = array<i32>} : memref<200x128xf32, #tpu.memory_space<vmem>>, vector<1x16xf32>,
        %get3A_2287 = vector.shape_cast %get3A_2286 : vector<1x16xf32> to vector<16xf32>
        %mul3A_2288 = arith.mulf %get3A_69, %get3A_2287 : vector<16xf32>
        %add3A_2289 = arith.addf %add3A_2283, %mul3A_2288 : vector<16xf32>
        %get3A_2290 = arith.index_cast %add3A_2266 : i32 to index
        %get3A_2291 = arith.constant 64 : index
        %get3A_2292 = tpu.vector_load %arg10[%get3A_2290, %get3A_2291] {strides = array<i32>} : memref<200x128xf32, #tpu.memory_space<vmem>>, vector<1x16xf32>,
        %get3A_2293 = vector.shape_cast %get3A_2292 : vector<1x16xf32> to vector<16xf32>
        %mul3A_2294 = arith.mulf %get3A_73, %get3A_2293 : vector<16xf32>
        %add3A_2295 = arith.addf %add3A_2289, %mul3A_2294 : vector<16xf32>
        %get3A_2296 = arith.index_cast %add3A_2266 : i32 to index
        %get3A_2297 = arith.constant 80 : index
        %get3A_2298 = tpu.vector_load %arg10[%get3A_2296, %get3A_2297] {strides = array<i32>} : memref<200x128xf32, #tpu.memory_space<vmem>>, vector<1x16xf32>,
        %get3A_2299 = vector.shape_cast %get3A_2298 : vector<1x16xf32> to vector<16xf32>
        %mul3A_2300 = arith.mulf %get3A_77, %get3A_2299 : vector<16xf32>
        %add3A_2301 = arith.addf %add3A_2295, %mul3A_2300 : vector<16xf32>
        %get3A_2302 = arith.index_cast %add3A_2266 : i32 to index
        %get3A_2303 = arith.constant 96 : index
        %get3A_2304 = tpu.vector_load %arg10[%get3A_2302, %get3A_2303] {strides = array<i32>} : memref<200x128xf32, #tpu.memory_space<vmem>>, vector<1x16xf32>,
        %get3A_2305 = vector.shape_cast %get3A_2304 : vector<1x16xf32> to vector<16xf32>
        %mul3A_2306 = arith.mulf %get3A_81, %get3A_2305 : vector<16xf32>
        %add3A_2307 = arith.addf %add3A_2301, %mul3A_2306 : vector<16xf32>
        %get3A_2308 = arith.index_cast %add3A_2266 : i32 to index
        %get3A_2309 = arith.constant 112 : index
        %get3A_2310 = tpu.vector_load %arg10[%get3A_2308, %get3A_2309] {strides = array<i32>} : memref<200x128xf32, #tpu.memory_space<vmem>>, vector<1x16xf32>,
        %get3A_2311 = vector.shape_cast %get3A_2310 : vector<1x16xf32> to vector<16xf32>
        %mul3A_2312 = arith.mulf %get3A_85, %get3A_2311 : vector<16xf32>
        %add3A_2313 = arith.addf %add3A_2307, %mul3A_2312 : vector<16xf32>
        %iota3A_2314 = tpu.iota {dimensions = array<i32: 0>} : vector<16xi32>
        %add3A_2315 = arith.constant 8 : i32
        %add3A_2316 = vector.broadcast %add3A_2315 : i32 to vector<16xi32>
        %add3A_2317 = arith.addi %iota3A_2314, %add3A_2316 : vector<16xi32>
        %and3A_2318 = arith.constant 15 : i32
        %and3A_2319 = vector.broadcast %and3A_2318 : i32 to vector<16xi32>
        %and3A_2320 = arith.andi %add3A_2317, %and3A_2319 : vector<16xi32>
        %broadcast_in_dim3A_2321 = vector.shape_cast %and3A_2320 : vector<16xi32> to vector<16x1xi32>
        %gather3A_2322 = vector.shape_cast %broadcast_in_dim3A_2321 : vector<16x1xi32> to vector<16xi32>
        %gather3A_2323 = tpu.dynamic_gather %add3A_2313[%gather3A_2322] in [0] : vector<16xf32>, vector<16xi32> -> vector<16xf32>
        %add3A_2324 = arith.addf %add3A_2313, %gather3A_2323 : vector<16xf32>
        %iota3A_2325 = tpu.iota {dimensions = array<i32: 0>} : vector<16xi32>
        %add3A_2326 = arith.constant 4 : i32
        %add3A_2327 = vector.broadcast %add3A_2326 : i32 to vector<16xi32>
        %add3A_2328 = arith.addi %iota3A_2325, %add3A_2327 : vector<16xi32>
        %and3A_2329 = arith.constant 15 : i32
        %and3A_2330 = vector.broadcast %and3A_2329 : i32 to vector<16xi32>
        %and3A_2331 = arith.andi %add3A_2328, %and3A_2330 : vector<16xi32>
        %broadcast_in_dim3A_2332 = vector.shape_cast %and3A_2331 : vector<16xi32> to vector<16x1xi32>
        %gather3A_2333 = vector.shape_cast %broadcast_in_dim3A_2332 : vector<16x1xi32> to vector<16xi32>
        %gather3A_2334 = tpu.dynamic_gather %add3A_2324[%gather3A_2333] in [0] : vector<16xf32>, vector<16xi32> -> vector<16xf32>
        %add3A_2335 = arith.addf %add3A_2324, %gather3A_2334 : vector<16xf32>
        %iota3A_2336 = tpu.iota {dimensions = array<i32: 0>} : vector<16xi32>
        %add3A_2337 = arith.constant 2 : i32
        %add3A_2338 = vector.broadcast %add3A_2337 : i32 to vector<16xi32>
        %add3A_2339 = arith.addi %iota3A_2336, %add3A_2338 : vector<16xi32>
        %and3A_2340 = arith.constant 15 : i32
        %and3A_2341 = vector.broadcast %and3A_2340 : i32 to vector<16xi32>
        %and3A_2342 = arith.andi %add3A_2339, %and3A_2341 : vector<16xi32>
        %broadcast_in_dim3A_2343 = vector.shape_cast %and3A_2342 : vector<16xi32> to vector<16x1xi32>
        %gather3A_2344 = vector.shape_cast %broadcast_in_dim3A_2343 : vector<16x1xi32> to vector<16xi32>
        %gather3A_2345 = tpu.dynamic_gather %add3A_2335[%gather3A_2344] in [0] : vector<16xf32>, vector<16xi32> -> vector<16xf32>
        %add3A_2346 = arith.addf %add3A_2335, %gather3A_2345 : vector<16xf32>
        %iota3A_2347 = tpu.iota {dimensions = array<i32: 0>} : vector<16xi32>
        %add3A_2348 = arith.constant 1 : i32
        %add3A_2349 = vector.broadcast %add3A_2348 : i32 to vector<16xi32>
        %add3A_2350 = arith.addi %iota3A_2347, %add3A_2349 : vector<16xi32>
        %and3A_2351 = arith.constant 15 : i32
        %and3A_2352 = vector.broadcast %and3A_2351 : i32 to vector<16xi32>
        %and3A_2353 = arith.andi %add3A_2350, %and3A_2352 : vector<16xi32>
        %broadcast_in_dim3A_2354 = vector.shape_cast %and3A_2353 : vector<16xi32> to vector<16x1xi32>
        %gather3A_2355 = vector.shape_cast %broadcast_in_dim3A_2354 : vector<16x1xi32> to vector<16xi32>
        %gather3A_2356 = tpu.dynamic_gather %add3A_2346[%gather3A_2355] in [0] : vector<16xf32>, vector<16xi32> -> vector<16xf32>
        %add3A_2357 = arith.addf %add3A_2346, %gather3A_2356 : vector<16xf32>
        %eq3A_2358 = arith.constant 6 : i32
        %eq3A_2359 = vector.broadcast %eq3A_2358 : i32 to vector<16xi32>
        %eq3A_2360 = arith.cmpi eq, %iota3A, %eq3A_2359 : vector<16xi32>
        %select_n3A_2361 = arith.select %eq3A_2360, %add3A_2357, %select_n3A_2262 : vector<16xi1>, vector<16xf32>
        %mul3A_2362 = arith.constant 25 : i32
        %mul3A_2363 = arith.muli %scan3A_51, %mul3A_2362 : i32
        %add3A_2364 = arith.constant 23 : i32
        %add3A_2365 = arith.addi %mul3A_2363, %add3A_2364 : i32
        %get3A_2366 = arith.index_cast %add3A_2365 : i32 to index
        %get3A_2367 = arith.constant 0 : index
        %get3A_2368 = tpu.vector_load %arg10[%get3A_2366, %get3A_2367] {strides = array<i32>} : memref<200x128xf32, #tpu.memory_space<vmem>>, vector<1x16xf32>,
        %get3A_2369 = vector.shape_cast %get3A_2368 : vector<1x16xf32> to vector<16xf32>
        %mul3A_2370 = arith.mulf %get3A_57, %get3A_2369 : vector<16xf32>
        %get3A_2371 = arith.index_cast %add3A_2365 : i32 to index
        %get3A_2372 = arith.constant 16 : index
        %get3A_2373 = tpu.vector_load %arg10[%get3A_2371, %get3A_2372] {strides = array<i32>} : memref<200x128xf32, #tpu.memory_space<vmem>>, vector<1x16xf32>,
        %get3A_2374 = vector.shape_cast %get3A_2373 : vector<1x16xf32> to vector<16xf32>
        %mul3A_2375 = arith.mulf %get3A_61, %get3A_2374 : vector<16xf32>
        %add3A_2376 = arith.addf %mul3A_2370, %mul3A_2375 : vector<16xf32>
        %get3A_2377 = arith.index_cast %add3A_2365 : i32 to index
        %get3A_2378 = arith.constant 32 : index
        %get3A_2379 = tpu.vector_load %arg10[%get3A_2377, %get3A_2378] {strides = array<i32>} : memref<200x128xf32, #tpu.memory_space<vmem>>, vector<1x16xf32>,
        %get3A_2380 = vector.shape_cast %get3A_2379 : vector<1x16xf32> to vector<16xf32>
        %mul3A_2381 = arith.mulf %get3A_65, %get3A_2380 : vector<16xf32>
        %add3A_2382 = arith.addf %add3A_2376, %mul3A_2381 : vector<16xf32>
        %get3A_2383 = arith.index_cast %add3A_2365 : i32 to index
        %get3A_2384 = arith.constant 48 : index
        %get3A_2385 = tpu.vector_load %arg10[%get3A_2383, %get3A_2384] {strides = array<i32>} : memref<200x128xf32, #tpu.memory_space<vmem>>, vector<1x16xf32>,
        %get3A_2386 = vector.shape_cast %get3A_2385 : vector<1x16xf32> to vector<16xf32>
        %mul3A_2387 = arith.mulf %get3A_69, %get3A_2386 : vector<16xf32>
        %add3A_2388 = arith.addf %add3A_2382, %mul3A_2387 : vector<16xf32>
        %get3A_2389 = arith.index_cast %add3A_2365 : i32 to index
        %get3A_2390 = arith.constant 64 : index
        %get3A_2391 = tpu.vector_load %arg10[%get3A_2389, %get3A_2390] {strides = array<i32>} : memref<200x128xf32, #tpu.memory_space<vmem>>, vector<1x16xf32>,
        %get3A_2392 = vector.shape_cast %get3A_2391 : vector<1x16xf32> to vector<16xf32>
        %mul3A_2393 = arith.mulf %get3A_73, %get3A_2392 : vector<16xf32>
        %add3A_2394 = arith.addf %add3A_2388, %mul3A_2393 : vector<16xf32>
        %get3A_2395 = arith.index_cast %add3A_2365 : i32 to index
        %get3A_2396 = arith.constant 80 : index
        %get3A_2397 = tpu.vector_load %arg10[%get3A_2395, %get3A_2396] {strides = array<i32>} : memref<200x128xf32, #tpu.memory_space<vmem>>, vector<1x16xf32>,
        %get3A_2398 = vector.shape_cast %get3A_2397 : vector<1x16xf32> to vector<16xf32>
        %mul3A_2399 = arith.mulf %get3A_77, %get3A_2398 : vector<16xf32>
        %add3A_2400 = arith.addf %add3A_2394, %mul3A_2399 : vector<16xf32>
        %get3A_2401 = arith.index_cast %add3A_2365 : i32 to index
        %get3A_2402 = arith.constant 96 : index
        %get3A_2403 = tpu.vector_load %arg10[%get3A_2401, %get3A_2402] {strides = array<i32>} : memref<200x128xf32, #tpu.memory_space<vmem>>, vector<1x16xf32>,
        %get3A_2404 = vector.shape_cast %get3A_2403 : vector<1x16xf32> to vector<16xf32>
        %mul3A_2405 = arith.mulf %get3A_81, %get3A_2404 : vector<16xf32>
        %add3A_2406 = arith.addf %add3A_2400, %mul3A_2405 : vector<16xf32>
        %get3A_2407 = arith.index_cast %add3A_2365 : i32 to index
        %get3A_2408 = arith.constant 112 : index
        %get3A_2409 = tpu.vector_load %arg10[%get3A_2407, %get3A_2408] {strides = array<i32>} : memref<200x128xf32, #tpu.memory_space<vmem>>, vector<1x16xf32>,
        %get3A_2410 = vector.shape_cast %get3A_2409 : vector<1x16xf32> to vector<16xf32>
        %mul3A_2411 = arith.mulf %get3A_85, %get3A_2410 : vector<16xf32>
        %add3A_2412 = arith.addf %add3A_2406, %mul3A_2411 : vector<16xf32>
        %iota3A_2413 = tpu.iota {dimensions = array<i32: 0>} : vector<16xi32>
        %add3A_2414 = arith.constant 8 : i32
        %add3A_2415 = vector.broadcast %add3A_2414 : i32 to vector<16xi32>
        %add3A_2416 = arith.addi %iota3A_2413, %add3A_2415 : vector<16xi32>
        %and3A_2417 = arith.constant 15 : i32
        %and3A_2418 = vector.broadcast %and3A_2417 : i32 to vector<16xi32>
        %and3A_2419 = arith.andi %add3A_2416, %and3A_2418 : vector<16xi32>
        %broadcast_in_dim3A_2420 = vector.shape_cast %and3A_2419 : vector<16xi32> to vector<16x1xi32>
        %gather3A_2421 = vector.shape_cast %broadcast_in_dim3A_2420 : vector<16x1xi32> to vector<16xi32>
        %gather3A_2422 = tpu.dynamic_gather %add3A_2412[%gather3A_2421] in [0] : vector<16xf32>, vector<16xi32> -> vector<16xf32>
        %add3A_2423 = arith.addf %add3A_2412, %gather3A_2422 : vector<16xf32>
        %iota3A_2424 = tpu.iota {dimensions = array<i32: 0>} : vector<16xi32>
        %add3A_2425 = arith.constant 4 : i32
        %add3A_2426 = vector.broadcast %add3A_2425 : i32 to vector<16xi32>
        %add3A_2427 = arith.addi %iota3A_2424, %add3A_2426 : vector<16xi32>
        %and3A_2428 = arith.constant 15 : i32
        %and3A_2429 = vector.broadcast %and3A_2428 : i32 to vector<16xi32>
        %and3A_2430 = arith.andi %add3A_2427, %and3A_2429 : vector<16xi32>
        %broadcast_in_dim3A_2431 = vector.shape_cast %and3A_2430 : vector<16xi32> to vector<16x1xi32>
        %gather3A_2432 = vector.shape_cast %broadcast_in_dim3A_2431 : vector<16x1xi32> to vector<16xi32>
        %gather3A_2433 = tpu.dynamic_gather %add3A_2423[%gather3A_2432] in [0] : vector<16xf32>, vector<16xi32> -> vector<16xf32>
        %add3A_2434 = arith.addf %add3A_2423, %gather3A_2433 : vector<16xf32>
        %iota3A_2435 = tpu.iota {dimensions = array<i32: 0>} : vector<16xi32>
        %add3A_2436 = arith.constant 2 : i32
        %add3A_2437 = vector.broadcast %add3A_2436 : i32 to vector<16xi32>
        %add3A_2438 = arith.addi %iota3A_2435, %add3A_2437 : vector<16xi32>
        %and3A_2439 = arith.constant 15 : i32
        %and3A_2440 = vector.broadcast %and3A_2439 : i32 to vector<16xi32>
        %and3A_2441 = arith.andi %add3A_2438, %and3A_2440 : vector<16xi32>
        %broadcast_in_dim3A_2442 = vector.shape_cast %and3A_2441 : vector<16xi32> to vector<16x1xi32>
        %gather3A_2443 = vector.shape_cast %broadcast_in_dim3A_2442 : vector<16x1xi32> to vector<16xi32>
        %gather3A_2444 = tpu.dynamic_gather %add3A_2434[%gather3A_2443] in [0] : vector<16xf32>, vector<16xi32> -> vector<16xf32>
        %add3A_2445 = arith.addf %add3A_2434, %gather3A_2444 : vector<16xf32>
        %iota3A_2446 = tpu.iota {dimensions = array<i32: 0>} : vector<16xi32>
        %add3A_2447 = arith.constant 1 : i32
        %add3A_2448 = vector.broadcast %add3A_2447 : i32 to vector<16xi32>
        %add3A_2449 = arith.addi %iota3A_2446, %add3A_2448 : vector<16xi32>
        %and3A_2450 = arith.constant 15 : i32
        %and3A_2451 = vector.broadcast %and3A_2450 : i32 to vector<16xi32>
        %and3A_2452 = arith.andi %add3A_2449, %and3A_2451 : vector<16xi32>
        %broadcast_in_dim3A_2453 = vector.shape_cast %and3A_2452 : vector<16xi32> to vector<16x1xi32>
        %gather3A_2454 = vector.shape_cast %broadcast_in_dim3A_2453 : vector<16x1xi32> to vector<16xi32>
        %gather3A_2455 = tpu.dynamic_gather %add3A_2445[%gather3A_2454] in [0] : vector<16xf32>, vector<16xi32> -> vector<16xf32>
        %add3A_2456 = arith.addf %add3A_2445, %gather3A_2455 : vector<16xf32>
        %eq3A_2457 = arith.constant 7 : i32
        %eq3A_2458 = vector.broadcast %eq3A_2457 : i32 to vector<16xi32>
        %eq3A_2459 = arith.cmpi eq, %iota3A, %eq3A_2458 : vector<16xi32>
        %select_n3A_2460 = arith.select %eq3A_2459, %add3A_2456, %select_n3A_2361 : vector<16xi1>, vector<16xf32>
        %mul3A_2461 = arith.constant 25 : i32
        %mul3A_2462 = arith.muli %scan3A_51, %mul3A_2461 : i32
        %add3A_2463 = arith.constant 24 : i32
        %add3A_2464 = arith.addi %mul3A_2462, %add3A_2463 : i32
        %get3A_2465 = arith.index_cast %add3A_2464 : i32 to index
        %get3A_2466 = arith.constant 0 : index
        %get3A_2467 = tpu.vector_load %arg10[%get3A_2465, %get3A_2466] {strides = array<i32>} : memref<200x128xf32, #tpu.memory_space<vmem>>, vector<1x16xf32>,
        %get3A_2468 = vector.shape_cast %get3A_2467 : vector<1x16xf32> to vector<16xf32>
        %mul3A_2469 = arith.mulf %get3A_57, %get3A_2468 : vector<16xf32>
        %get3A_2470 = arith.index_cast %add3A_2464 : i32 to index
        %get3A_2471 = arith.constant 16 : index
        %get3A_2472 = tpu.vector_load %arg10[%get3A_2470, %get3A_2471] {strides = array<i32>} : memref<200x128xf32, #tpu.memory_space<vmem>>, vector<1x16xf32>,
        %get3A_2473 = vector.shape_cast %get3A_2472 : vector<1x16xf32> to vector<16xf32>
        %mul3A_2474 = arith.mulf %get3A_61, %get3A_2473 : vector<16xf32>
        %add3A_2475 = arith.addf %mul3A_2469, %mul3A_2474 : vector<16xf32>
        %get3A_2476 = arith.index_cast %add3A_2464 : i32 to index
        %get3A_2477 = arith.constant 32 : index
        %get3A_2478 = tpu.vector_load %arg10[%get3A_2476, %get3A_2477] {strides = array<i32>} : memref<200x128xf32, #tpu.memory_space<vmem>>, vector<1x16xf32>,
        %get3A_2479 = vector.shape_cast %get3A_2478 : vector<1x16xf32> to vector<16xf32>
        %mul3A_2480 = arith.mulf %get3A_65, %get3A_2479 : vector<16xf32>
        %add3A_2481 = arith.addf %add3A_2475, %mul3A_2480 : vector<16xf32>
        %get3A_2482 = arith.index_cast %add3A_2464 : i32 to index
        %get3A_2483 = arith.constant 48 : index
        %get3A_2484 = tpu.vector_load %arg10[%get3A_2482, %get3A_2483] {strides = array<i32>} : memref<200x128xf32, #tpu.memory_space<vmem>>, vector<1x16xf32>,
        %get3A_2485 = vector.shape_cast %get3A_2484 : vector<1x16xf32> to vector<16xf32>
        %mul3A_2486 = arith.mulf %get3A_69, %get3A_2485 : vector<16xf32>
        %add3A_2487 = arith.addf %add3A_2481, %mul3A_2486 : vector<16xf32>
        %get3A_2488 = arith.index_cast %add3A_2464 : i32 to index
        %get3A_2489 = arith.constant 64 : index
        %get3A_2490 = tpu.vector_load %arg10[%get3A_2488, %get3A_2489] {strides = array<i32>} : memref<200x128xf32, #tpu.memory_space<vmem>>, vector<1x16xf32>,
        %get3A_2491 = vector.shape_cast %get3A_2490 : vector<1x16xf32> to vector<16xf32>
        %mul3A_2492 = arith.mulf %get3A_73, %get3A_2491 : vector<16xf32>
        %add3A_2493 = arith.addf %add3A_2487, %mul3A_2492 : vector<16xf32>
        %get3A_2494 = arith.index_cast %add3A_2464 : i32 to index
        %get3A_2495 = arith.constant 80 : index
        %get3A_2496 = tpu.vector_load %arg10[%get3A_2494, %get3A_2495] {strides = array<i32>} : memref<200x128xf32, #tpu.memory_space<vmem>>, vector<1x16xf32>,
        %get3A_2497 = vector.shape_cast %get3A_2496 : vector<1x16xf32> to vector<16xf32>
        %mul3A_2498 = arith.mulf %get3A_77, %get3A_2497 : vector<16xf32>
        %add3A_2499 = arith.addf %add3A_2493, %mul3A_2498 : vector<16xf32>
        %get3A_2500 = arith.index_cast %add3A_2464 : i32 to index
        %get3A_2501 = arith.constant 96 : index
        %get3A_2502 = tpu.vector_load %arg10[%get3A_2500, %get3A_2501] {strides = array<i32>} : memref<200x128xf32, #tpu.memory_space<vmem>>, vector<1x16xf32>,
        %get3A_2503 = vector.shape_cast %get3A_2502 : vector<1x16xf32> to vector<16xf32>
        %mul3A_2504 = arith.mulf %get3A_81, %get3A_2503 : vector<16xf32>
        %add3A_2505 = arith.addf %add3A_2499, %mul3A_2504 : vector<16xf32>
        %get3A_2506 = arith.index_cast %add3A_2464 : i32 to index
        %get3A_2507 = arith.constant 112 : index
        %get3A_2508 = tpu.vector_load %arg10[%get3A_2506, %get3A_2507] {strides = array<i32>} : memref<200x128xf32, #tpu.memory_space<vmem>>, vector<1x16xf32>,
        %get3A_2509 = vector.shape_cast %get3A_2508 : vector<1x16xf32> to vector<16xf32>
        %mul3A_2510 = arith.mulf %get3A_85, %get3A_2509 : vector<16xf32>
        %add3A_2511 = arith.addf %add3A_2505, %mul3A_2510 : vector<16xf32>
        %iota3A_2512 = tpu.iota {dimensions = array<i32: 0>} : vector<16xi32>
        %add3A_2513 = arith.constant 8 : i32
        %add3A_2514 = vector.broadcast %add3A_2513 : i32 to vector<16xi32>
        %add3A_2515 = arith.addi %iota3A_2512, %add3A_2514 : vector<16xi32>
        %and3A_2516 = arith.constant 15 : i32
        %and3A_2517 = vector.broadcast %and3A_2516 : i32 to vector<16xi32>
        %and3A_2518 = arith.andi %add3A_2515, %and3A_2517 : vector<16xi32>
        %broadcast_in_dim3A_2519 = vector.shape_cast %and3A_2518 : vector<16xi32> to vector<16x1xi32>
        %gather3A_2520 = vector.shape_cast %broadcast_in_dim3A_2519 : vector<16x1xi32> to vector<16xi32>
        %gather3A_2521 = tpu.dynamic_gather %add3A_2511[%gather3A_2520] in [0] : vector<16xf32>, vector<16xi32> -> vector<16xf32>
        %add3A_2522 = arith.addf %add3A_2511, %gather3A_2521 : vector<16xf32>
        %iota3A_2523 = tpu.iota {dimensions = array<i32: 0>} : vector<16xi32>
        %add3A_2524 = arith.constant 4 : i32
        %add3A_2525 = vector.broadcast %add3A_2524 : i32 to vector<16xi32>
        %add3A_2526 = arith.addi %iota3A_2523, %add3A_2525 : vector<16xi32>
        %and3A_2527 = arith.constant 15 : i32
        %and3A_2528 = vector.broadcast %and3A_2527 : i32 to vector<16xi32>
        %and3A_2529 = arith.andi %add3A_2526, %and3A_2528 : vector<16xi32>
        %broadcast_in_dim3A_2530 = vector.shape_cast %and3A_2529 : vector<16xi32> to vector<16x1xi32>
        %gather3A_2531 = vector.shape_cast %broadcast_in_dim3A_2530 : vector<16x1xi32> to vector<16xi32>
        %gather3A_2532 = tpu.dynamic_gather %add3A_2522[%gather3A_2531] in [0] : vector<16xf32>, vector<16xi32> -> vector<16xf32>
        %add3A_2533 = arith.addf %add3A_2522, %gather3A_2532 : vector<16xf32>
        %iota3A_2534 = tpu.iota {dimensions = array<i32: 0>} : vector<16xi32>
        %add3A_2535 = arith.constant 2 : i32
        %add3A_2536 = vector.broadcast %add3A_2535 : i32 to vector<16xi32>
        %add3A_2537 = arith.addi %iota3A_2534, %add3A_2536 : vector<16xi32>
        %and3A_2538 = arith.constant 15 : i32
        %and3A_2539 = vector.broadcast %and3A_2538 : i32 to vector<16xi32>
        %and3A_2540 = arith.andi %add3A_2537, %and3A_2539 : vector<16xi32>
        %broadcast_in_dim3A_2541 = vector.shape_cast %and3A_2540 : vector<16xi32> to vector<16x1xi32>
        %gather3A_2542 = vector.shape_cast %broadcast_in_dim3A_2541 : vector<16x1xi32> to vector<16xi32>
        %gather3A_2543 = tpu.dynamic_gather %add3A_2533[%gather3A_2542] in [0] : vector<16xf32>, vector<16xi32> -> vector<16xf32>
        %add3A_2544 = arith.addf %add3A_2533, %gather3A_2543 : vector<16xf32>
        %iota3A_2545 = tpu.iota {dimensions = array<i32: 0>} : vector<16xi32>
        %add3A_2546 = arith.constant 1 : i32
        %add3A_2547 = vector.broadcast %add3A_2546 : i32 to vector<16xi32>
        %add3A_2548 = arith.addi %iota3A_2545, %add3A_2547 : vector<16xi32>
        %and3A_2549 = arith.constant 15 : i32
        %and3A_2550 = vector.broadcast %and3A_2549 : i32 to vector<16xi32>
        %and3A_2551 = arith.andi %add3A_2548, %and3A_2550 : vector<16xi32>
        %broadcast_in_dim3A_2552 = vector.shape_cast %and3A_2551 : vector<16xi32> to vector<16x1xi32>
        %gather3A_2553 = vector.shape_cast %broadcast_in_dim3A_2552 : vector<16x1xi32> to vector<16xi32>
        %gather3A_2554 = tpu.dynamic_gather %add3A_2544[%gather3A_2553] in [0] : vector<16xf32>, vector<16xi32> -> vector<16xf32>
        %add3A_2555 = arith.addf %add3A_2544, %gather3A_2554 : vector<16xf32>
        %eq3A_2556 = arith.constant 8 : i32
        %eq3A_2557 = vector.broadcast %eq3A_2556 : i32 to vector<16xi32>
        %eq3A_2558 = arith.cmpi eq, %iota3A, %eq3A_2557 : vector<16xi32>
        %select_n3A_2559 = arith.select %eq3A_2558, %add3A_2555, %select_n3A_2460 : vector<16xi1>, vector<16xf32>
        %swap3A = arith.index_cast %add3A_54 : i32 to index
        %swap3A_2560 = arith.constant 0 : index
        %swap3A_2561 = tpu.vector_load %arg11[%swap3A, %swap3A_2560] {strides = array<i32>} : memref<128x32xf32, #tpu.memory_space<vmem>>, vector<1x16xf32>,
        %swap3A_2562 = vector.shape_cast %swap3A_2561 : vector<1x16xf32> to vector<16xf32>
        %swap3A_2563 = vector.shape_cast %select_n3A_1668 : vector<16xf32> to vector<1x16xf32>
        tpu.vector_store %arg11[%swap3A, %swap3A_2560], %swap3A_2563 {strides = array<i32>} : memref<128x32xf32, #tpu.memory_space<vmem>>, vector<1x16xf32>,
        %swap3A_2564 = arith.index_cast %add3A_54 : i32 to index
        %swap3A_2565 = arith.constant 16 : index
        %swap3A_2566 = tpu.vector_load %arg11[%swap3A_2564, %swap3A_2565] {strides = array<i32>} : memref<128x32xf32, #tpu.memory_space<vmem>>, vector<1x16xf32>,
        %swap3A_2567 = vector.shape_cast %swap3A_2566 : vector<1x16xf32> to vector<16xf32>
        %swap3A_2568 = vector.shape_cast %select_n3A_2559 : vector<16xf32> to vector<1x16xf32>
        tpu.vector_store %arg11[%swap3A_2564, %swap3A_2565], %swap3A_2568 {strides = array<i32>} : memref<128x32xf32, #tpu.memory_space<vmem>>, vector<1x16xf32>,
      }
      %scan3A_50 = arith.constant 8 : i32
    }
    %scan3A_12 = arith.constant 16 : i32
    "tpu.region"() ({
      %run_scoped3A = tpu.sem_alloc : memref<!tpu.dma_semaphore, #tpu.memory_space<semaphore_mem>>
      %dma_start3A_13 = arith.constant 0 : i32
      %dma_start3A_14 = tpu.memref_slice %arg6[%mul3A_2, %dma_start3A_13] : memref<4096x32xf32, #tpu.memory_space<hbm>> -> memref<128x32xf32, #tpu.memory_space<hbm>>
      %dma_start3A_15 = arith.constant 0 : i32
      %dma_start3A_16 = tpu.memref_slice %arg6[%mul3A_2, %dma_start3A_15] : memref<4096x32xf32, #tpu.memory_space<hbm>> -> memref<128x32xf32, #tpu.memory_space<hbm>>
      tpu.enqueue_dma source(%arg11 : memref<128x32xf32, #tpu.memory_space<vmem>>) target(%dma_start3A_16 : memref<128x32xf32, #tpu.memory_space<hbm>>) target_semaphore(%run_scoped3A : memref<!tpu.dma_semaphore, #tpu.memory_space<semaphore_mem>>)
      %dma_wait3A_17 = arith.constant 0 : i32
      %dma_wait3A_18 = tpu.memref_slice %arg6[%mul3A_2, %dma_wait3A_17] : memref<4096x32xf32, #tpu.memory_space<hbm>> -> memref<128x32xf32, #tpu.memory_space<hbm>>
      %dma_wait3A_19 = arith.constant 0 : i32
      %dma_wait3A_20 = tpu.memref_slice %arg6[%mul3A_2, %dma_wait3A_19] : memref<4096x32xf32, #tpu.memory_space<hbm>> -> memref<128x32xf32, #tpu.memory_space<hbm>>
      tpu.wait_dma2 semaphore(%run_scoped3A : memref<!tpu.dma_semaphore, #tpu.memory_space<semaphore_mem>>) src(%arg11 : memref<128x32xf32, #tpu.memory_space<vmem>>) dst(%dma_wait3A_20 : memref<128x32xf32, #tpu.memory_space<hbm>>)
      tpu.yield
    }) : () -> ()
    return
  }
}

module attributes {stable_mosaic.version = 14 : i64} {
  func.func @_prep_body(%arg0: i32, %arg1: i32, %arg2: memref<1x128x8x256xf32, #tpu.memory_space<vmem>>, %arg3: memref<1x128x8x256xf32, #tpu.memory_space<vmem>>, %arg4: memref<128x128xf32, #tpu.memory_space<vmem>>, %arg5: memref<128x128xf32, #tpu.memory_space<vmem>>, %arg6: memref<2048x128xf32, #tpu.memory_space<vmem>>) attributes {dimension_semantics = [#tpu.dimension_semantics<arbitrary>, #tpu.dimension_semantics<arbitrary>], iteration_bounds = array<i64: 4, 32>, scalar_prefetch = 0 : i64, scratch_operands = 0 : i64, tpu.core_type = #tpu.core_type<tc>, window_params = [{transform_indices = @transform_0, window_bounds = array<i64: 1, 128, 8, 256>}, {transform_indices = @transform_1, window_bounds = array<i64: 1, 128, 8, 256>}, {pipeline_mode = #tpu.pipeline_mode<synchronous>, transform_indices = @transform_2, window_bounds = array<i64: 128, 128>}, {transform_indices = @transform_3, window_bounds = array<i64: 128, 128>}, {transform_indices = @transform_4, window_bounds = array<i64: 2048, 128>}]} {
    %get3A = arith.constant 0 : index
    %get3A_0 = arith.constant 0 : index
    %get3A_1 = arith.constant 0 : index
    %get3A_2 = arith.constant 0 : index
    %get3A_3 = vector.load %arg3[%get3A, %get3A_0, %get3A_1, %get3A_2] : memref<1x128x8x256xf32, #tpu.memory_space<vmem>>, vector<1x128x8x256xf32>
    %get3A_4 = vector.shape_cast %get3A_3 : vector<1x128x8x256xf32> to vector<128x8x256xf32>
    %reshape3A = vector.shape_cast %get3A_4 : vector<128x8x256xf32> to vector<128x2048xf32>
    %transpose3A = tpu.transpose %reshape3A, [1, 0] : vector<128x2048xf32> -> vector<2048x128xf32>
    %swap3A = arith.constant 0 : index
    %swap3A_5 = arith.constant 0 : index
    %swap3A_6 = vector.load %arg6[%swap3A, %swap3A_5] : memref<2048x128xf32, #tpu.memory_space<vmem>>, vector<2048x128xf32>
    tpu.vector_store %arg6[%swap3A, %swap3A_5], %transpose3A {strides = array<i32>} : memref<2048x128xf32, #tpu.memory_space<vmem>>, vector<2048x128xf32>,
    %get3A_7 = arith.constant 0 : index
    %get3A_8 = arith.constant 0 : index
    %get3A_9 = vector.load %arg4[%get3A_7, %get3A_8] : memref<128x128xf32, #tpu.memory_space<vmem>>, vector<128x128xf32>
    %dot_general3A = arith.constant dense<0.000000e+00> : vector<128x128xf32>
    %dot_general3A_10 = tpu.matmul %get3A_9, %get3A_9, %dot_general3A {dimension_numbers = #tpu.dot_dimension_numbers<[0], [0], [1], [1], [0, 1, 1, 1], [], []>, transpose_lhs_hint = false} : vector<128x128xf32>, vector<128x128xf32>, vector<128x128xf32> -> vector<128x128xf32>
    %get3A_11 = arith.constant 0 : index
    %get3A_12 = arith.constant 0 : index
    %get3A_13 = arith.constant 0 : index
    %get3A_14 = arith.constant 0 : index
    %get3A_15 = vector.load %arg2[%get3A_11, %get3A_12, %get3A_13, %get3A_14] : memref<1x128x8x256xf32, #tpu.memory_space<vmem>>, vector<1x128x8x256xf32>
    %get3A_16 = vector.shape_cast %get3A_15 : vector<1x128x8x256xf32> to vector<128x8x256xf32>
    %iota3A = tpu.iota {dimensions = array<i32: 0>} : vector<256x64xi32>
    %iota3A_17 = tpu.iota {dimensions = array<i32: 1>} : vector<256x64xi32>
    %mul3A = arith.constant 4 : i32
    %mul3A_18 = vector.broadcast %mul3A : i32 to vector<256x64xi32>
    %mul3A_19 = arith.muli %mul3A_18, %iota3A_17 : vector<256x64xi32>
    %eq3A = arith.cmpi eq, %iota3A, %mul3A_19 : vector<256x64xi32>
    %convert_element_type3A = arith.extui %eq3A : vector<256x64xi1> to vector<256x64xi32>
    %convert_element_type3A_20 = arith.sitofp %convert_element_type3A : vector<256x64xi32> to vector<256x64xf32>
    %slice3A = vector.extract_strided_slice %get3A_16 {offsets = [0, 0, 0], sizes = [128, 1, 256], strides = [1, 1, 1]} : vector<128x8x256xf32> to vector<128x1x256xf32>
    %squeeze3A = vector.shape_cast %slice3A : vector<128x1x256xf32> to vector<128x256xf32>
    %dot_general3A_21 = arith.constant dense<0.000000e+00> : vector<64x128xf32>
    %dot_general3A_22 = tpu.matmul %convert_element_type3A_20, %squeeze3A, %dot_general3A_21 {dimension_numbers = #tpu.dot_dimension_numbers<[0], [1], [1], [0], [0, 1, 1, 0], [], []>, transpose_lhs_hint = false} : vector<256x64xf32>, vector<128x256xf32>, vector<64x128xf32> -> vector<64x128xf32>
    %slice3A_23 = vector.extract_strided_slice %get3A_16 {offsets = [0, 4, 0], sizes = [128, 1, 256], strides = [1, 1, 1]} : vector<128x8x256xf32> to vector<128x1x256xf32>
    %squeeze3A_24 = vector.shape_cast %slice3A_23 : vector<128x1x256xf32> to vector<128x256xf32>
    %dot_general3A_25 = arith.constant dense<0.000000e+00> : vector<64x128xf32>
    %dot_general3A_26 = tpu.matmul %convert_element_type3A_20, %squeeze3A_24, %dot_general3A_25 {dimension_numbers = #tpu.dot_dimension_numbers<[0], [1], [1], [0], [0, 1, 1, 0], [], []>, transpose_lhs_hint = false} : vector<256x64xf32>, vector<128x256xf32>, vector<64x128xf32> -> vector<64x128xf32>
    %concatenate3A = tpu.concatenate %dot_general3A_22, %dot_general3A_26 in 0 : vector<64x128xf32>, vector<64x128xf32> -> vector<128x128xf32>
    %dot_general3A_27 = arith.constant dense<0.000000e+00> : vector<128x128xf32>
    %dot_general3A_28 = tpu.matmul %concatenate3A, %dot_general3A_10, %dot_general3A_27 {dimension_numbers = #tpu.dot_dimension_numbers<[1], [0], [0], [1], [0, 0, 1, 1], [], []>, transpose_lhs_hint = false} : vector<128x128xf32>, vector<128x128xf32>, vector<128x128xf32> -> vector<128x128xf32>
    %swap3A_29 = arith.constant 0 : index
    %swap3A_30 = arith.constant 0 : index
    %swap3A_31 = vector.load %arg5[%swap3A_29, %swap3A_30] : memref<128x128xf32, #tpu.memory_space<vmem>>, vector<128x128xf32>
    tpu.vector_store %arg5[%swap3A_29, %swap3A_30], %dot_general3A_28 {strides = array<i32>} : memref<128x128xf32, #tpu.memory_space<vmem>>, vector<128x128xf32>,
    return
  }
  func.func @transform_0(%arg0: i32, %arg1: i32) -> (i32, i32, i32, i32) {
    %c0_i32 = arith.constant 0 : i32
    %c0_i32_0 = arith.constant 0 : i32
    %c0_i32_1 = arith.constant 0 : i32
    return %arg0, %c0_i32, %arg1, %c0_i32_0 : i32, i32, i32, i32
  }
  func.func @transform_1(%arg0: i32, %arg1: i32) -> (i32, i32, i32, i32) {
    %c0_i32 = arith.constant 0 : i32
    %c0_i32_0 = arith.constant 0 : i32
    %c0_i32_1 = arith.constant 0 : i32
    return %arg0, %c0_i32, %arg1, %c0_i32_0 : i32, i32, i32, i32
  }
  func.func @transform_2(%arg0: i32, %arg1: i32) -> (i32, i32) {
    %c0_i32 = arith.constant 0 : i32
    %c0_i32_0 = arith.constant 0 : i32
    %c0_i32_1 = arith.constant 0 : i32
    return %c0_i32, %c0_i32_0 : i32, i32
  }
  func.func @transform_3(%arg0: i32, %arg1: i32) -> (i32, i32) {
    %mul3A = arith.constant 32 : i32
    %mul3A_0 = arith.muli %arg0, %mul3A : i32
    %add3A = arith.addi %mul3A_0, %arg1 : i32
    %c0_i32 = arith.constant 0 : i32
    %c0_i32_1 = arith.constant 0 : i32
    return %add3A, %c0_i32 : i32, i32
  }
  func.func @transform_4(%arg0: i32, %arg1: i32) -> (i32, i32) {
    %mul3A = arith.constant 32 : i32
    %mul3A_0 = arith.muli %arg0, %mul3A : i32
    %add3A = arith.addi %mul3A_0, %arg1 : i32
    %c0_i32 = arith.constant 0 : i32
    %c0_i32_1 = arith.constant 0 : i32
    return %add3A, %c0_i32 : i32, i32
  }
}

module attributes {stable_mosaic.version = 14 : i64} {
  func.func @_finish_body(%arg0: i32, %arg1: memref<128x32xf32, #tpu.memory_space<vmem>>, %arg2: memref<128x2xi32, #tpu.memory_space<vmem>>, %arg3: memref<128x2xi32, #tpu.memory_space<vmem>>, %arg4: memref<128x2xf32, #tpu.memory_space<vmem>>, %arg5: memref<128x2xf32, #tpu.memory_space<vmem>>, %arg6: memref<128x2xf32, #tpu.memory_space<vmem>>) attributes {dimension_semantics = [#tpu.dimension_semantics<arbitrary>], iteration_bounds = array<i64: 32>, scalar_prefetch = 0 : i64, scratch_operands = 0 : i64, tpu.core_type = #tpu.core_type<tc>, window_params = [{transform_indices = @transform_0, window_bounds = array<i64: 128, 32>}, {transform_indices = @transform_1, window_bounds = array<i64: 128, 2>}, {transform_indices = @transform_2, window_bounds = array<i64: 128, 2>}, {transform_indices = @transform_3, window_bounds = array<i64: 128, 2>}, {transform_indices = @transform_4, window_bounds = array<i64: 128, 2>}, {transform_indices = @transform_5, window_bounds = array<i64: 128, 2>}]} {
    %get3A = arith.constant 0 : index
    %get3A_0 = arith.constant 0 : index
    %get3A_1 = vector.load %arg1[%get3A, %get3A_0] : memref<128x32xf32, #tpu.memory_space<vmem>>, vector<128x32xf32>
    %get3A_2 = arith.constant 0 : index
    %get3A_3 = arith.constant 0 : index
    %get3A_4 = vector.load %arg3[%get3A_2, %get3A_3] : memref<128x2xi32, #tpu.memory_space<vmem>>, vector<128x2xi32>
    %mul3A = arith.constant 4 : i32
    %mul3A_5 = vector.broadcast %mul3A : i32 to vector<128x2xi32>
    %mul3A_6 = arith.muli %get3A_4, %mul3A_5 : vector<128x2xi32>
    %slice3A = vector.extract_strided_slice %mul3A_6 {offsets = [0, 0], sizes = [128, 1], strides = [1, 1]} : vector<128x2xi32> to vector<128x1xi32>
    %slice3A_7 = vector.extract_strided_slice %mul3A_6 {offsets = [0, 1], sizes = [128, 1], strides = [1, 1]} : vector<128x2xi32> to vector<128x1xi32>
    %iota3A = tpu.iota {dimensions = array<i32: 1>} : vector<128x32xi32>
    %jit3A = arith.constant 5 : i32
    %eq3A = arith.constant 0 : i32
    %eq3A_8 = arith.cmpi eq, %jit3A, %eq3A : i32
    %jit3A_9 = arith.constant 1 : i32
    %select_n3A = arith.select %eq3A_8, %jit3A_9, %jit3A : i32
    %rem3A = vector.broadcast %select_n3A : i32 to vector<128x32xi32>
    %rem3A_10 = arith.remsi %iota3A, %rem3A : vector<128x32xi32>
    %ne3A = arith.constant 0 : i32
    %ne3A_11 = vector.broadcast %ne3A : i32 to vector<128x32xi32>
    %ne3A_12 = arith.cmpi ne, %rem3A_10, %ne3A_11 : vector<128x32xi32>
    %lt3A = arith.constant 0 : i32
    %lt3A_13 = vector.broadcast %lt3A : i32 to vector<128x32xi32>
    %lt3A_14 = arith.cmpi slt, %rem3A_10, %lt3A_13 : vector<128x32xi32>
    %lt3A_15 = arith.constant 0 : i32
    %lt3A_16 = arith.cmpi slt, %select_n3A, %lt3A_15 : i32
    %ne3A_17 = vector.broadcast %lt3A_16 : i1 to vector<128x32xi1>
    %ne3A_18 = vector.broadcast %ne3A_17 : vector<128x32xi1> to vector<128x32xi1>
    %ne3A_19 = arith.xori %lt3A_14, %ne3A_18 : vector<128x32xi1>
    %and3A = arith.andi %ne3A_19, %ne3A_12 : vector<128x32xi1>
    %add3A = vector.broadcast %select_n3A : i32 to vector<128x32xi32>
    %add3A_20 = arith.addi %rem3A_10, %add3A : vector<128x32xi32>
    %select_n3A_21 = arith.select %and3A, %add3A_20, %rem3A_10 : vector<128x32xi1>, vector<128x32xi32>
    %sub3A = arith.constant 2 : i32
    %sub3A_22 = vector.broadcast %sub3A : i32 to vector<128x32xi32>
    %sub3A_23 = arith.subi %select_n3A_21, %sub3A_22 : vector<128x32xi32>
    %jit3A_24 = arith.constant 5 : i32
    %div3A = vector.broadcast %jit3A_24 : i32 to vector<128x32xi32>
    %div3A_25 = arith.divsi %iota3A, %div3A : vector<128x32xi32>
    %sign3A = arith.constant 0 : i32
    %sign3A_26 = vector.broadcast %sign3A : i32 to vector<128x32xi32>
    %sign3A_27 = arith.cmpi sgt, %iota3A, %sign3A_26 : vector<128x32xi32>
    %sign3A_28 = arith.extui %sign3A_27 : vector<128x32xi1> to vector<128x32xi32>
    %sign3A_29 = arith.constant 0 : i32
    %sign3A_30 = vector.broadcast %sign3A_29 : i32 to vector<128x32xi32>
    %sign3A_31 = arith.cmpi slt, %iota3A, %sign3A_30 : vector<128x32xi32>
    %sign3A_32 = arith.extui %sign3A_31 : vector<128x32xi1> to vector<128x32xi32>
    %sign3A_33 = arith.subi %sign3A_28, %sign3A_32 : vector<128x32xi32>
    %sign3A_34 = arith.constant 0 : i32
    %sign3A_35 = arith.cmpi sgt, %jit3A_24, %sign3A_34 : i32
    %sign3A_36 = arith.extui %sign3A_35 : i1 to i32
    %sign3A_37 = arith.constant 0 : i32
    %sign3A_38 = arith.cmpi slt, %jit3A_24, %sign3A_37 : i32
    %sign3A_39 = arith.extui %sign3A_38 : i1 to i32
    %sign3A_40 = arith.subi %sign3A_36, %sign3A_39 : i32
    %ne3A_41 = vector.broadcast %sign3A_40 : i32 to vector<128x32xi32>
    %ne3A_42 = arith.cmpi ne, %sign3A_33, %ne3A_41 : vector<128x32xi32>
    %rem3A_43 = vector.broadcast %jit3A_24 : i32 to vector<128x32xi32>
    %rem3A_44 = arith.remsi %iota3A, %rem3A_43 : vector<128x32xi32>
    %ne3A_45 = arith.constant 0 : i32
    %ne3A_46 = vector.broadcast %ne3A_45 : i32 to vector<128x32xi32>
    %ne3A_47 = arith.cmpi ne, %rem3A_44, %ne3A_46 : vector<128x32xi32>
    %and3A_48 = arith.andi %ne3A_42, %ne3A_47 : vector<128x32xi1>
    %sub3A_49 = arith.constant 1 : i32
    %sub3A_50 = vector.broadcast %sub3A_49 : i32 to vector<128x32xi32>
    %sub3A_51 = arith.subi %div3A_25, %sub3A_50 : vector<128x32xi32>
    %select_n3A_52 = arith.select %and3A_48, %sub3A_51, %div3A_25 : vector<128x32xi1>, vector<128x32xi32>
    %sub3A_53 = arith.constant 2 : i32
    %sub3A_54 = vector.broadcast %sub3A_53 : i32 to vector<128x32xi32>
    %sub3A_55 = arith.subi %select_n3A_52, %sub3A_54 : vector<128x32xi32>
    %add3A_56 = vector.broadcast %slice3A : vector<128x1xi32> to vector<128x32xi32>
    %add3A_57 = arith.addi %add3A_56, %sub3A_23 : vector<128x32xi32>
    %add3A_58 = vector.broadcast %slice3A_7 : vector<128x1xi32> to vector<128x32xi32>
    %add3A_59 = arith.addi %add3A_58, %sub3A_55 : vector<128x32xi32>
    %lt3A_60 = arith.constant 25 : i32
    %lt3A_61 = vector.broadcast %lt3A_60 : i32 to vector<128x32xi32>
    %lt3A_62 = arith.cmpi slt, %iota3A, %lt3A_61 : vector<128x32xi32>
    %ge3A = arith.constant 0 : i32
    %ge3A_63 = vector.broadcast %ge3A : i32 to vector<128x32xi32>
    %ge3A_64 = arith.cmpi sge, %add3A_57, %ge3A_63 : vector<128x32xi32>
    %and3A_65 = arith.andi %lt3A_62, %ge3A_64 : vector<128x32xi1>
    %ge3A_66 = arith.constant 0 : i32
    %ge3A_67 = vector.broadcast %ge3A_66 : i32 to vector<128x32xi32>
    %ge3A_68 = arith.cmpi sge, %add3A_59, %ge3A_67 : vector<128x32xi32>
    %and3A_69 = arith.andi %and3A_65, %ge3A_68 : vector<128x32xi1>
    %jit3A_70 = arith.constant -1.000000e+09 : f32
    %broadcast_in_dim3A = vector.broadcast %jit3A_70 : f32 to vector<128x32xf32>
    %select_n3A_71 = arith.select %and3A_69, %get3A_1, %broadcast_in_dim3A : vector<128x32xi1>, vector<128x32xf32>
    %reduce_max3A = arith.constant dense<0xFF800000> : vector<128xf32>
    %reduce_max3A_72 = vector.multi_reduction <maximumf>, %select_n3A_71, %reduce_max3A [1] : vector<128x32xf32> to vector<128xf32>
    %broadcast_in_dim3A_73 = vector.shape_cast %reduce_max3A_72 : vector<128xf32> to vector<128x1xf32>
    %sub3A_74 = vector.broadcast %broadcast_in_dim3A_73 : vector<128x1xf32> to vector<128x32xf32>
    %sub3A_75 = arith.subf %select_n3A_71, %sub3A_74 : vector<128x32xf32>
    %exp3A = math.exp %sub3A_75 : vector<128x32xf32>
    %reduce_sum3A = arith.constant dense<0.000000e+00> : vector<128xf32>
    %reduce_sum3A_76 = vector.multi_reduction <add>, %exp3A, %reduce_sum3A [1] : vector<128x32xf32> to vector<128xf32>
    %broadcast_in_dim3A_77 = vector.shape_cast %reduce_sum3A_76 : vector<128xf32> to vector<128x1xf32>
    %div3A_78 = vector.broadcast %broadcast_in_dim3A_77 : vector<128x1xf32> to vector<128x32xf32>
    %div3A_79 = arith.divf %exp3A, %div3A_78 : vector<128x32xf32>
    %convert_element_type3A = arith.sitofp %add3A_57 : vector<128x32xi32> to vector<128x32xf32>
    %mul3A_80 = arith.mulf %div3A_79, %convert_element_type3A : vector<128x32xf32>
    %reduce_sum3A_81 = arith.constant dense<0.000000e+00> : vector<128xf32>
    %reduce_sum3A_82 = vector.multi_reduction <add>, %mul3A_80, %reduce_sum3A_81 [1] : vector<128x32xf32> to vector<128xf32>
    %broadcast_in_dim3A_83 = vector.shape_cast %reduce_sum3A_82 : vector<128xf32> to vector<128x1xf32>
    %convert_element_type3A_84 = arith.sitofp %add3A_59 : vector<128x32xi32> to vector<128x32xf32>
    %mul3A_85 = arith.mulf %div3A_79, %convert_element_type3A_84 : vector<128x32xf32>
    %reduce_sum3A_86 = arith.constant dense<0.000000e+00> : vector<128xf32>
    %reduce_sum3A_87 = vector.multi_reduction <add>, %mul3A_85, %reduce_sum3A_86 [1] : vector<128x32xf32> to vector<128xf32>
    %broadcast_in_dim3A_88 = vector.shape_cast %reduce_sum3A_87 : vector<128xf32> to vector<128x1xf32>
    %concatenate3A = tpu.concatenate %broadcast_in_dim3A_83, %broadcast_in_dim3A_88 in 1 : vector<128x1xf32>, vector<128x1xf32> -> vector<128x2xf32>
    %convert_element_type3A_89 = arith.sitofp %mul3A_6 : vector<128x2xi32> to vector<128x2xf32>
    %sub3A_90 = arith.subf %concatenate3A, %convert_element_type3A_89 : vector<128x2xf32>
    %swap3A = arith.constant 0 : index
    %swap3A_91 = arith.constant 0 : index
    %swap3A_92 = vector.load %arg6[%swap3A, %swap3A_91] : memref<128x2xf32, #tpu.memory_space<vmem>>, vector<128x2xf32>
    tpu.vector_store %arg6[%swap3A, %swap3A_91], %sub3A_90 {strides = array<i32>} : memref<128x2xf32, #tpu.memory_space<vmem>>, vector<128x2xf32>,
    %get3A_93 = arith.constant 0 : index
    %get3A_94 = arith.constant 0 : index
    %get3A_95 = vector.load %arg2[%get3A_93, %get3A_94] : memref<128x2xi32, #tpu.memory_space<vmem>>, vector<128x2xi32>
    %convert_element_type3A_96 = arith.sitofp %get3A_95 : vector<128x2xi32> to vector<128x2xf32>
    %mul3A_97 = arith.constant 8.000000e+00 : f32
    %mul3A_98 = vector.broadcast %mul3A_97 : f32 to vector<128x2xf32>
    %mul3A_99 = arith.mulf %convert_element_type3A_96, %mul3A_98 : vector<128x2xf32>
    %swap3A_100 = arith.constant 0 : index
    %swap3A_101 = arith.constant 0 : index
    %swap3A_102 = vector.load %arg4[%swap3A_100, %swap3A_101] : memref<128x2xf32, #tpu.memory_space<vmem>>, vector<128x2xf32>
    tpu.vector_store %arg4[%swap3A_100, %swap3A_101], %mul3A_99 {strides = array<i32>} : memref<128x2xf32, #tpu.memory_space<vmem>>, vector<128x2xf32>,
    %convert_element_type3A_103 = arith.sitofp %get3A_4 : vector<128x2xi32> to vector<128x2xf32>
    %mul3A_104 = arith.constant 8.000000e+00 : f32
    %mul3A_105 = vector.broadcast %mul3A_104 : f32 to vector<128x2xf32>
    %mul3A_106 = arith.mulf %convert_element_type3A_103, %mul3A_105 : vector<128x2xf32>
    %mul3A_107 = arith.constant 2.000000e+00 : f32
    %mul3A_108 = vector.broadcast %mul3A_107 : f32 to vector<128x2xf32>
    %mul3A_109 = arith.mulf %sub3A_90, %mul3A_108 : vector<128x2xf32>
    %add3A_110 = arith.addf %mul3A_106, %mul3A_109 : vector<128x2xf32>
    %swap3A_111 = arith.constant 0 : index
    %swap3A_112 = arith.constant 0 : index
    %swap3A_113 = vector.load %arg5[%swap3A_111, %swap3A_112] : memref<128x2xf32, #tpu.memory_space<vmem>>, vector<128x2xf32>
    tpu.vector_store %arg5[%swap3A_111, %swap3A_112], %add3A_110 {strides = array<i32>} : memref<128x2xf32, #tpu.memory_space<vmem>>, vector<128x2xf32>,
    return
  }
  func.func @transform_0(%arg0: i32) -> (i32, i32) {
    %c0_i32 = arith.constant 0 : i32
    %c0_i32_0 = arith.constant 0 : i32
    return %arg0, %c0_i32 : i32, i32
  }
  func.func @transform_1(%arg0: i32) -> (i32, i32) {
    %c0_i32 = arith.constant 0 : i32
    %c0_i32_0 = arith.constant 0 : i32
    return %arg0, %c0_i32 : i32, i32
  }
  func.func @transform_2(%arg0: i32) -> (i32, i32) {
    %c0_i32 = arith.constant 0 : i32
    %c0_i32_0 = arith.constant 0 : i32
    return %arg0, %c0_i32 : i32, i32
  }
  func.func @transform_3(%arg0: i32) -> (i32, i32) {
    %c0_i32 = arith.constant 0 : i32
    %c0_i32_0 = arith.constant 0 : i32
    return %arg0, %c0_i32 : i32, i32
  }
  func.func @transform_4(%arg0: i32) -> (i32, i32) {
    %c0_i32 = arith.constant 0 : i32
    %c0_i32_0 = arith.constant 0 : i32
    return %arg0, %c0_i32 : i32, i32
  }
  func.func @transform_5(%arg0: i32) -> (i32, i32) {
    %c0_i32 = arith.constant 0 : i32
    %c0_i32_0 = arith.constant 0 : i32
    return %arg0, %c0_i32 : i32, i32
  }
}

</mosaic_0001>

<sc_bundles>
// kernel: kernel.5.cloned.1.call-start
scs
__scs_entry_jumppad:
0x0: {  	(pc) =	sbr.rel $0x88, $3  }
0x1: {  	(tag) =	ssettag $0x0;
	lr =	simm.s32 $0x1  }
0x2: {  	[smem:$0x3F9B] =	sst lr;
	_ =	strace $0xD0000000  }
0x3: {  	_ = 	snop  }
0x4: {  	_ = 	snop  }
0x5: {  	_ = 	snop  }
0x6: {  	_ = 	snop  }
0x7: {  	_ = 	snop  }
__scs_overlays_trampoline_lowered:
0x8: {  	[smem:$0x3FAA] =	sst s0  }
0x9: {  	[smem:$0x3FAB] =	sst s1  }
0xa: {  	[smem:$0x3FAC] =	sst s2  }
0xb: {  	[smem:$0x3FAD] =	sst s3  }
0xc: {  	[smem:$0x3FAE] =	sst s4  }
0xd: {  	[smem:$0x3FAF] =	sst s5  }
0xe: {  	[smem:$0x3FB0] =	sst s6  }
0xf: {  	[smem:$0x3FB1] =	sst s7  }
0x10: {  	[smem:$0x3FB2] =	sst s8  }
0x11: {  	[smem:$0x3FB3] =	sst s9;
	s0 =	simm.s32 @!p0 $0x0  }
0x12: {  	s1 =	sld [smem:$0x3F99];
	s0 =	simm.s32 @p0 $0x1  }
0x13: {  	[smem:$0x3FB4] =	sst s0;
	s0 =	simm.s32 @!p1 $0x0  }
0x14: {  	s2 =	sld [smem:$0x3F98];
	s0 =	simm.s32 @p1 $0x1  }
0x15: {  	[smem:$0x3FB5] =	sst s0;
	s0 =	simm.s32 @!p2 $0x0  }
0x16: {  	s3 =	sld [smem:$0x3FDB];
	s0 =	simm.s32 @p2 $0x1  }
0x17: {  	s4 =	simm.s32 $0x1BF5;
	[smem:$0x3FB7] =	sst s0  }
0x18: {  	s0 =	sld [smem:$0x3F9A];
	_ =	swait.ge [sflag:s4], $0x0  }
0x19: {  	s7 =	sld [smem:$0x3F9B]  }
0x1a: {  	s8 =	sadd.s32 $0xFFFFE003, lr  }
0x1b: {  	s9 =	sadd.s32 $0xFFFFFEF7, lr;
	s5 =	simm.s32 $0xFFFFFFFF;
	p2 =	slt.u32 s8, $0xFFFFF086  }
0x1c: {  	p1 =	slt.u32 s9, $0xF7A;
	s5 =	simm.s32 @!p2 $0x0  }
0x1d: {  	s5 =	simm.s32 @p1 $0x1;
	p0 =	seq.s32 s7, s2  }
0x1e: {  	s7 =	smul.u32 @!p0 $0xF7A, s2;
	p2 =	seq.s32 @!p0 s5, $0x0  }
0x1f: {  	s9 =	smul.u32 $0xF7A, s1;
	s8 =	simm.s32 @!p0 $0x1BF5;
	p2 =	por !p2, p0  }
0x20: {  	[sflag:s8] =	ssyncset.s32 @!p0 $0xFFFFF086;
	s6 =	sadd.s32 @!p0 s3, s7;
	s7 =	simm.s32 @!p0 $0x108  }
0x21: {  	s3 =	sadd.s32 s3, s9;
	s6 =	sadd.s32 @!p0 $0x88, s6;
	s7 =	simm.s32 @p2 $0x1082  }
0x22: {  	[simem:s7], [sflag:s8] =	dma.local @!p0 [hbm:s6], $0xF7A  }
0x23: {  	s9 =	sor.u32 $0xD0000000, s2;
	s6 =	simm.s32 $0x108;
	_ =	swait.ge @!p0 [sflag:s8], $0x0  }
0x24: {  	s3 =	sadd.s32 $0x88, s3;
	s6 =	simm.s32 @!p1 $0x1082;
	[sflag:s4] =	ssyncset.s32 $0xFFFFF086  }
0x25: {  	[simem:s6], [sflag:s4] =	dma.local [hbm:s3], $0xF7A  }
0x26: {  	[smem:$0x3F9B] =	sst s1;
	(tag) =	ssettag s2;
	_ =	strace s9  }
0x27: {  	s1 =	sld [smem:$0x3FAB]  }
0x28: {  	s2 =	sld [smem:$0x3FAC]  }
0x29: {  	s4 =	sld [smem:$0x3FAE]  }
0x2a: {  	p0 =	seq.s32 s5, $0x0;
	s5 =	sld [smem:$0x3FAF]  }
0x2b: {  	s6 =	sld [smem:$0x3FB0]  }
0x2c: {  	s7 =	sld [smem:$0x3FB1]  }
0x2d: {  	s3 =	simm.s32 $0x108;
	s8 =	sld [smem:$0x3FB2]  }
0x2e: {  	s3 =	simm.s32 @!p0 $0x1082;
	s9 =	sld [smem:$0x3FB3]  }
0x2f: {  	lr =	sadd.s32 s0, s3;
	s0 =	sld [smem:$0x3FAA]  }
0x30: {  	s3 =	sld [smem:$0x3FAD]  }
0x31: {  	[smem:$0x3FB6] =	sst s10  }
0x32: {  	s10 =	sld [smem:$0x3FB4];
	_ =	sdelay $0x3  }
0x33: {  	p0 =	seq.s32 s10, $0x1;
	s10 =	sld [smem:$0x3FB6];
	_ =	sdelay $0x3  }
0x34: {  	[smem:$0x3FB6] =	sst s10  }
0x35: {  	s10 =	sld [smem:$0x3FB5];
	_ =	sdelay $0x3  }
0x36: {  	p1 =	seq.s32 s10, $0x1;
	s10 =	sld [smem:$0x3FB6];
	_ =	sdelay $0x3  }
0x37: {  	[smem:$0x3FB6] =	sst s10  }
0x38: {  	s10 =	sld [smem:$0x3FB7]  }
0x39: {  	_ = 	snop;
	(pc) =	sbr.ind lr, $3  }
0x3a: {  	_ = 	snop  }
0x3b: {  	_ = 	snop  }
0x3c: {  	p2 =	seq.s32 s10, $0x1;
	s10 =	sld [smem:$0x3FB6]  }
0x3d: {  	_ =	shalt  }
0x3e: {  	_ =	shalt  }
0x3f: {  	_ =	shalt  }
0x40: {  	_ =	shalt  }
0x41: {  	_ =	shalt  }
0x42: {  	_ =	shalt  }
0x43: {  	_ =	shalt  }
0x44: {  	_ =	shalt  }
0x45: {  	_ =	shalt  }
0x46: {  	_ =	shalt  }
0x47: {  	_ =	shalt  }
0x48: {  	_ =	shalt  }
0x49: {  	_ =	shalt  }
0x4a: {  	_ =	shalt  }
0x4b: {  	_ =	shalt  }
0x4c: {  	_ =	shalt  }
0x4d: {  	_ =	shalt  }
0x4e: {  	_ =	shalt  }
0x4f: {  	_ =	shalt  }
0x50: {  	_ =	shalt  }
0x51: {  	_ =	shalt  }
0x52: {  	_ =	shalt  }
0x53: {  	_ =	shalt  }
0x54: {  	_ =	shalt  }
0x55: {  	_ =	shalt  }
0x56: {  	_ =	shalt  }
0x57: {  	_ =	shalt  }
0x58: {  	_ =	shalt  }
0x59: {  	_ =	shalt  }
0x5a: {  	_ =	shalt  }
0x5b: {  	_ =	shalt  }
0x5c: {  	_ =	shalt  }
0x5d: {  	_ =	shalt  }
0x5e: {  	_ =	shalt  }
0x5f: {  	_ =	shalt  }
0x60: {  	_ =	shalt  }
0x61: {  	_ =	shalt  }
0x62: {  	_ =	shalt  }
0x63: {  	_ =	shalt  }
0x64: {  	_ =	shalt  }
0x65: {  	_ =	shalt  }
0x66: {  	_ =	shalt  }
0x67: {  	_ =	shalt  }
0x68: {  	_ =	shalt  }
0x69: {  	_ =	shalt  }
0x6a: {  	_ =	shalt  }
0x6b: {  	_ =	shalt  }
0x6c: {  	_ =	shalt  }
0x6d: {  	_ =	shalt  }
0x6e: {  	_ =	shalt  }
0x6f: {  	_ =	shalt  }
0x70: {  	_ =	shalt  }
0x71: {  	_ =	shalt  }
0x72: {  	_ =	shalt  }
0x73: {  	_ =	shalt  }
0x74: {  	_ =	shalt  }
0x75: {  	_ =	shalt  }
0x76: {  	_ =	shalt  }
0x77: {  	_ =	shalt  }
0x78: {  	_ =	shalt  }
0x79: {  	_ =	shalt  }
0x7a: {  	_ =	shalt  }
0x7b: {  	_ =	shalt  }
0x7c: {  	_ =	shalt  }
0x7d: {  	_ =	shalt  }
0x7e: {  	_ =	shalt  }
0x7f: {  	_ =	shalt  }
0x80: {  	_ =	shalt  }
0x81: {  	_ =	shalt  }
0x82: {  	_ =	shalt  }
0x83: {  	_ =	shalt  }
0x84: {  	_ =	shalt  }
0x85: {  	_ =	shalt  }
0x86: {  	_ =	shalt  }
0x87: {  	_ =	shalt  }
.Lfunc_end0:
.L_simem_size_0:
called_computation_lowered:
.L_overlay_start_0:
0x88: {  	s2 =	sld [smem:$0x3FD9]  }
0x89: {  	s3 =	sld [smem:$0x3FFE];
	_ =	sdelay $0x1  }
0x8a: {  	s1 =	srdreg.scid  }
0x8b: {  	s0 =	sand.u32 $0x1, s1  }
0x8c: {  	s14 =	sshll.u32 s0, $0xA;
	s2 =	sadd.s32 s3, s2  }
0x8d: {  	s2 =	sadd.s32 s2, s14  }
0x8e: {  	[smem:$0x3FC2] =	sst s2  }
0x8f: {  	_ = 	snop  }
0x90: {  	s2 =	sld [smem:$0x3FD0];
	_ =	sdelay $0x2  }
0x91: {  	s15 =	simm.s32 $0xA;
	s4 =	simm.s32 $0x10  }
0x92: {  	[smem:s4], [sflag:s15] =	dma.local [hbm:s2], $0x1  }
0x93: {  	_ =	swait.eq [sflag:s15], $0x1  }
0x94: {  	[sflag:s15] =	ssyncset.done $0x0  }
0x95: {  	[sflag:s15] =	ssyncadd.s32 $0xFFFFFFFF  }
0x96: {  	s16 =	sld [smem:$0x12];
	(tm) =	ssettm $0x1  }
0x97: {  	s17 =	sld [smem:$0x3FFB];
	_ =	sdelay $0x3  }
0x98: {  	_ =	strace s17  }
0x99: {  	s3 =	sld [smem:$0x3FFC];
	_ =	sdelay $0x3  }
0x9a: {  	_ =	strace s3  }
0x9b: {  	s3 =	sld [smem:$0x3FFD];
	_ =	sdelay $0x3  }
0x9c: {  	_ =	strace s3  }
0x9d: {  	_ =	strace $0x8FFFFFFF  }
0x9e: {  	s18 =	sld [smem:$0x3FDB];
	_ =	sdelay $0x1  }
0x9f: {  	s19 =	simm.s32 $_scs_section_size  }
0xa0: {  	s5 =	simm.s32 $_size__tile_overlayer_lowered;
	s6 =	simm.s32 $_tile_overlayer_lowered  }
0xa1: {  	s22 =	simm.s32 $0x1BFF;
	s21 =	sshll.u32 s6, $0x1;
	s3 =	sadd.s32 s19, s18  }
0xa2: {  	s7 =	simm.s32 $0x0;
	s20 =	sshll.u32 s5, $0x1;
	s5 =	sadd.s32 s21, s3  }
0xa3: {  	[timem:s7], [sflag:s22] =	dma.local [hbm:s5], s20  }
0xa4: {  	_ =	swait.ge [sflag:s22], s20  }
0xa5: {  	s4 =	ssub.s32 $0x0, s20;
	[sflag:s22] =	ssyncset.done $0x0  }
0xa6: {  	[sflag:s22] =	ssyncadd.s32 s4;
	_ =	sdelay $0x1  }
0xa7: {  	s23 =	simm.s32 $0x1B8B  }
0xa8: {  	_ =	swait.ge [sflag:s23], $0x1  }
0xa9: {  	[sflag:s23] =	ssyncset.done $0x0  }
0xaa: {  	s25 =	simm.s32 $0x1B8E;
	s24 =	sld [smem:$0x3FFE];
	[sflag:s23] =	ssyncadd.s32 $0xFFFFFFFF  }
0xab: {  	s26 =	simm.s32 $execute0_lowered;
	[smem:$0x3FD2] =	sst s25  }
0xac: {  	s5 =	sshll.u32 s26, $0x1;
	_ =	strace $0x80000046;
	[dreg:$0x1] =	wrdreg $0xFFFFFFFF  }
0xad: {  	s28 =	simm.s32 $_size_execute0_lowered;
	s3 =	sadd.s32 s3, s5;
	[dreg:$0x0] =	wrdreg $0x0  }
0xae: {  	s5 =	sshll.u32 s28, $0x1;
	[dreg:$0x2] =	wrdreg s3  }
0xaf: {  	[dreg:$0x3] =	wrdreg s5  }
0xb0: {  	[dreg:$0x4] =	wrdreg $0xC0  }
0xb1: {  	_ =	task [dreg:s7], $0x5FFFF  }
0xb2: {  	[dreg:$0x1] =	wrdreg $0xFFFFFFFF  }
0xb3: {  	[dreg:$0x0] =	wrdreg $0x60  }
0xb4: {  	[dreg:$0x2] =	wrdreg s24  }
0xb5: {  	[dreg:$0x3] =	wrdreg s16  }
0xb6: {  	[dreg:$0x4] =	wrdreg $0x9  }
0xb7: {  	_ =	task.clear_ibuf [dreg:s7], $0x5FFFF;
	_ =	strace $0x90000046  }
0xb8: {  	s29 =	simm.s32 $0x9;
	_ =	strace $0x80000048  }
0xb9: {  	_ =	swait.ge [sflag:s29], $0x1  }
0xba: {  	[sflag:s29] =	ssyncadd.s32 $0xFFFFFFFF  }
0xbb: {  	_ =	strace $0x90000048  }
0xbc: {  	_ =	sfence  }
0xbd: {  	s30 =	sld [smem:$0x0];
	_ =	sdelay $0x2  }
0xbe: {  	s31 =	sshll.u32 s1, $0xD;
	s1 =	sshrl.u32 s1, $0x2  }
0xbf: {  	s3 =	sand.u32 $0x4000, s31;
	s1 =	sadd.s32 s1, s30  }
0xc0: {  	s0 =	sor.u32 s3, s0;
	s1 =	sshll.u32 s1, $0x11  }
0xc1: {  	s0 =	sor.u32 s1, s0  }
0xc2: {  	s0 =	sadd.s32 $0x8F2B, s0  }
0xc3: {  	[sflag:s0] =	ssyncadd.remote.s32 $0x1  }
0xc4: {  	_ =	sfence.sel $0xFFFF  }
0xc5: {  	[dreg:$0x0] =	wrdreg $0xFFFFFFFF;
	(pc) =	sbr.abs _section_cstart, $3  }
0xc6: {  	[dreg:$0x1] =	wrdreg $0xFFFFFFFF  }
0xc7: {  	_ =	task.clear_ibuf [dreg:s7], $0x2FFFF;
	_ =	strace $0x9FFFFFFF  }
0xc8: {  	(tm) =	ssettm $0x7FFFFFFF  }
0xc9: {  	_ =	shalt  }
tec
execute0_lowered:
.L_overlay_start_1:
0x0: {  	(tag) =	ssettag $0x1  }
0x1: {  	v0 =	vimm.s32 $0x76543210;
	v1 =	vimm.s32 $0xFEDCBA98  }
0x2: {  	v2 =	vimm.s32 $0x3210FEDC;
	v3 =	vimm.s32 $0xBA987654;
	v4 =	vimm.s32 $0x10FEDCBA  }
0x3: {  	v5 =	vimm.s32 $0x98765432;
	v6 =	vimm.s32 $0xFEDCBA9;
	v7 =	vimm.s32 $0x87654321  }
0x4: {  	vm0 =	vmmov $0x1;
	vm1 =	vmmov $0x3;
	vm2 =	vmmov $0x7  }
0x5: {  	s5 =	rddreg [dreg:$0x0];
	s1 =	srdreg.scid;
	vm3 =	vmmov $0xf;
	vm4 =	vmmov $0x1f;
	vm5 =	vmmov $0x3f  }
0x6: {  	s0 =	stileid.u32;
	s6 =	rddreg [dreg:$0x1];
	s2 =	simm.s32 $0x0;
	vm6 =	vmmov $0x7f;
	vm7 =	vmmov $0xff;
	vm8 =	vmmov $0x1ff  }
0x7: {  	vm9 =	vmmov $0x3ff;
	vm10 =	vmmov $0x7ff;
	vm11 =	vmmov $0xfff;
	s12 =	simm.s32 $0x1;
	s13 =	simm.s32 $0x68;
	s14 =	simm.s32 $0x4D00  }
0x8: {  	s15 =	simm.s32 $0x60;
	s16 =	simm.s32 $0x8100;
	s17 =	simm.s32 $0xB100;
	v0 =	vunpack.c.l.s4.s8 v0;
	v1 =	vunpack.c.l.s4.s8 v1;
	v2 =	vunpack.c.l.s4.s8 v2  }
0x9: {  	s18 =	simm.s32 $0x0;
	v3 =	vunpack.c.l.s4.s8 v3;
	v4 =	vunpack.c.l.s4.s8 v4;
	v5 =	vunpack.c.l.s4.s8 v5;
	s7 =	sand.u32 $0x1, s1;
	s1 =	rddreg [dreg:$0x2]  }
0xa: {  	v6 =	vunpack.c.l.s4.s8 v6;
	v7 =	vunpack.c.l.s4.s8 v7;
	s3 =	sshll.u32 s0, $0x1;
	[smem:$0x7FF] =	sst s2;
	s4 =	sadd.s32 $0x4C00, s5;
	v2 =	vunpack.c.0.s8.s32 v2  }
0xb: {  	s8 =	sor.u32 s7, s3;
	_ =	strace $0x80000047;
	s3 =	sadd.s32 $0x404C00, s5;
	v3 =	vunpack.c.0.s8.s32 v3;
	v4 =	vunpack.c.0.s8.s32 v4;
	v5 =	vunpack.c.0.s8.s32 v5  }
0xc: {  	s7 =	ssub.s32 $0x2, s7;
	v1 =	vunpack.c.0.s8.s32 v1;
	v6 =	vunpack.c.0.s8.s32 v6;
	v7 =	vunpack.c.0.s8.s32 v7;
	s9 =	smul.u32 $0x190, s8;
	s10 =	sshll.u32 s8, $0xB  }
0xd: {  	vm12 =	vmmov $0x1fff;
	v0 =	vunpack.c.0.s8.s32 v0;
	s31 =	sshrl.u32 s7, $0x1;
	s8 =	sshll.u32 s8, $0x4;
	s10 =	sadd.s32 s10, s5;
	v2 =	vcombine.low v3, v2  }
0xe: {  	s11 =	ssub.s32 s7, s31;
	v3 =	vcombine.low v5, v4;
	v4 =	vcombine.low v7, v6;
	v1 =	vand.u32 $0xF, v1;
	s9 =	sadd.s32 s9, s5;
	s5 =	sadd.s32 s6, s8  }
0xf: {  	vm13 =	vmmov $0x3fff;
	vm14 =	vmmov $0x7fff;
	s7 =	sadd.s32 $0x444C00, s10;
	s8 =	smax.u32 s11, $0x1;
	s10 =	simm.s32 $0x80;
	v0 =	vcombine.low v1, v0  }
0x10: {  	s11 =	simm.s32 $0xD00;
	s6 =	sadd.s32 $0x1A00, s9;
	s9 =	simm.s32 $0x2;
	v1 =	vand.u32 $0xF, v2;
	v2 =	vand.u32 $0xF, v3;
	v3 =	vand.u32 $0xF, v4  }
.LBB2_1:
0x11: {  	[tilespmem:s2], [sflag:$0x2] =	stream.linear.gather [hbm4b:s5+s2], $0x80, $0x38;
	[tilespmem:$0xF100] =	vst v63  }
0x12: {  	_ =	swait.ge [sflag:s9], $0x80  }
0x13: {  	[sflag:s9] =	ssyncset.done $0x0  }
0x14: {  	[sflag:s9] =	ssyncadd.s32 $0xFFFFFF80  }
0x15: {  	[tilespmem:s11], [sflag:$0x1] =	stream.indirect.gather [hbm4b:s3+s10], $0x80, s2, s10, $0xb8;
	[tilespmem:$0xF100] =	vst v63  }
0x16: {  	_ =	swait.ge [sflag:s12], $0x4000  }
0x17: {  	[sflag:s12] =	ssyncset.done $0x0  }
0x18: {  	[sflag:s12] =	ssyncadd.s32 $0xFFFFC000  }
0x19: {  	[tilespmem:s10], [sflag:$0x2] =	stream.linear.gather [hbm4b:s6+s2], $0xC80, $0x38;
	[tilespmem:$0xF100] =	vst v63  }
0x1a: {  	_ =	swait.ge [sflag:s9], $0xC80  }
0x1b: {  	[sflag:s9] =	ssyncset.done $0x0  }
0x1c: {  	s19 =	simm.s32 $0x0;
	[sflag:s9] =	ssyncadd.s32 $0xFFFFF380  }
.LBB2_2:
0x1d: {  	s20 =	smul.u32 $0x320, s19;
	_ =	sdelay $0x1  }
0x1e: {  	s20 =	sshra.s32 s20, $0x2  }
0x1f: {  	s21 =	sadd.s32 $0x80, s20  }
0x20: {  	[tilespmem:s14], [sflag:$0x1] =	stream.indirect.gather [hbm4b:s4+s13], $0x80, s21, s13, $0xb8;
	[tilespmem:$0xF100] =	vst v63  }
0x21: {  	s20 =	sadd.s32 $0xE8, s20  }
0x22: {  	[tilespmem:s16], [sflag:$0x1] =	stream.indirect.gather [hbm4b:s4+s15], $0x80, s20, s15, $0xb8;
	[tilespmem:$0xF100] =	vst v63  }
0x23: {  	_ =	swait.ge [sflag:s12], $0x3400  }
0x24: {  	s31 =	sshll.u32 s19, $0xA;
	[sflag:s12] =	ssyncset.done $0x0  }
0x25: {  	v4 =	vmov s31;
	[sflag:s12] =	ssyncadd.s32 $0xFFFFCC00  }
0x26: {  	_ =	swait.ge [sflag:s12], $0x3000  }
0x27: {  	[sflag:s12] =	ssyncset.done $0x0  }
0x28: {  	s20 =	simm.s32 $0x0;
	[sflag:s12] =	ssyncadd.s32 $0xFFFFD000  }
.LBB2_3:
0x29: {  	s21 =	sshll.u32 s20, $0x7  }
0x2a: {  	v12 =	vld.idx.msk [tilespmem:v4+s21+$0xD00 ss:$0x1], $0xffff  }
0x2b: {  	v11 =	vld.idx.msk [tilespmem:v4+s21+$0xD10 ss:$0x1], $0xffff  }
0x2c: {  	v10 =	vld.idx.msk [tilespmem:v4+s21+$0xD20 ss:$0x1], $0xffff  }
0x2d: {  	v9 =	vld.idx.msk [tilespmem:v4+s21+$0xD30 ss:$0x1], $0xffff  }
0x2e: {  	v8 =	vld.idx.msk [tilespmem:v4+s21+$0xD40 ss:$0x1], $0xffff  }
0x2f: {  	s22 =	smul.u32 $0x3200, s20;
	v7 =	vld.idx.msk [tilespmem:v4+s21+$0xD50 ss:$0x1], $0xffff  }
0x30: {  	v6 =	vld.idx.msk [tilespmem:v4+s21+$0xD60 ss:$0x1], $0xffff  }
0x31: {  	v5 =	vld.idx.msk [tilespmem:v4+s21+$0xD70 ss:$0x1], $0xffff;
	s22 =	sshra.s32 s22, $0x2  }
0x32: {  	v13 =	vld [tilespmem:s22+$0x4D00]  }
0x33: {  	v14 =	vld [tilespmem:s22+$0x4D10]  }
0x34: {  	v15 =	vld [tilespmem:s22+$0x4D20]  }
0x35: {  	v16 =	vld [tilespmem:s22+$0x4D30]  }
0x36: {  	v17 =	vld [tilespmem:s22+$0x4D40]  }
0x37: {  	v18 =	vld [tilespmem:s22+$0x4D50]  }
0x38: {  	v19 =	vld [tilespmem:s22+$0x4D60]  }
0x39: {  	v20 =	vld [tilespmem:s22+$0x4D70]  }
0x3a: {  	v21 =	vld [tilespmem:s22+$0x4D80]  }
0x3b: {  	v22 =	vld [tilespmem:s22+$0x4D90]  }
0x3c: {  	v23 =	vld [tilespmem:s22+$0x4DA0]  }
0x3d: {  	v24 =	vld [tilespmem:s22+$0x4DB0]  }
0x3e: {  	v25 =	vld [tilespmem:s22+$0x4DC0]  }
0x3f: {  	v26 =	vld [tilespmem:s22+$0x4DD0]  }
0x40: {  	v27 =	vld [tilespmem:s22+$0x4DE0]  }
0x41: {  	v28 =	vld [tilespmem:s22+$0x4DF0]  }
0x42: {  	v29 =	vld [tilespmem:s22+$0x4E00]  }
0x43: {  	v30 =	vld [tilespmem:s22+$0x4E10]  }
0x44: {  	v50 =	vld [tilespmem:s22+$0x4E20]  }
0x45: {  	v31 =	vld [tilespmem:s22+$0x4E30]  }
0x46: {  	v52 =	vld [tilespmem:s22+$0x4E40]  }
0x47: {  	v32 =	vld [tilespmem:s22+$0x4E50];
	v13 =	vmul.f32 v13, v12;
	v14 =	vmul.f32 v14, v11  }
0x48: {  	v54 =	vld [tilespmem:s22+$0x4E60];
	v49 =	vmul.f32 v15, v10;
	v51 =	vmul.f32 v16, v9  }
0x49: {  	v56 =	vld [tilespmem:s22+$0x4E70];
	v21 =	vmul.f32 v21, v12;
	v22 =	vmul.f32 v22, v11  }
0x4a: {  	v58 =	vld [tilespmem:s22+$0x4E80];
	v53 =	vmul.f32 v17, v8;
	v55 =	vmul.f32 v23, v10  }
0x4b: {  	v60 =	vld [tilespmem:s22+$0x4E90];
	v57 =	vmul.f32 v18, v7;
	v59 =	vmul.f32 v24, v9  }
0x4c: {  	v61 =	vld [tilespmem:s22+$0x4EA0];
	v19 =	vmul.f32 v19, v6;
	v62 =	vmul.f32 v25, v8  }
0x4d: {  	v33 =	vld [tilespmem:s22+$0x4EC0];
	v29 =	vmul.f32 v29, v12;
	v30 =	vmul.f32 v30, v11  }
0x4e: {  	v37 =	vld [tilespmem:s22+$0x4ED0];
	v36 =	vmul.f32 v26, v7;
	v42 =	vmul.f32 v27, v6  }
0x4f: {  	v63 =	vld [tilespmem:s22+$0x4EB0];
	v15 =	vmul.f32 v50, v10;
	v18 =	vmul.f32 v58, v12  }
0x50: {  	v44 =	vld [tilespmem:s22+$0x4EE0];
	v45 =	vmul.f32 v60, v11;
	v20 =	vmul.f32 v20, v5  }
0x51: {  	v46 =	vld [tilespmem:s22+$0x4EF0];
	v47 =	vmul.f32 v31, v9;
	v60 =	vmul.f32 v28, v5  }
0x52: {  	v48 =	vld [tilespmem:s22+$0x4F00];
	v16 =	vmul.f32 v52, v8;
	v38 =	vmul.f32 v32, v7  }
0x53: {  	v40 =	vmul.f32 v33, v8;
	v17 =	vld [tilespmem:s22+$0x4F60];
	v52 =	vmul.f32 v37, v7;
	v13 =	vadd.f32 v14, v13  }
0x54: {  	v41 =	vld [tilespmem:s22+$0x4F50];
	v23 =	vmul.f32 v56, v5;
	v21 =	vadd.f32 v22, v21;
	v43 =	vadd.f32 v30, v29  }
0x55: {  	v18 =	vadd.f32 v45, v18;
	v14 =	vmul.f32 v61, v10;
	v61 =	vld [tilespmem:s22+$0x4F20];
	v13 =	vadd.f32 v49, v13  }
0x56: {  	v58 =	vmul.f32 v46, v5;
	v21 =	vadd.f32 v55, v21;
	v15 =	vadd.f32 v15, v43;
	v49 =	vld [tilespmem:s22+$0x4F10]  }
0x57: {  	v30 =	vmul.f32 v48, v12;
	v14 =	vadd.f32 v14, v18;
	v55 =	vld [tilespmem:s22+$0x4F90];
	v13 =	vadd.f32 v51, v13  }
0x58: {  	v22 =	vld [tilespmem:s22+$0x4F70];
	v17 =	vmul.f32 v17, v6;
	v21 =	vadd.f32 v59, v21;
	v15 =	vadd.f32 v47, v15  }
0x59: {  	v51 =	vmul.f32 v54, v6;
	v54 =	vmul.f32 v44, v6;
	v44 =	vld [tilespmem:s22+$0x4FD0];
	v13 =	vadd.f32 v53, v13  }
0x5a: {  	v35 =	vadd.f32 v62, v21;
	v62 =	vmul.f32 v63, v9;
	v63 =	vld [tilespmem:s22+$0x4F30];
	v15 =	vadd.f32 v16, v15  }
0x5b: {  	v27 =	vmul.f32 v61, v10;
	v53 =	vld [tilespmem:s22+$0x4F80];
	v21 =	vmul.f32 v49, v11;
	v13 =	vadd.f32 v57, v13  }
0x5c: {  	v26 =	vmul.f32 v55, v11;
	v55 =	vld [tilespmem:s22+$0x50A0];
	v14 =	vadd.f32 v62, v14;
	v15 =	vadd.f32 v38, v15  }
0x5d: {  	v22 =	vmul.f32 v22, v5;
	v57 =	vld [tilespmem:s22+$0x4FA0];
	v21 =	vadd.f32 v21, v30;
	v13 =	vadd.f32 v19, v13  }
0x5e: {  	v18 =	vmul.f32 v44, v7;
	v19 =	vadd.f32 v36, v35;
	v14 =	vadd.f32 v40, v14;
	v36 =	vld [tilespmem:s22+$0x5000]  }
0x5f: {  	v15 =	vadd.f32 v51, v15;
	v51 =	vmul.f32 v41, v7;
	v21 =	vadd.f32 v27, v21;
	v27 =	vld [tilespmem:s22+$0x52F0]  }
0x60: {  	v16 =	vmul.f32 v53, v12;
	v19 =	vadd.f32 v42, v19;
	v13 =	vadd.f32 v20, v13;
	v42 =	vld [tilespmem:s22+$0x4FC0]  }
0x61: {  	v14 =	vadd.f32 v52, v14;
	v15 =	vadd.f32 v23, v15;
	v20 =	vmul.f32 v63, v9;
	v52 =	vld [tilespmem:s22+$0x5080]  }
0x62: {  	v23 =	vld [tilespmem:s22+$0x5170];
	v16 =	vadd.f32 v26, v16;
	v53 =	vmul.f32 v57, v10;
	v19 =	vadd.f32 v60, v19  }
0x63: {  	v25 =	vld [tilespmem:s22+$0x4F40];
	v39 =	vperm.xlane v13, v0;
	v14 =	vadd.f32 v54, v14;
	v43 =	vperm.xlane v15, v0  }
0x64: {  	v57 =	vld [tilespmem:s22+$0x50B0];
	v20 =	vadd.f32 v20, v21;
	v21 =	vmul.f32 v55, v10;
	v50 =	vperm.xlane v19, v0  }
0x65: {  	v54 =	vld [tilespmem:s22+$0x5090];
	v13 =	vadd.f32 v13, v39;
	v15 =	vadd.f32 v15, v43;
	v43 =	vmul.f32 v36, v12  }
0x66: {  	v59 =	vld [tilespmem:s22+$0x4FB0];
	v14 =	vadd.f32 v58, v14;
	v27 =	vmul.f32 v27, v5;
	v41 =	vmul.f32 v42, v8  }
0x67: {  	v62 =	vld [tilespmem:s22+$0x5030];
	v52 =	vmul.f32 v52, v12;
	v23 =	vmul.f32 v23, v5  }
0x68: {  	v35 =	vld [tilespmem:s22+$0x4FF0];
	v16 =	vadd.f32 v53, v16;
	v56 =	vperm.xlane v13, v1;
	v46 =	vperm.xlane v14, v0  }
0x69: {  	v33 =	vld [tilespmem:s22+$0x4FE0];
	v19 =	vadd.f32 v19, v50;
	v47 =	vperm.xlane v15, v1;
	v50 =	vmul.f32 v25, v8  }
0x6a: {  	v42 =	vld [tilespmem:s22+$0x50D0];
	v55 =	vmul.f32 v57, v9;
	v53 =	vmul.f32 v54, v11;
	v13 =	vadd.f32 v13, v56  }
0x6b: {  	v25 =	vld [tilespmem:s22+$0x5060];
	v31 =	vperm.xlane v19, v1;
	v14 =	vadd.f32 v14, v46;
	v15 =	vadd.f32 v15, v47  }
0x6c: {  	v60 =	vld [tilespmem:s22+$0x5020];
	v20 =	vadd.f32 v50, v20;
	v56 =	vmul.f32 v59, v9;
	v50 =	vmul.f32 v62, v9  }
0x6d: {  	v63 =	vld [tilespmem:s22+$0x5040];
	v62 =	vmul.f32 v35, v5;
	v45 =	vperm.xlane v13, v2  }
0x6e: {  	v59 =	vld [tilespmem:s22+$0x50C0];
	v19 =	vadd.f32 v19, v31;
	v38 =	vperm.xlane v14, v1;
	v49 =	vperm.xlane v15, v2  }
0x6f: {  	v24 =	vld [tilespmem:s22+$0x51B0];
	v20 =	vadd.f32 v51, v20;
	v16 =	vadd.f32 v56, v16;
	v42 =	vmul.f32 v42, v7  }
0x70: {  	v48 =	vld [tilespmem:s22+$0x5010];
	v56 =	vmul.f32 v25, v6;
	v34 =	vperm.xlane v19, v2;
	v13 =	vadd.f32 v13, v45  }
0x71: {  	v28 =	vld [tilespmem:s22+$0x5240];
	v14 =	vadd.f32 v14, v38;
	v15 =	vadd.f32 v15, v49;
	v45 =	vmul.f32 v60, v10  }
0x72: {  	v30 =	vld [tilespmem:s22+$0x5070];
	v17 =	vadd.f32 v17, v20;
	v49 =	vmul.f32 v33, v6;
	v60 =	vmul.f32 v63, v8  }
0x73: {  	v46 =	vld [tilespmem:s22+$0x5100];
	v16 =	vadd.f32 v41, v16;
	v20 =	vmul.f32 v59, v8;
	v61 =	vperm.xlane v13, v3  }
0x74: {  	v51 =	vld [tilespmem:s22+$0x5120];
	v19 =	vadd.f32 v19, v34;
	v38 =	vperm.xlane v14, v2;
	v39 =	vperm.xlane v15, v3  }
0x75: {  	v34 =	vmul.f32 v48, v11;
	v17 =	vadd.f32 v22, v17;
	v16 =	vadd.f32 v18, v16;
	v48 =	vld [tilespmem:s22+$0x5110]  }
0x76: {  	v36 =	vld [tilespmem:s22+$0x50E0];
	v37 =	vperm.xlane v19, v3;
	v13 =	vadd.f32 v13, v61;
	v14 =	vadd.f32 v14, v38  }
0x77: {  	v54 =	vld [tilespmem:s22+$0x5130];
	v59 =	vmul.f32 v30, v5;
	v15 =	vadd.f32 v15, v39;
	v16 =	vadd.f32 v49, v16  }
0x78: {  	v63 =	vld [tilespmem:s22+$0x5150];
	v44 =	vadd.f32 v34, v43;
	v47 =	vperm.xlane v17, v0;
	v19 =	vadd.f32 v19, v37  }
0x79: {  	v61 =	vld [tilespmem:s22+$0x5140];
	v43 =	vmul.f32 v46, v12;
	v58 =	vperm.xlane v14, v3;
	v16 =	vadd.f32 v62, v16  }
0x7a: {  	v46 =	vmul.f32 v51, v10;
	v37 =	vld [tilespmem:s22+$0x5050];
	v18 =	vmul.f32 v48, v11;
	v13 =	vsel vm0, v13, v19  }
0x7b: {  	v26 =	vld [tilespmem:s22+$0x51C0];
	v14 =	vadd.f32 v14, v58;
	v29 =	vperm.xlane v16, v0;
	v13 =	vsel vm1, v13, v15  }
0x7c: {  	v48 =	vld [tilespmem:s22+$0x5200];
	v15 =	vadd.f32 v45, v44;
	v44 =	vmul.f32 v36, v6;
	v18 =	vadd.f32 v18, v43  }
0x7d: {  	v19 =	vld [tilespmem:s22+$0x50F0];
	v13 =	vsel vm2, v13, v14;
	v14 =	vadd.f32 v17, v47;
	v17 =	vadd.f32 v53, v52  }
0x7e: {  	v58 =	vld [tilespmem:s22+$0x5190];
	v16 =	vadd.f32 v16, v29;
	v47 =	vmul.f32 v54, v9;
	v52 =	vmul.f32 v61, v8  }
0x7f: {  	v41 =	vld [tilespmem:s22+$0x5160];
	v61 =	vmul.f32 v63, v7;
	v15 =	vadd.f32 v50, v15;
	v40 =	vmul.f32 v37, v7  }
0x80: {  	v53 =	vld [tilespmem:s22+$0x5220];
	v18 =	vadd.f32 v46, v18;
	v39 =	vperm.xlane v14, v1;
	v17 =	vadd.f32 v21, v17  }
0x81: {  	v32 =	vld [tilespmem:s22+$0x5250];
	v29 =	vperm.xlane v16, v1;
	v46 =	vmul.f32 v48, v12;
	v15 =	vadd.f32 v60, v15  }
0x82: {  	v57 =	vld [tilespmem:s22+$0x5180];
	v19 =	vmul.f32 v19, v5;
	v18 =	vadd.f32 v47, v18;
	v14 =	vadd.f32 v14, v39  }
0x83: {  	v60 =	vld [tilespmem:s22+$0x51A0];
	v21 =	vmul.f32 v58, v11;
	v17 =	vadd.f32 v55, v17;
	v16 =	vadd.f32 v16, v29  }
0x84: {  	v47 =	vmul.f32 v26, v8;
	v26 =	vld [tilespmem:s22+$0x52E0];
	v15 =	vadd.f32 v40, v15;
	v18 =	vadd.f32 v52, v18  }
0x85: {  	v35 =	vld [tilespmem:s22+$0x51D0];
	v40 =	vmul.f32 v41, v6;
	v48 =	vmul.f32 v53, v10;
	v17 =	vadd.f32 v20, v17  }
0x86: {  	v31 =	vld [tilespmem:s22+$0x51E0];
	v33 =	vperm.xlane v14, v2;
	v49 =	vperm.xlane v16, v2;
	v15 =	vadd.f32 v56, v15  }
0x87: {  	v25 =	vld [tilespmem:s22+$0x5280];
	v18 =	vadd.f32 v61, v18;
	v61 =	vmul.f32 v24, v9;
	v17 =	vadd.f32 v42, v17  }
0x88: {  	v20 =	vld [tilespmem:s22+$0x51F0];
	v14 =	vadd.f32 v14, v33;
	v16 =	vadd.f32 v16, v49;
	v42 =	vmul.f32 v57, v12  }
0x89: {  	v50 =	vld [tilespmem:s22+$0x5210];
	v57 =	vmul.f32 v60, v10;
	v39 =	vmul.f32 v26, v6;
	v15 =	vadd.f32 v59, v15  }
0x8a: {  	v56 =	vld [tilespmem:s22+$0x5230];
	v18 =	vadd.f32 v40, v18;
	v40 =	vmul.f32 v32, v7;
	v17 =	vadd.f32 v44, v17  }
0x8b: {  	v34 =	vld [tilespmem:s22+$0x5260];
	v54 =	vperm.xlane v14, v3;
	v62 =	vperm.xlane v16, v3;
	v21 =	vadd.f32 v21, v42  }
0x8c: {  	v38 =	vld [tilespmem:s22+$0x5270];
	v45 =	vperm.xlane v15, v0;
	v18 =	vadd.f32 v23, v18;
	v17 =	vadd.f32 v19, v17  }
0x8d: {  	v29 =	vld [tilespmem:s22+$0x52D0];
	v20 =	vmul.f32 v20, v5;
	v14 =	vadd.f32 v14, v54;
	v16 =	vadd.f32 v16, v62  }
0x8e: {  	v21 =	vadd.f32 v57, v21;
	v62 =	vld [tilespmem:s22+$0x52C0];
	v19 =	vmul.f32 v50, v11;
	v50 =	vmul.f32 v35, v7  }
0x8f: {  	v53 =	vmul.f32 v56, v9;
	v54 =	vld [tilespmem:s22+$0x5310];
	v57 =	vmul.f32 v28, v8;
	v15 =	vadd.f32 v15, v45  }
0x90: {  	v56 =	vld [tilespmem:s22+$0x5320];
	v60 =	vperm.xlane v18, v0;
	v55 =	vperm.xlane v17, v0  }
0x91: {  	v33 =	vld [tilespmem:s22+$0x52B0];
	v13 =	vsel vm3, v13, v14;
	v21 =	vadd.f32 v61, v21;
	v51 =	vperm.xlane v15, v1  }
0x92: {  	v23 =	vld [tilespmem:s22+$0x52A0];
	v13 =	vsel vm4, v13, v16;
	v18 =	vadd.f32 v18, v60;
	v16 =	vadd.f32 v19, v46  }
0x93: {  	v45 =	vld [tilespmem:s22+$0x5290];
	v17 =	vadd.f32 v17, v55;
	v21 =	vadd.f32 v47, v21;
	v55 =	vmul.f32 v31, v6  }
0x94: {  	v15 =	vadd.f32 v15, v51;
	v49 =	vperm.xlane v18, v1;
	v51 =	vld [tilespmem:s22+$0x5300];
	v46 =	vmul.f32 v54, v11  }
0x95: {  	v16 =	vadd.f32 v48, v16;
	v30 =	vmul.f32 v56, v10;
	v54 =	vld [tilespmem:s22+$0x53A0];
	v60 =	vmul.f32 v62, v8  }
0x96: {  	v56 =	vld [tilespmem:s22+$0x5450];
	v41 =	vperm.xlane v17, v1;
	v21 =	vadd.f32 v50, v21;
	v63 =	vperm.xlane v15, v2  }
0x97: {  	v50 =	vld [tilespmem:s22+$0x5380];
	v18 =	vadd.f32 v18, v49;
	v16 =	vadd.f32 v53, v16;
	v49 =	vmul.f32 v23, v10  }
0x98: {  	v47 =	vld [tilespmem:s22+$0x5370];
	v53 =	vmul.f32 v33, v9;
	v44 =	vadd.f32 v17, v41;
	v21 =	vadd.f32 v55, v21  }
0x99: {  	v23 =	vld [tilespmem:s22+$0x5570];
	v41 =	vmul.f32 v34, v6;
	v17 =	vmul.f32 v45, v11;
	v43 =	vadd.f32 v15, v63  }
0x9a: {  	v24 =	vld [tilespmem:s22+$0x53C0];
	v16 =	vadd.f32 v57, v16;
	v59 =	vperm.xlane v44, v2;
	v45 =	vmul.f32 v51, v12  }
0x9b: {  	v42 =	vld [tilespmem:s22+$0x5350];
	v20 =	vadd.f32 v20, v21;
	v54 =	vmul.f32 v54, v10;
	v56 =	vmul.f32 v56, v7  }
0x9c: {  	v63 =	vld [tilespmem:s22+$0x5340];
	v58 =	vperm.xlane v43, v3;
	v16 =	vadd.f32 v40, v16;
	v50 =	vmul.f32 v50, v12  }
0x9d: {  	v51 =	vld [tilespmem:s22+$0x5390];
	v15 =	vadd.f32 v44, v59;
	v59 =	vperm.xlane v18, v2;
	v48 =	vperm.xlane v20, v0  }
0x9e: {  	v40 =	vld [tilespmem:s22+$0x5400];
	v19 =	vadd.f32 v46, v45;
	v46 =	vmul.f32 v47, v5;
	v23 =	vmul.f32 v23, v5  }
0x9f: {  	v44 =	vld [tilespmem:s22+$0x5360];
	v14 =	vadd.f32 v43, v58;
	v43 =	vmul.f32 v25, v12;
	v16 =	vadd.f32 v41, v16  }
0xa0: {  	v45 =	vld [tilespmem:s22+$0x5420];
	v52 =	vperm.xlane v15, v3;
	v20 =	vadd.f32 v20, v48;
	v19 =	vadd.f32 v30, v19  }
0xa1: {  	v58 =	vld [tilespmem:s22+$0x5330];
	v22 =	vmul.f32 v63, v8;
	v63 =	vmul.f32 v29, v7;
	v18 =	vadd.f32 v18, v59  }
0xa2: {  	v34 =	vld [tilespmem:s22+$0x53F0];
	v51 =	vmul.f32 v51, v11;
	v15 =	vadd.f32 v15, v52;
	v52 =	vmul.f32 v38, v5  }
0xa3: {  	v47 =	vld [tilespmem:s22+$0x5430];
	v17 =	vadd.f32 v17, v43;
	v61 =	vperm.xlane v20, v1;
	v38 =	vmul.f32 v42, v7  }
0xa4: {  	v30 =	vld [tilespmem:s22+$0x53B0];
	v13 =	vsel vm5, v13, v14;
	v55 =	vperm.xlane v18, v3;
	v40 =	vmul.f32 v40, v12  }
0xa5: {  	v42 =	vld [tilespmem:s22+$0x5410];
	v17 =	vadd.f32 v49, v17;
	v41 =	vmul.f32 v44, v6;
	v21 =	vmul.f32 v45, v10  }
0xa6: {  	v49 =	vld [tilespmem:s22+$0x5440];
	v28 =	vmul.f32 v58, v9;
	v16 =	vadd.f32 v52, v16;
	v20 =	vadd.f32 v20, v61  }
0xa7: {  	v29 =	vld [tilespmem:s22+$0x53E0];
	v13 =	vsel vm6, v13, v15;
	v18 =	vadd.f32 v18, v55;
	v15 =	vadd.f32 v51, v50  }
0xa8: {  	v17 =	vadd.f32 v53, v17;
	v53 =	vld [tilespmem:s22+$0x5490];
	v19 =	vadd.f32 v28, v19;
	v62 =	vperm.xlane v16, v0  }
0xa9: {  	v28 =	vld [tilespmem:s22+$0x53D0];
	v43 =	vperm.xlane v20, v2;
	v13 =	vsel vm7, v13, v18;
	v15 =	vadd.f32 v54, v15  }
0xaa: {  	v59 =	vld [tilespmem:s22+$0x5460];
	v17 =	vadd.f32 v60, v17;
	v25 =	vmul.f32 v42, v11;
	v16 =	vadd.f32 v16, v62  }
0xab: {  	v45 =	vld [tilespmem:s22+$0x5510];
	v19 =	vadd.f32 v22, v19;
	v48 =	vadd.f32 v20, v43;
	v20 =	vmul.f32 v49, v8  }
0xac: {  	v49 =	vmul.f32 v34, v5;
	v22 =	vld [tilespmem:s22+$0x5550];
	v17 =	vadd.f32 v63, v17;
	v44 =	vperm.xlane v16, v1  }
0xad: {  	v52 =	vld [tilespmem:s22+$0x5480];
	v19 =	vadd.f32 v38, v19;
	v57 =	vperm.xlane v48, v3;
	v18 =	vmul.f32 v53, v11  }
0xae: {  	v43 =	vld [tilespmem:s22+$0x5500];
	v17 =	vadd.f32 v39, v17;
	v39 =	vmul.f32 v30, v9;
	v42 =	vmul.f32 v28, v7  }
0xaf: {  	v55 =	vld [tilespmem:s22+$0x54A0];
	v19 =	vadd.f32 v41, v19;
	v16 =	vadd.f32 v16, v44;
	v41 =	vmul.f32 v24, v8  }
0xb0: {  	v24 =	vld [tilespmem:s22+$0x54E0];
	v44 =	vmul.f32 v47, v9;
	v17 =	vadd.f32 v27, v17;
	v15 =	vadd.f32 v39, v15  }
0xb1: {  	v62 =	vld [tilespmem:s22+$0x5470];
	v22 =	vmul.f32 v22, v7;
	v19 =	vadd.f32 v46, v19;
	v58 =	vperm.xlane v16, v2  }
0xb2: {  	v14 =	vadd.f32 v48, v57;
	v46 =	vmul.f32 v29, v6;
	v29 =	vld [tilespmem:s22+$0x5700];
	v60 =	vperm.xlane v17, v0  }
0xb3: {  	v30 =	vld [tilespmem:s22+$0x54C0];
	v15 =	vadd.f32 v41, v15;
	v41 =	vmul.f32 v43, v12;
	v61 =	vperm.xlane v19, v0  }
0xb4: {  	v47 =	vld [tilespmem:s22+$0x5520];
	v16 =	vadd.f32 v16, v58;
	v58 =	vmul.f32 v59, v6;
	v17 =	vadd.f32 v17, v60  }
0xb5: {  	v43 =	vld [tilespmem:s22+$0x55B0];
	v15 =	vadd.f32 v42, v15;
	v42 =	vmul.f32 v45, v11;
	v24 =	vmul.f32 v24, v6  }
0xb6: {  	v50 =	vld [tilespmem:s22+$0x5540];
	v19 =	vadd.f32 v19, v61;
	v63 =	vperm.xlane v16, v3;
	v61 =	vmul.f32 v62, v5  }
0xb7: {  	v48 =	vld [tilespmem:s22+$0x5530];
	v13 =	vsel vm8, v13, v14;
	v31 =	vperm.xlane v17, v1;
	v29 =	vmul.f32 v29, v12  }
0xb8: {  	v33 =	vld [tilespmem:s22+$0x54B0];
	v37 =	vperm.xlane v19, v1;
	v14 =	vadd.f32 v16, v63;
	v63 =	vmul.f32 v52, v12  }
0xb9: {  	v45 =	vld [tilespmem:s22+$0x5600];
	v15 =	vadd.f32 v46, v15;
	v52 =	vmul.f32 v55, v10;
	v55 =	vmul.f32 v47, v10  }
0xba: {  	v46 =	vld [tilespmem:s22+$0x5610];
	v16 =	vadd.f32 v25, v40;
	v47 =	vmul.f32 v30, v8;
	v39 =	vmul.f32 v43, v9  }
0xbb: {  	v25 =	vld [tilespmem:s22+$0x54F0];
	v17 =	vadd.f32 v17, v31;
	v15 =	vadd.f32 v49, v15;
	v49 =	vmul.f32 v50, v8  }
0xbc: {  	v43 =	vld [tilespmem:s22+$0x5690];
	v19 =	vadd.f32 v19, v37;
	v16 =	vadd.f32 v21, v16;
	v21 =	vmul.f32 v48, v9  }
0xbd: {  	v26 =	vld [tilespmem:s22+$0x54D0];
	v13 =	vsel vm9, v13, v14;
	v31 =	vperm.xlane v17, v2;
	v59 =	vperm.xlane v15, v0  }
0xbe: {  	v50 =	vld [tilespmem:s22+$0x5620];
	v37 =	vperm.xlane v19, v2;
	v16 =	vadd.f32 v44, v16;
	v44 =	vmul.f32 v33, v9  }
0xbf: {  	v53 =	vld [tilespmem:s22+$0x55C0];
	v28 =	vmul.f32 v46, v11;
	v17 =	vadd.f32 v17, v31;
	v14 =	vadd.f32 v15, v59  }
0xc0: {  	v62 =	vld [tilespmem:s22+$0x5590];
	v15 =	vadd.f32 v18, v63;
	v59 =	vmul.f32 v45, v12;
	v25 =	vmul.f32 v25, v5  }
0xc1: {  	v38 =	vld [tilespmem:s22+$0x5660];
	v27 =	vmul.f32 v43, v11;
	v19 =	vadd.f32 v19, v37;
	v16 =	vadd.f32 v20, v16  }
0xc2: {  	v60 =	vld [tilespmem:s22+$0x5580];
	v31 =	vperm.xlane v17, v3;
	v51 =	vperm.xlane v14, v1;
	v15 =	vadd.f32 v52, v15  }
0xc3: {  	v40 =	vld [tilespmem:s22+$0x55A0];
	v63 =	vmul.f32 v50, v10;
	v18 =	vadd.f32 v28, v59;
	v16 =	vadd.f32 v56, v16  }
0xc4: {  	v48 =	vld [tilespmem:s22+$0x55E0];
	v37 =	vperm.xlane v19, v3;
	v57 =	vadd.f32 v17, v31;
	v14 =	vadd.f32 v14, v51  }
0xc5: {  	v20 =	vmul.f32 v62, v11;
	v52 =	vld [tilespmem:s22+$0x55F0];
	v15 =	vadd.f32 v44, v15;
	v18 =	vadd.f32 v63, v18  }
0xc6: {  	v62 =	vld [tilespmem:s22+$0x5650];
	v51 =	vmul.f32 v26, v7;
	v19 =	vadd.f32 v19, v37;
	v16 =	vadd.f32 v58, v16  }
0xc7: {  	v17 =	vld [tilespmem:s22+$0x5560];
	v13 =	vsel vm10, v13, v57;
	v36 =	vperm.xlane v14, v2;
	v15 =	vadd.f32 v47, v15  }
0xc8: {  	v58 =	vld [tilespmem:s22+$0x5630];
	v57 =	vmul.f32 v60, v12;
	v13 =	vsel vm11, v13, v19;
	v16 =	vadd.f32 v61, v16  }
0xc9: {  	v56 =	vld [tilespmem:s22+$0x55D0];
	v19 =	vadd.f32 v42, v41;
	v61 =	vmul.f32 v40, v10;
	v42 =	vmul.f32 v53, v8  }
0xca: {  	v60 =	vld [tilespmem:s22+$0x5640];
	v59 =	vmul.f32 v52, v5;
	v15 =	vadd.f32 v51, v15;
	v20 =	vadd.f32 v20, v57  }
0xcb: {  	v63 =	vld [tilespmem:s22+$0x5710];
	v57 =	vmul.f32 v48, v6;
	v14 =	vadd.f32 v14, v36;
	v54 =	vperm.xlane v16, v0  }
0xcc: {  	v40 =	vld [tilespmem:s22+$0x5670];
	v19 =	vadd.f32 v55, v19;
	v17 =	vmul.f32 v17, v6;
	v55 =	vmul.f32 v62, v7  }
0xcd: {  	v20 =	vadd.f32 v61, v20;
	v41 =	vmul.f32 v58, v9;
	v15 =	vadd.f32 v24, v15  }
0xce: {  	v50 =	vld [tilespmem:s22+$0x5740];
	v58 =	vmul.f32 v38, v6;
	v48 =	vperm.xlane v14, v3;
	v16 =	vadd.f32 v16, v54  }
0xcf: {  	v45 =	vld [tilespmem:s22+$0x5720];
	v19 =	vadd.f32 v21, v19;
	v53 =	vmul.f32 v60, v8;
	v54 =	vmul.f32 v56, v7  }
0xd0: {  	v24 =	vld [tilespmem:s22+$0x56A0];
	v21 =	vmul.f32 v63, v11;
	v20 =	vadd.f32 v39, v20;
	v18 =	vadd.f32 v41, v18  }
0xd1: {  	v28 =	vld [tilespmem:s22+$0x5680];
	v15 =	vadd.f32 v25, v15;
	v60 =	vmul.f32 v40, v5;
	v14 =	vadd.f32 v14, v48  }
0xd2: {  	v25 =	vld [tilespmem:s22+$0x56E0];
	v37 =	vperm.xlane v16, v1;
	v19 =	vadd.f32 v49, v19;
	v21 =	vadd.f32 v21, v29  }
0xd3: {  	v47 =	vld [tilespmem:s22+$0x5730];
	v48 =	vmul.f32 v50, v8;
	v20 =	vadd.f32 v42, v20;
	v18 =	vadd.f32 v53, v18  }
0xd4: {  	v29 =	vld [tilespmem:s22+$0x57F0];
	v61 =	vperm.xlane v15, v0;
	v19 =	vadd.f32 v22, v19;
	v16 =	vadd.f32 v16, v37  }
0xd5: {  	v22 =	vld [tilespmem:s22+$0x56C0];
	v24 =	vmul.f32 v24, v10;
	v20 =	vadd.f32 v54, v20;
	v18 =	vadd.f32 v55, v18  }
0xd6: {  	v37 =	vld [tilespmem:s22+$0x5770];
	v15 =	vadd.f32 v15, v61;
	v17 =	vadd.f32 v17, v19;
	v44 =	vperm.xlane v16, v2  }
0xd7: {  	v30 =	vld [tilespmem:s22+$0x56D0];
	v19 =	vmul.f32 v45, v10;
	v50 =	vmul.f32 v25, v6;
	v20 =	vadd.f32 v57, v20  }
0xd8: {  	v61 =	vld [tilespmem:s22+$0x57A0];
	v18 =	vadd.f32 v58, v18;
	v51 =	vperm.xlane v15, v1;
	v17 =	vadd.f32 v23, v17  }
0xd9: {  	v33 =	vld [tilespmem:s22+$0x5760];
	v16 =	vadd.f32 v16, v44;
	v19 =	vadd.f32 v19, v21;
	v44 =	vmul.f32 v47, v9  }
0xda: {  	v31 =	vld [tilespmem:s22+$0x5750];
	v18 =	vadd.f32 v60, v18;
	v60 =	vmul.f32 v28, v12;
	v22 =	vmul.f32 v22, v8  }
0xdb: {  	v23 =	vld [tilespmem:s22+$0x56B0];
	v20 =	vadd.f32 v59, v20;
	v42 =	vmul.f32 v37, v5;
	v37 =	vmul.f32 v29, v5  }
0xdc: {  	v21 =	vld [tilespmem:s22+$0x5850];
	v15 =	vadd.f32 v15, v51;
	v56 =	vperm.xlane v17, v0;
	v53 =	vperm.xlane v16, v3  }
0xdd: {  	v13 =	vsel vm12, v13, v14;
	v45 =	vld [tilespmem:s22+$0x5810];
	v61 =	vmul.f32 v61, v10;
	v46 =	vperm.xlane v20, v0  }
0xde: {  	v59 =	vld [tilespmem:s22+$0x5790];
	v49 =	vperm.xlane v18, v0;
	v57 =	vperm.xlane v15, v2;
	v17 =	vadd.f32 v17, v56  }
0xdf: {  	v26 =	vld [tilespmem:s22+$0x56F0];
	v14 =	vadd.f32 v16, v53;
	v53 =	vmul.f32 v31, v7;
	v20 =	vadd.f32 v20, v46  }
0xe0: {  	v43 =	vld [tilespmem:s22+$0x5800];
	v18 =	vadd.f32 v18, v49;
	v23 =	vmul.f32 v23, v9;
	v46 =	vmul.f32 v30, v7  }
0xe1: {  	vm15 =	vcmask $0x324;
	v56 =	vld [tilespmem:s22+$0x5780];
	v21 =	vmul.f32 v21, v7;
	v62 =	vperm.xlane v17, v1  }
0xe2: {  	v38 =	vld [tilespmem:s22+$0x57D0];
	v15 =	vadd.f32 v15, v57;
	v54 =	vperm.xlane v20, v1;
	v55 =	vperm.xlane v18, v1  }
0xe3: {  	v49 =	vld [tilespmem:s22+$0x5830];
	v57 =	vmul.f32 v59, v11;
	v59 =	vmul.f32 v45, v11;
	v17 =	vadd.f32 v17, v62  }
0xe4: {  	v47 =	vld [tilespmem:s22+$0x5820];
	v20 =	vadd.f32 v20, v54;
	v16 =	vadd.f32 v18, v55;
	v54 =	vmul.f32 v26, v5  }
0xe5: {  	v18 =	vadd.f32 v27, v60;
	v27 =	vld [tilespmem:s22+$0x57C0];
	v55 =	vmul.f32 v33, v6;
	v52 =	vperm.xlane v17, v2  }
0xe6: {  	v19 =	vadd.f32 v44, v19;
	v56 =	vmul.f32 v56, v12;
	v60 =	vld [tilespmem:s22+$0x5880];
	v62 =	vperm.xlane v20, v2  }
0xe7: {  	v51 =	vld [tilespmem:s22+$0x5840];
	v40 =	vperm.xlane v16, v2;
	v18 =	vadd.f32 v24, v18;
	v17 =	vadd.f32 v17, v52  }
0xe8: {  	v39 =	vld [tilespmem:s22+$0x57B0];
	v45 =	vmul.f32 v49, v9;
	v52 =	vadd.f32 v48, v19;
	v19 =	vadd.f32 v57, v56  }
0xe9: {  	v24 =	vld [tilespmem:s22+$0x57E0];
	v20 =	vadd.f32 v20, v62;
	v16 =	vadd.f32 v16, v40;
	v40 =	vmul.f32 v47, v10  }
0xea: {  	v44 =	vld [tilespmem:s22+$0x5910];
	v18 =	vadd.f32 v23, v18;
	v58 =	vperm.xlane v17, v3;
	v47 =	vmul.f32 v27, v8  }
0xeb: {  	v62 =	vld [tilespmem:s22+$0x5890];
	v19 =	vadd.f32 v61, v19;
	v49 =	vmul.f32 v60, v12;
	v63 =	vperm.xlane v20, v3  }
0xec: {  	v26 =	vld [tilespmem:s22+$0x5860];
	v41 =	vperm.xlane v16, v3;
	v18 =	vadd.f32 v22, v18;
	v22 =	vmul.f32 v51, v8  }
0xed: {  	v33 =	vld [tilespmem:s22+$0x5870];
	v17 =	vadd.f32 v17, v58;
	v58 =	vmul.f32 v43, v12;
	v43 =	vmul.f32 v39, v9  }
0xee: {  	v48 =	vld [tilespmem:s22+$0x5920];
	v61 =	vmul.f32 v24, v6;
	v20 =	vadd.f32 v20, v63;
	v16 =	vadd.f32 v16, v41  }
0xef: {  	v18 =	vadd.f32 v46, v18;
	v41 =	vld [tilespmem:s22+$0x5900];
	v17 =	vnsel vm0, $0x0, v17;
	v19 =	vadd.f32 v43, v19  }
0xf0: {  	v46 =	vld [tilespmem:s22+$0x58A0];
	v51 =	vmul.f32 v62, v11;
	v11 =	vmul.f32 v44, v11;
	v17 =	vsel vm15, v17, v20  }
0xf1: {  	v57 =	vld [tilespmem:s22+$0x58D0];
	vm15 =	vcmask $0x724;
	v18 =	vadd.f32 v50, v18;
	v20 =	vadd.f32 v59, v58  }
0xf2: {  	v62 =	vld [tilespmem:s22+$0x58E0];
	v16 =	vsel vm15, v17, v16;
	v17 =	vadd.f32 v53, v52;
	v19 =	vadd.f32 v47, v19  }
0xf3: {  	v50 =	vld [tilespmem:s22+$0x58B0];
	v53 =	vmul.f32 v38, v7;
	v23 =	vadd.f32 v51, v49;
	v38 =	vmul.f32 v33, v5  }
0xf4: {  	v52 =	vld [tilespmem:s22+$0x5930];
	vm15 =	vcmask $0xB24;
	v18 =	vadd.f32 v54, v18;
	v20 =	vadd.f32 v40, v20  }
0xf5: {  	v54 =	vld [tilespmem:s22+$0x58C0];
	v17 =	vadd.f32 v55, v17;
	v12 =	vmul.f32 v41, v12;
	v55 =	vmul.f32 v46, v10  }
0xf6: {  	v56 =	vld [tilespmem:s22+$0x5940];
	v19 =	vadd.f32 v53, v19;
	v10 =	vmul.f32 v48, v10;
	v20 =	vadd.f32 v45, v20  }
0xf7: {  	v60 =	vld [tilespmem:s22+$0x5950];
	v63 =	vperm.xlane v18, v0;
	v17 =	vadd.f32 v42, v17;
	v11 =	vadd.f32 v11, v12  }
0xf8: {  	v30 =	vld [tilespmem:s22+$0x5960];
	v39 =	vmul.f32 v62, v6;
	v58 =	vadd.f32 v55, v23;
	v20 =	vadd.f32 v22, v20  }
0xf9: {  	v59 =	vmul.f32 v50, v9;
	v9 =	vmul.f32 v52, v9;
	v10 =	vadd.f32 v10, v11  }
0xfa: {  	v12 =	vmul.f32 v57, v7;
	v28 =	vmul.f32 v54, v8;
	v20 =	vadd.f32 v21, v20  }
0xfb: {  	v32 =	vld [tilespmem:s22+$0x58F0];
	v8 =	vmul.f32 v56, v8;
	v21 =	vadd.f32 v59, v58;
	v9 =	vadd.f32 v9, v10  }
0xfc: {  	v7 =	vmul.f32 v60, v7;
	v18 =	vadd.f32 v18, v63;
	v63 =	vmul.f32 v26, v6  }
0xfd: {  	v36 =	vld [tilespmem:s22+$0x5970];
	v6 =	vmul.f32 v30, v6;
	v35 =	vadd.f32 v28, v21;
	v8 =	vadd.f32 v8, v9  }
0xfe: {  	v11 =	vadd.f32 v61, v19;
	v42 =	vperm.xlane v18, v1;
	v34 =	vadd.f32 v63, v20  }
0xff: {  	v59 =	vperm.xlane v15, v3;
	v12 =	vadd.f32 v12, v35;
	v7 =	vadd.f32 v7, v8  }
0x100: {  	v10 =	vmul.f32 v32, v5;
	v9 =	vadd.f32 v37, v11;
	v40 =	vadd.f32 v38, v34  }
0x101: {  	v41 =	vadd.f32 v39, v12;
	v6 =	vadd.f32 v6, v7;
	v7 =	vperm.xlane v17, v0  }
0x102: {  	v5 =	vmul.f32 v36, v5;
	v43 =	vperm.xlane v9, v0;
	v12 =	vadd.f32 v15, v59  }
0x103: {  	v44 =	vperm.xlane v40, v0;
	v10 =	vadd.f32 v10, v41;
	v7 =	vadd.f32 v17, v7  }
0x104: {  	v63 =	vsel vm13, v13, v14;
	v9 =	vadd.f32 v9, v43;
	v5 =	vadd.f32 v5, v6  }
0x105: {  	v8 =	vadd.f32 v40, v44;
	v45 =	vperm.xlane v10, v0;
	v46 =	vperm.xlane v7, v1  }
0x106: {  	v6 =	vadd.f32 v18, v42;
	v48 =	vperm.xlane v9, v1;
	v47 =	vperm.xlane v5, v0  }
0x107: {  	v49 =	vperm.xlane v8, v1;
	v10 =	vadd.f32 v10, v45;
	v7 =	vadd.f32 v7, v46  }
0x108: {  	v18 =	vperm.xlane v6, v2;
	v9 =	vadd.f32 v9, v48;
	v5 =	vadd.f32 v5, v47  }
0x109: {  	v8 =	vadd.f32 v8, v49;
	v50 =	vperm.xlane v10, v1;
	v51 =	vperm.xlane v7, v2  }
0x10a: {  	v6 =	vadd.f32 v6, v18;
	v53 =	vperm.xlane v9, v2;
	v52 =	vperm.xlane v5, v1  }
0x10b: {  	v54 =	vperm.xlane v8, v2;
	v10 =	vadd.f32 v10, v50;
	v7 =	vadd.f32 v7, v51  }
0x10c: {  	v18 =	vperm.xlane v6, v3;
	v9 =	vadd.f32 v9, v53;
	v5 =	vadd.f32 v5, v52  }
0x10d: {  	v8 =	vadd.f32 v8, v54;
	v55 =	vperm.xlane v10, v2;
	v17 =	vperm.xlane v7, v3  }
0x10e: {  	v6 =	vadd.f32 v6, v18;
	v57 =	vperm.xlane v9, v3;
	v56 =	vperm.xlane v5, v2  }
0x10f: {  	v58 =	vperm.xlane v8, v3;
	v10 =	vadd.f32 v10, v55;
	v7 =	vadd.f32 v7, v17  }
0x110: {  	v6 =	vsel vm15, v16, v6;
	vm15 =	vcmask $0xF24;
	v5 =	vadd.f32 v5, v56  }
0x111: {  	v9 =	vadd.f32 v9, v57;
	v60 =	vperm.xlane v10, v3;
	v6 =	vsel vm15, v6, v7  }
0x112: {  	p0 =	sne.s32 s20, $0x7;
	v7 =	vadd.f32 v8, v58;
	v61 =	vperm.xlane v5, v3;
	vm15 =	vcmask $0x1324  }
.Ltmp0:
0x113: {  	v6 =	vsel vm15, v6, v9;
	v62 =	vadd.f32 v10, v60;
	vm15 =	vcmask $0x1724;
	(pc) =	sbr.rel @p0 .LBB2_3-.Ltmp0, $4  }
0x114: {  	v6 =	vsel vm15, v6, v7;
	v5 =	vadd.f32 v5, v61;
	vm15 =	vcmask $0x1B24  }
0x115: {  	v7 =	vsel vm14, v63, v12;
	v6 =	vsel vm15, v6, v62;
	vm15 =	vcmask $0x1F24  }
0x116: {  	[tilespmem:v4+s21+$0xB100 ss:$0x1] =	vst.idx.msk $0xffff, v7;
	v5 =	vsel vm15, v6, v5  }
0x117: {  	s20 =	sadd.s32 $0x1, s20;
	[tilespmem:v4+s21+$0xB110 ss:$0x1] =	vst.idx.msk $0xffff, v5  }
0x118: {  	s19 =	sadd.s32 $0x1, s19  }
0x119: {  	p0 =	sne.s32 s19, $0x10  }
.Ltmp1:
0x11a: {  	_ = 	snop;
	(pc) =	sbr.rel @p0 .LBB2_2-.Ltmp1, $1  }
0x11b: {  	_ =	sdelay $0x3  }
0x11c: {  	s18 =	sadd.s32 $0x1, s18  }
0x11d: {  	p0 =	sne.s32 s18, s8  }
.Ltmp2:
0x11e: {  	_ = 	snop;
	(pc) =	sbr.rel @p0 .LBB2_1-.Ltmp2, $4  }
0x11f: {  	[hbm4b:s7+s2] =	stream.linear.scatter [tilespmem:s17], [sflag:$0x2], $0x4000, $0x38;
	[tilespmem:$0xF100] =	vst v63  }
0x120: {  	_ =	swait.ge [sflag:s9], $0x4000  }
0x121: {  	[sflag:s9] =	ssyncset.done $0x0  }
0x122: {  	[sflag:s9] =	ssyncadd.s32 $0xFFFFC000  }
0x123: {  	_ =	sfence.sel $0x180000  }
0x124: {  	[bflag:$0x0] =	sbarrier.arrive $0xFFFF  }
0x125: {  	p0 =	sne.s32 s0, $0x0;
	_ =	strace $0x90000047  }
0x126: {  	s0 =	sadd.s32 @!p0 $0x100000, s1;
	[bflag:$0x2] =	sbarrier.arrive $0xFFFF  }
0x127: {  	[sflag:s0] =	ssyncadd.tile.s32 @!p0 $0x1;
	_ =	shalt  }
.Lfunc_end2:
_tile_overlayer_lowered:
.L_overlay_start_2:
0x128: {  	(tag) =	ssettag $0x2  }
0x129: {  	s0 =	rddreg [dreg:$0x0];
	s2 =	stileid.u32  }
0x12a: {  	s1 =	rddreg [dreg:$0x1];
	p0 =	sne.s32 s2, $0x0  }
0x12b: {  	s3 =	rddreg [dreg:$0x2];
	[bflag:$0x3] =	sbarrier.arrive $0xFFFF;
	s2 =	simm.s32 @!p0 $0x1C02  }
0x12c: {  	[timem:s3], [sflag:s2] =	dma.local @!p0 [hbm:s0], s1  }
0x12d: {  	s0 =	simm.s32 @!p0 $0x2  }
0x12e: {  	_ =	swait.ge @!p0 [sflag:s0], s1  }
0x12f: {  	s1 =	ssub.s32 @!p0 $0x0, s1;
	[sflag:s0] =	ssyncset.done @!p0 $0x0  }
0x130: {  	[sflag:s0] =	ssyncadd.s32 @!p0 s1  }
0x131: {  	[bflag:$0x3] =	sbarrier.arrive $0xFFFF  }
0x132: {  	_ =	shalt  }

</sc_bundles>
